<compile_context>
chip_gen: v7x
topology: tpu7x:2x2x1
jax: 0.10.2.dev20260603
libtpu: 0.0.44.dev20260713+nightly
codegen_flags: <defaults>
</compile_context>

<pallas_src>
import functools

import jax
import jax.numpy as jnp
from jax import lax
from jax.experimental import pallas as pl
from jax.experimental.pallas import tpu as pltpu
from jax.experimental.pallas import tpu_sc as plsc

N = 10000
E = 320000
D = 128
ROOT = 2048

NC, NS = 2, 16
NW = NC * NS
C = 128
K = 80
EPAD = NW * K * C
FAST_C = 0
KA = 146
KB = 2 * K - KA

NR0 = 10240
RPT0 = NR0 // NS
DUMP0 = N
NR1 = 2176
RPT1 = NR1 // NS
DUMP1 = ROOT


def _make_seg_sum(nr, rpt, with_cnt, filt=False, ka=KA, kb=KB):
    mesh = plsc.VectorSubcoreMesh(
        core_axis_name="c", subcore_axis_name="s",
        num_cores=NC, num_subcores=NS)
    qr = nr // C

    outs = [jax.ShapeDtypeStruct((NC, nr, D), jnp.float32)]
    scratch = [
        pltpu.VMEM((2, C), jnp.int32),
        pltpu.VMEM((2, C), jnp.int32),
        pltpu.VMEM((2, C, D), jnp.float32),
        pltpu.VMEM_SHARED((nr, D), jnp.float32),
        pltpu.SemaphoreType.DMA,
        pltpu.SemaphoreType.DMA,
        pltpu.SemaphoreType.DMA,
        pltpu.SemaphoreType.DMA,
    ]
    if with_cnt:
        outs.append(jax.ShapeDtypeStruct((NC, qr, C), jnp.float32))
        scratch += [
            pltpu.VMEM((qr, C), jnp.float32),
            pltpu.VMEM((qr,), jnp.int32),
            pltpu.VMEM_SHARED((qr, C), jnp.float32),
        ]
    if filt:
        scratch += [
            pltpu.VMEM((ka * C + 2 * C,), jnp.int32),
            pltpu.VMEM((ka * C + 2 * C,), jnp.int32),
            pltpu.VMEM((ka + 1, C), jnp.int32),
        ]

    @functools.partial(
        pl.kernel, out_type=tuple(outs), mesh=mesh,
        scratch_types=scratch,
        compiler_params=pltpu.CompilerParams(needs_layout_passes=False),
    )
    def seg(table, srcs, dsts, zrows, *rest):
        if with_cnt:
            (out, cnt_out, src_v, dst_v, rows_v, accum, semg0, semg1,
             semis, semid, cnt_v, idr_v, cnt_sh) = rest
        elif filt:
            (out, src_v, dst_v, rows_v, accum, semg0, semg1,
             semis, semid, sfil, dfil, dfil2) = rest
        else:
            (out, src_v, dst_v, rows_v, accum, semg0, semg1,
             semis, semid) = rest
        semg = (semg0, semg1)
        c = lax.axis_index("c")
        s = lax.axis_index("s")
        fast = c == FAST_C
        kc = jnp.where(fast, ka, kb)
        ebase = jnp.where(fast, s * ka, NS * ka + s * kb) * C

        def idx_copies(j, b):
            return (
                pltpu.make_async_copy(
                    srcs.at[pl.ds(ebase + j * C, C)], src_v.at[b], semis),
                pltpu.make_async_copy(
                    dsts.at[pl.ds(ebase + j * C, C)], dst_v.at[b], semid),
            )

        def gather_copy(j, b):
            del j
            return pltpu.make_async_copy(
                table.at[src_v.at[b]], rows_v.at[b], semg[b])

        pltpu.sync_copy(zrows, rows_v.at[0])
        base = s * rpt
        for q in range(rpt // C):
            pltpu.sync_copy(rows_v.at[0], accum.at[pl.ds(base + q * C, C)])
        rem = rpt % C
        if rem:
            pltpu.sync_copy(rows_v.at[0, pl.ds(0, rem)],
                            accum.at[pl.ds(base + (rpt // C) * C, rem)])
        if with_cnt:
            pltpu.sync_copy(zrows.at[pl.ds(0, qr)], cnt_v)
            for q in range(qr // 16):
                idr_v[pl.ds(q * 16, 16)] = (
                    lax.iota(jnp.int32, 16) + q * 16)

            @pl.when(s == 0)
            def _():
                pltpu.sync_copy(zrows.at[pl.ds(0, qr)], cnt_sh)

        plsc.subcore_barrier()

        ones = jnp.ones((16,), jnp.float32)

        def count_chunk(b):
            def cstep(i, carry):
                idx = dst_v[b, pl.ds(i * 16, 16)]
                hi = lax.shift_right_logical(idx, 7)
                lo = lax.bitwise_and(idx, 127)
                plsc.addupdate_scatter(cnt_v, [hi, lo], ones)
                return carry
            lax.fori_loop(0, C // 16, cstep, 0)

        if not filt:
            @pl.when(kc > 0)
            def _():
                for d in idx_copies(0, 0):
                    d.start()
                for d in idx_copies(0, 0):
                    d.wait()
                gather_copy(0, 0).start()
                for d in idx_copies(1, 1):
                    d.start()

            def half(j, b):
                nb = 1 - b
                gather_copy(j, b).wait()

                @pl.when(j + 1 < kc)
                def _():
                    for d in idx_copies(j + 1, nb):
                        d.wait()
                    gather_copy(j + 1, nb).start()

                if with_cnt:
                    count_chunk(b)
                pltpu.sync_copy(rows_v.at[b], accum.at[dst_v.at[b]],
                                add=True)

                @pl.when(j + 2 < kc)
                def _():
                    for d in idx_copies(j + 2, b):
                        d.start()

            def round_(r, carry):
                half(2 * r, 0)
                half(2 * r + 1, 1)
                return carry

            lax.fori_loop(0, kc // 2, round_, 0)
        else:
            @pl.when(kc > 0)
            def _():
                for d in idx_copies(0, 0):
                    d.start()

            def fhalf(j, b, n):
                nb = 1 - b
                for d in idx_copies(j, b):
                    d.wait()

                @pl.when(j + 1 < kc)
                def _():
                    for d in idx_copies(j + 1, nb):
                        d.start()

                def cstep(i, n):
                    svec = src_v[b, pl.ds(i * 16, 16)]
                    dvec = dst_v[b, pl.ds(i * 16, 16)]
                    mask = dvec < DUMP1
                    plsc.store_compressed(
                        sfil.at[pl.ds(n, 16)], svec, mask=mask)
                    plsc.store_compressed(
                        dfil.at[pl.ds(n, 16)], dvec, mask=mask)
                    return n + plsc.all_reduce_population_count(mask)[0]

                return lax.fori_loop(0, C // 16, cstep, n)

            def fround(r, n):
                n = fhalf(2 * r, 0, n)
                n = fhalf(2 * r + 1, 1, n)
                return n

            n = lax.fori_loop(0, kc // 2, fround, jnp.int32(0))

            zeros16 = jnp.zeros((16,), jnp.int32)
            dump16 = jnp.full((16,), DUMP1, jnp.int32)
            for t in range(C // 16):
                sfil[pl.ds(n + t * 16, 16)] = zeros16
                dfil[pl.ds(n + t * 16, 16)] = dump16
            nch = (n + C - 1) // C

            def rstep(q, carry):
                def ristep(i, carry2):
                    dfil2[q, pl.ds(i * 16, 16)] = (
                        dfil[pl.ds(q * C + i * 16, 16)])
                    return carry2
                return lax.fori_loop(0, C // 16, ristep, carry)

            lax.fori_loop(0, nch, rstep, 0)

            def gather_f(j, b):
                return pltpu.make_async_copy(
                    table.at[sfil.at[pl.ds(j * C, C)]], rows_v.at[b],
                    semg[b])

            @pl.when(nch > 0)
            def _():
                gather_f(0, 0).start()

            def mhalf(j, b):
                nb = 1 - b
                gather_f(j, b).wait()

                @pl.when(j + 1 < nch)
                def _():
                    gather_f(j + 1, nb).start()

                pltpu.sync_copy(rows_v.at[b], accum.at[dfil2.at[j]],
                                add=True)

            def mround(r, carry):
                mhalf(2 * r, 0)

                @pl.when(2 * r + 1 < nch)
                def _():
                    mhalf(2 * r + 1, 1)
                return carry

            lax.fori_loop(0, (nch + 1) // 2, mround, 0)
        if with_cnt:
            pltpu.sync_copy(cnt_v, cnt_sh.at[idr_v], add=True)
        plsc.subcore_barrier()

        pltpu.sync_copy(accum.at[pl.ds(base, rpt)],
                        out.at[c, pl.ds(base, rpt)])
        if with_cnt:
            @pl.when(s < qr // 8)
            def _():
                pltpu.sync_copy(cnt_sh.at[pl.ds(s * 8, 8)],
                                cnt_out.at[c, pl.ds(s * 8, 8)])

    return seg


_make_seg_sum = functools.lru_cache(maxsize=None)(_make_seg_sum)


def _make_dense(rows, blk, relu):
    nb = rows // blk

    def body(s0, s1, c0, c1, xr, wl, bl, wr, o):
        cnt = jnp.maximum(c0[...] + c1[...], 1.0)
        mean = (s0[...] + s1[...]) / cnt
        h = jnp.dot(mean, wl[...], preferred_element_type=jnp.float32)
        h = h + jnp.dot(xr[...], wr[...], preferred_element_type=jnp.float32)
        h = h + bl[...]
        o[...] = jnp.maximum(h, 0.0) if relu else h

    rb = pl.BlockSpec((blk, D), lambda i: (i, 0))
    cb = pl.BlockSpec((blk, 1), lambda i: (i, 0))
    wb = pl.BlockSpec((D, D), lambda i: (0, 0))
    bb = pl.BlockSpec((1, D), lambda i: (0, 0))
    return pl.pallas_call(
        body,
        grid=(nb,),
        in_specs=[rb, rb, cb, cb, rb, wb, bb, wb],
        out_specs=rb,
        out_shape=jax.ShapeDtypeStruct((rows, D), jnp.float32),
    )


_dense0 = _make_dense(N, 1000, True)
_dense1 = _make_dense(ROOT, 1024, False)


def kernel(x, nbrs, num_root, Wl0, bl0, Wr0, Wl1, bl1, Wr1):
    src = nbrs[0]
    dst = nbrs[1]
    pad = EPAD - E

    srcp = jnp.concatenate([src, jnp.zeros((pad,), jnp.int32)])
    dst0p = jnp.concatenate([dst, jnp.full((pad,), DUMP0, jnp.int32)])

    z = jnp.zeros((C, D), jnp.float32)

    p0, cnt = _make_seg_sum(NR0, RPT0, True)(x, srcp, dst0p, z)
    c0 = cnt[0].reshape(NR0, 1)[:N]
    c1 = cnt[1].reshape(NR0, 1)[:N]
    h = _dense0(p0[0, :N], p0[1, :N], c0, c1,
                x, Wl0.T, bl0.reshape(1, D), Wr0.T)

    (p1,) = _make_seg_sum(NR1, RPT1, False, filt=True,
                          ka=104, kb=56)(h, srcp, dst0p, z)
    out = _dense1(p1[0, :ROOT], p1[1, :ROOT], c0[:ROOT], c1[:ROOT],
                  h[:ROOT], Wl1.T, bl1.reshape(1, D), Wr1.T)
    return out

# --- scband reference (transcript-rebuilt; emitter-appended) ---
"""Pipeline reference for scband-sage-66297115181594 (READ-ONLY COPY).

The authoritative reference and input builder live on the scoring server;
editing this copy changes nothing except your own understanding.
"""

import jax, jax.numpy as jnp
import numpy as np

N_NODES = 10000
N_EDGES = 320000
D = 128
NUM_ROOT = 2048


def setup_inputs(seed: int = 0) -> dict:
    key = jax.random.key(seed)
    ks = jax.random.split(key, 10)
    x = jax.random.normal(ks[0], (N_NODES, D), dtype=jnp.float32)
    nbrs = jax.random.randint(ks[1], (2, N_EDGES), 0, N_NODES, dtype=jnp.int32)
    s = 1.0 / np.sqrt(D)
    # SAGEConv layer 0 params (lin_l: neighbor path with bias, lin_r: root path no bias)
    Wl0 = jax.random.normal(ks[2], (D, D), dtype=jnp.float32) * s
    bl0 = jnp.zeros((D,), dtype=jnp.float32)
    Wr0 = jax.random.normal(ks[3], (D, D), dtype=jnp.float32) * s
    # SAGEConv layer 1 params
    Wl1 = jax.random.normal(ks[4], (D, D), dtype=jnp.float32) * s
    bl1 = jnp.zeros((D,), dtype=jnp.float32)
    Wr1 = jax.random.normal(ks[5], (D, D), dtype=jnp.float32) * s
    return {
        "x": x,
        "nbrs": nbrs,
        "num_root": NUM_ROOT,
        "Wl0": Wl0,
        "bl0": bl0,
        "Wr0": Wr0,
        "Wl1": Wl1,
        "bl1": bl1,
        "Wr1": Wr1,
    }


def _sage_conv(x, src, dst, Wl, bl, Wr):
    # PyG SAGEConv with mean aggregation and root_weight=True:
    # out = lin_l(mean_{j in N(i)} x_j) + lin_r(x_i)
    msg = x[src]  # gather source node features per edge
    agg = jax.ops.segment_sum(msg, dst, num_segments=N_NODES)
    cnt = jax.ops.segment_sum(jnp.ones((src.shape[0],), dtype=x.dtype), dst, num_segments=N_NODES)
    mean = agg / jnp.maximum(cnt, 1.0)[:, None]
    return mean @ Wl.T + bl + x @ Wr.T


def reference(x, nbrs, num_root, Wl0, bl0, Wr0, Wl1, bl1, Wr1):
    src = nbrs[0]
    dst = nbrs[1]
    h = _sage_conv(x, src, dst, Wl0, bl0, Wr0)
    h = jax.nn.relu(h)
    h = _sage_conv(h, src, dst, Wl1, bl1, Wr1)
    start = num_root * 0
    return jax.lax.dynamic_slice(h, (start, start), (NUM_ROOT, D))

if __name__ == "__main__":
    import jax
    _d = setup_inputs()
    print(jax.jit(kernel)(*tuple(_d.values())))

</pallas_src>

<mosaic_0001>
#map = affine_map<(d0, d1) -> (0, 0)>
#map1 = affine_map<(d0, d1) -> (0)>
#map2 = affine_map<(d0, d1) -> (0, 0, 0)>
module attributes {stable_mosaic.version = 14 : i64} {
  func.func @seg(%arg0: i32, %arg1: i32, %arg2: memref<10000x128xf32, #tpu.memory_space<hbm>>, %arg3: memref<327680xi32, #tpu.memory_space<hbm>>, %arg4: memref<327680xi32, #tpu.memory_space<hbm>>, %arg5: memref<128x128xf32, #tpu.memory_space<hbm>>, %arg6: memref<2x2176x128xf32, #tpu.memory_space<hbm>>, %arg7: memref<2x128xi32, #tpu.memory_space<vmem>>, %arg8: memref<2x128xi32, #tpu.memory_space<vmem>>, %arg9: memref<2x128x128xf32, #tpu.memory_space<vmem>>, %arg10: memref<2176x128xf32, #tpu.memory_space<vmem_shared>>, %arg11: memref<!tpu.dma_semaphore, #tpu.memory_space<semaphore_mem>>, %arg12: memref<!tpu.dma_semaphore, #tpu.memory_space<semaphore_mem>>, %arg13: memref<!tpu.dma_semaphore, #tpu.memory_space<semaphore_mem>>, %arg14: memref<!tpu.dma_semaphore, #tpu.memory_space<semaphore_mem>>, %arg15: memref<13568xi32, #tpu.memory_space<vmem>>, %arg16: memref<13568xi32, #tpu.memory_space<vmem>>, %arg17: memref<105x128xi32, #tpu.memory_space<vmem>>) attributes {dimension_semantics = [#tpu.dimension_semantics<core_parallel>, #tpu.dimension_semantics<subcore_parallel>], iteration_bounds = array<i64: 2, 16>, scalar_prefetch = 0 : i64, scratch_operands = 11 : i64, tpu.core_type = #tpu.core_type<sc_vector_subcore>, window_params = [{transform_indices = #map}, {transform_indices = #map1}, {transform_indices = #map1}, {transform_indices = #map}, {transform_indices = #map2}]} {
    %eq3A = arith.constant 0 : i32
    %eq3A_0 = arith.cmpi eq, %arg0, %eq3A : i32
    %jit3A = arith.constant 104 : i32
    %jit3A_1 = arith.constant 56 : i32
    %select_n3A = arith.select %eq3A_0, %jit3A, %jit3A_1 : i32
    %mul3A = arith.constant 104 : i32
    %mul3A_2 = arith.muli %arg1, %mul3A : i32
    %mul3A_3 = arith.constant 56 : i32
    %mul3A_4 = arith.muli %arg1, %mul3A_3 : i32
    %add3A = arith.constant 1664 : i32
    %add3A_5 = arith.addi %add3A, %mul3A_4 : i32
    %select_n3A_6 = arith.select %eq3A_0, %mul3A_2, %add3A_5 : i32
    %mul3A_7 = arith.constant 128 : i32
    %mul3A_8 = arith.muli %select_n3A_6, %mul3A_7 : i32
    %run_scoped3A = arith.constant 0 : i32
    "tpu.region"() ({
      %run_scoped3A_196 = tpu.sem_alloc : memref<!tpu.dma_semaphore, #tpu.memory_space<semaphore_mem>>
      %dma_start3A = arith.constant 0 : i32
      %dma_start3A_197 = arith.constant 0 : i32
      %dma_start3A_198 = tpu.memref_slice %arg9[%run_scoped3A, %dma_start3A, %dma_start3A_197] : memref<2x128x128xf32, #tpu.memory_space<vmem>> -> memref<1x128x128xf32, #tpu.memory_space<vmem>>
      %dma_start3A_199 = tpu.memref_squeeze %dma_start3A_198 : memref<1x128x128xf32, #tpu.memory_space<vmem>> -> memref<128x128xf32, #tpu.memory_space<vmem>>
      %dma_start3A_200 = arith.constant 0 : i32
      %dma_start3A_201 = arith.constant 0 : i32
      %dma_start3A_202 = tpu.memref_slice %arg9[%run_scoped3A, %dma_start3A_200, %dma_start3A_201] : memref<2x128x128xf32, #tpu.memory_space<vmem>> -> memref<1x128x128xf32, #tpu.memory_space<vmem>>
      %dma_start3A_203 = tpu.memref_squeeze %dma_start3A_202 : memref<1x128x128xf32, #tpu.memory_space<vmem>> -> memref<128x128xf32, #tpu.memory_space<vmem>>
      tpu.enqueue_dma source(%arg5 : memref<128x128xf32, #tpu.memory_space<hbm>>) target(%dma_start3A_203 : memref<128x128xf32, #tpu.memory_space<vmem>>) target_semaphore(%run_scoped3A_196 : memref<!tpu.dma_semaphore, #tpu.memory_space<semaphore_mem>>)
      %dma_wait3A = arith.constant 0 : i32
      %dma_wait3A_204 = arith.constant 0 : i32
      %dma_wait3A_205 = tpu.memref_slice %arg9[%run_scoped3A, %dma_wait3A, %dma_wait3A_204] : memref<2x128x128xf32, #tpu.memory_space<vmem>> -> memref<1x128x128xf32, #tpu.memory_space<vmem>>
      %dma_wait3A_206 = tpu.memref_squeeze %dma_wait3A_205 : memref<1x128x128xf32, #tpu.memory_space<vmem>> -> memref<128x128xf32, #tpu.memory_space<vmem>>
      %dma_wait3A_207 = arith.constant 0 : i32
      %dma_wait3A_208 = arith.constant 0 : i32
      %dma_wait3A_209 = tpu.memref_slice %arg9[%run_scoped3A, %dma_wait3A_207, %dma_wait3A_208] : memref<2x128x128xf32, #tpu.memory_space<vmem>> -> memref<1x128x128xf32, #tpu.memory_space<vmem>>
      %dma_wait3A_210 = tpu.memref_squeeze %dma_wait3A_209 : memref<1x128x128xf32, #tpu.memory_space<vmem>> -> memref<128x128xf32, #tpu.memory_space<vmem>>
      tpu.wait_dma2 semaphore(%run_scoped3A_196 : memref<!tpu.dma_semaphore, #tpu.memory_space<semaphore_mem>>) src(%arg5 : memref<128x128xf32, #tpu.memory_space<hbm>>) dst(%dma_wait3A_210 : memref<128x128xf32, #tpu.memory_space<vmem>>)
      tpu.yield
    }) : () -> ()
    %mul3A_9 = arith.constant 136 : i32
    %mul3A_10 = arith.muli %arg1, %mul3A_9 : i32
    %add3A_11 = arith.constant 0 : i32
    %add3A_12 = arith.addi %mul3A_10, %add3A_11 : i32
    %run_scoped3A_13 = arith.constant 0 : i32
    "tpu.region"() ({
      %run_scoped3A_196 = tpu.sem_alloc : memref<!tpu.dma_semaphore, #tpu.memory_space<semaphore_mem>>
      %dma_start3A = arith.constant 0 : i32
      %dma_start3A_197 = arith.constant 0 : i32
      %dma_start3A_198 = tpu.memref_slice %arg9[%run_scoped3A_13, %dma_start3A, %dma_start3A_197] : memref<2x128x128xf32, #tpu.memory_space<vmem>> -> memref<1x128x128xf32, #tpu.memory_space<vmem>>
      %dma_start3A_199 = tpu.memref_squeeze %dma_start3A_198 : memref<1x128x128xf32, #tpu.memory_space<vmem>> -> memref<128x128xf32, #tpu.memory_space<vmem>>
      %dma_start3A_200 = arith.constant 0 : i32
      %dma_start3A_201 = tpu.memref_slice %arg10[%add3A_12, %dma_start3A_200] : memref<2176x128xf32, #tpu.memory_space<vmem_shared>> -> memref<128x128xf32, #tpu.memory_space<vmem_shared>>
      %dma_start3A_202 = arith.constant 0 : i32
      %dma_start3A_203 = tpu.memref_slice %arg10[%add3A_12, %dma_start3A_202] : memref<2176x128xf32, #tpu.memory_space<vmem_shared>> -> memref<128x128xf32, #tpu.memory_space<vmem_shared>>
      %dma_start3A_204 = arith.constant 0 : i32
      %dma_start3A_205 = arith.constant 0 : i32
      %dma_start3A_206 = tpu.memref_slice %arg9[%run_scoped3A_13, %dma_start3A_204, %dma_start3A_205] : memref<2x128x128xf32, #tpu.memory_space<vmem>> -> memref<1x128x128xf32, #tpu.memory_space<vmem>>
      %dma_start3A_207 = tpu.memref_squeeze %dma_start3A_206 : memref<1x128x128xf32, #tpu.memory_space<vmem>> -> memref<128x128xf32, #tpu.memory_space<vmem>>
      tpu.enqueue_dma source(%dma_start3A_207 : memref<128x128xf32, #tpu.memory_space<vmem>>) target(%dma_start3A_203 : memref<128x128xf32, #tpu.memory_space<vmem_shared>>) target_semaphore(%run_scoped3A_196 : memref<!tpu.dma_semaphore, #tpu.memory_space<semaphore_mem>>)
      %dma_wait3A = arith.constant 0 : i32
      %dma_wait3A_208 = arith.constant 0 : i32
      %dma_wait3A_209 = tpu.memref_slice %arg9[%run_scoped3A_13, %dma_wait3A, %dma_wait3A_208] : memref<2x128x128xf32, #tpu.memory_space<vmem>> -> memref<1x128x128xf32, #tpu.memory_space<vmem>>
      %dma_wait3A_210 = tpu.memref_squeeze %dma_wait3A_209 : memref<1x128x128xf32, #tpu.memory_space<vmem>> -> memref<128x128xf32, #tpu.memory_space<vmem>>
      %dma_wait3A_211 = arith.constant 0 : i32
      %dma_wait3A_212 = tpu.memref_slice %arg10[%add3A_12, %dma_wait3A_211] : memref<2176x128xf32, #tpu.memory_space<vmem_shared>> -> memref<128x128xf32, #tpu.memory_space<vmem_shared>>
      %dma_wait3A_213 = arith.constant 0 : i32
      %dma_wait3A_214 = tpu.memref_slice %arg10[%add3A_12, %dma_wait3A_213] : memref<2176x128xf32, #tpu.memory_space<vmem_shared>> -> memref<128x128xf32, #tpu.memory_space<vmem_shared>>
      %dma_wait3A_215 = arith.constant 0 : i32
      %dma_wait3A_216 = arith.constant 0 : i32
      %dma_wait3A_217 = tpu.memref_slice %arg9[%run_scoped3A_13, %dma_wait3A_215, %dma_wait3A_216] : memref<2x128x128xf32, #tpu.memory_space<vmem>> -> memref<1x128x128xf32, #tpu.memory_space<vmem>>
      %dma_wait3A_218 = tpu.memref_squeeze %dma_wait3A_217 : memref<1x128x128xf32, #tpu.memory_space<vmem>> -> memref<128x128xf32, #tpu.memory_space<vmem>>
      tpu.wait_dma2 semaphore(%run_scoped3A_196 : memref<!tpu.dma_semaphore, #tpu.memory_space<semaphore_mem>>) src(%dma_wait3A_218 : memref<128x128xf32, #tpu.memory_space<vmem>>) dst(%dma_wait3A_214 : memref<128x128xf32, #tpu.memory_space<vmem_shared>>)
      tpu.yield
    }) : () -> ()
    %add3A_14 = arith.constant 128 : i32
    %add3A_15 = arith.addi %mul3A_10, %add3A_14 : i32
    %run_scoped3A_16 = arith.constant 0 : i32
    "tpu.region"() ({
      %run_scoped3A_196 = tpu.sem_alloc : memref<!tpu.dma_semaphore, #tpu.memory_space<semaphore_mem>>
      %dma_start3A = arith.constant 0 : i32
      %dma_start3A_197 = arith.constant 0 : i32
      %dma_start3A_198 = tpu.memref_slice %arg9[%run_scoped3A_16, %dma_start3A, %dma_start3A_197] : memref<2x128x128xf32, #tpu.memory_space<vmem>> -> memref<1x8x128xf32, #tpu.memory_space<vmem>>
      %dma_start3A_199 = tpu.memref_squeeze %dma_start3A_198 : memref<1x8x128xf32, #tpu.memory_space<vmem>> -> memref<8x128xf32, #tpu.memory_space<vmem>>
      %dma_start3A_200 = arith.constant 0 : i32
      %dma_start3A_201 = tpu.memref_slice %arg10[%add3A_15, %dma_start3A_200] : memref<2176x128xf32, #tpu.memory_space<vmem_shared>> -> memref<8x128xf32, #tpu.memory_space<vmem_shared>>
      %dma_start3A_202 = arith.constant 0 : i32
      %dma_start3A_203 = tpu.memref_slice %arg10[%add3A_15, %dma_start3A_202] : memref<2176x128xf32, #tpu.memory_space<vmem_shared>> -> memref<8x128xf32, #tpu.memory_space<vmem_shared>>
      %dma_start3A_204 = arith.constant 0 : i32
      %dma_start3A_205 = arith.constant 0 : i32
      %dma_start3A_206 = tpu.memref_slice %arg9[%run_scoped3A_16, %dma_start3A_204, %dma_start3A_205] : memref<2x128x128xf32, #tpu.memory_space<vmem>> -> memref<1x8x128xf32, #tpu.memory_space<vmem>>
      %dma_start3A_207 = tpu.memref_squeeze %dma_start3A_206 : memref<1x8x128xf32, #tpu.memory_space<vmem>> -> memref<8x128xf32, #tpu.memory_space<vmem>>
      tpu.enqueue_dma source(%dma_start3A_207 : memref<8x128xf32, #tpu.memory_space<vmem>>) target(%dma_start3A_203 : memref<8x128xf32, #tpu.memory_space<vmem_shared>>) target_semaphore(%run_scoped3A_196 : memref<!tpu.dma_semaphore, #tpu.memory_space<semaphore_mem>>)
      %dma_wait3A = arith.constant 0 : i32
      %dma_wait3A_208 = arith.constant 0 : i32
      %dma_wait3A_209 = tpu.memref_slice %arg9[%run_scoped3A_16, %dma_wait3A, %dma_wait3A_208] : memref<2x128x128xf32, #tpu.memory_space<vmem>> -> memref<1x8x128xf32, #tpu.memory_space<vmem>>
      %dma_wait3A_210 = tpu.memref_squeeze %dma_wait3A_209 : memref<1x8x128xf32, #tpu.memory_space<vmem>> -> memref<8x128xf32, #tpu.memory_space<vmem>>
      %dma_wait3A_211 = arith.constant 0 : i32
      %dma_wait3A_212 = tpu.memref_slice %arg10[%add3A_15, %dma_wait3A_211] : memref<2176x128xf32, #tpu.memory_space<vmem_shared>> -> memref<8x128xf32, #tpu.memory_space<vmem_shared>>
      %dma_wait3A_213 = arith.constant 0 : i32
      %dma_wait3A_214 = tpu.memref_slice %arg10[%add3A_15, %dma_wait3A_213] : memref<2176x128xf32, #tpu.memory_space<vmem_shared>> -> memref<8x128xf32, #tpu.memory_space<vmem_shared>>
      %dma_wait3A_215 = arith.constant 0 : i32
      %dma_wait3A_216 = arith.constant 0 : i32
      %dma_wait3A_217 = tpu.memref_slice %arg9[%run_scoped3A_16, %dma_wait3A_215, %dma_wait3A_216] : memref<2x128x128xf32, #tpu.memory_space<vmem>> -> memref<1x8x128xf32, #tpu.memory_space<vmem>>
      %dma_wait3A_218 = tpu.memref_squeeze %dma_wait3A_217 : memref<1x8x128xf32, #tpu.memory_space<vmem>> -> memref<8x128xf32, #tpu.memory_space<vmem>>
      tpu.wait_dma2 semaphore(%run_scoped3A_196 : memref<!tpu.dma_semaphore, #tpu.memory_space<semaphore_mem>>) src(%dma_wait3A_218 : memref<8x128xf32, #tpu.memory_space<vmem>>) dst(%dma_wait3A_214 : memref<8x128xf32, #tpu.memory_space<vmem_shared>>)
      tpu.yield
    }) : () -> ()
    %barrier3A = arith.constant 0 : index
    tpu.barrier barrier_id(%barrier3A)
    %broadcast_in_dim3A = arith.constant 1.000000e+00 : f32
    %broadcast_in_dim3A_17 = vector.broadcast %broadcast_in_dim3A : f32 to vector<16xf32>
    %gt3A = arith.constant 0 : i32
    %gt3A_18 = arith.cmpi sgt, %select_n3A, %gt3A : i32
    %convert_element_type3A = arith.extui %gt3A_18 : i1 to i32
    %cond3A = arith.constant 0 : i32
    %cond3A_19 = arith.cmpi ne, %convert_element_type3A, %cond3A : i32
    scf.if %cond3A_19 {
      %add3A_196 = arith.constant 0 : i32
      %add3A_197 = arith.addi %mul3A_8, %add3A_196 : i32
      %add3A_198 = arith.constant 0 : i32
      %add3A_199 = arith.addi %mul3A_8, %add3A_198 : i32
      %dma_start3A = arith.constant 0 : i32
      %dma_start3A_200 = arith.constant 0 : i32
      %dma_start3A_201 = tpu.memref_slice %arg7[%dma_start3A, %dma_start3A_200] : memref<2x128xi32, #tpu.memory_space<vmem>> -> memref<1x128xi32, #tpu.memory_space<vmem>>
      %dma_start3A_202 = tpu.memref_squeeze %dma_start3A_201 : memref<1x128xi32, #tpu.memory_space<vmem>> -> memref<128xi32, #tpu.memory_space<vmem>>
      %dma_start3A_203 = tpu.memref_slice %arg3[%add3A_197] : memref<327680xi32, #tpu.memory_space<hbm>> -> memref<128xi32, #tpu.memory_space<hbm>>
      %dma_start3A_204 = arith.constant 0 : i32
      %dma_start3A_205 = tpu.memref_slice %arg7[%dma_start3A, %dma_start3A_204] : memref<2x128xi32, #tpu.memory_space<vmem>> -> memref<1x128xi32, #tpu.memory_space<vmem>>
      %dma_start3A_206 = tpu.memref_squeeze %dma_start3A_205 : memref<1x128xi32, #tpu.memory_space<vmem>> -> memref<128xi32, #tpu.memory_space<vmem>>
      %dma_start3A_207 = tpu.memref_slice %arg3[%add3A_197] : memref<327680xi32, #tpu.memory_space<hbm>> -> memref<128xi32, #tpu.memory_space<hbm>>
      tpu.enqueue_dma source(%dma_start3A_207 : memref<128xi32, #tpu.memory_space<hbm>>) target(%dma_start3A_206 : memref<128xi32, #tpu.memory_space<vmem>>) target_semaphore(%arg13 : memref<!tpu.dma_semaphore, #tpu.memory_space<semaphore_mem>>)
      %dma_start3A_208 = arith.constant 0 : i32
      %dma_start3A_209 = arith.constant 0 : i32
      %dma_start3A_210 = tpu.memref_slice %arg8[%dma_start3A_208, %dma_start3A_209] : memref<2x128xi32, #tpu.memory_space<vmem>> -> memref<1x128xi32, #tpu.memory_space<vmem>>
      %dma_start3A_211 = tpu.memref_squeeze %dma_start3A_210 : memref<1x128xi32, #tpu.memory_space<vmem>> -> memref<128xi32, #tpu.memory_space<vmem>>
      %dma_start3A_212 = tpu.memref_slice %arg4[%add3A_199] : memref<327680xi32, #tpu.memory_space<hbm>> -> memref<128xi32, #tpu.memory_space<hbm>>
      %dma_start3A_213 = arith.constant 0 : i32
      %dma_start3A_214 = tpu.memref_slice %arg8[%dma_start3A_208, %dma_start3A_213] : memref<2x128xi32, #tpu.memory_space<vmem>> -> memref<1x128xi32, #tpu.memory_space<vmem>>
      %dma_start3A_215 = tpu.memref_squeeze %dma_start3A_214 : memref<1x128xi32, #tpu.memory_space<vmem>> -> memref<128xi32, #tpu.memory_space<vmem>>
      %dma_start3A_216 = tpu.memref_slice %arg4[%add3A_199] : memref<327680xi32, #tpu.memory_space<hbm>> -> memref<128xi32, #tpu.memory_space<hbm>>
      tpu.enqueue_dma source(%dma_start3A_216 : memref<128xi32, #tpu.memory_space<hbm>>) target(%dma_start3A_215 : memref<128xi32, #tpu.memory_space<vmem>>) target_semaphore(%arg14 : memref<!tpu.dma_semaphore, #tpu.memory_space<semaphore_mem>>)
    } else {
    }
    %jit3A_20 = arith.constant 2 : i32
    %div3A = arith.divsi %select_n3A, %jit3A_20 : i32
    %sign3A = arith.constant 0 : i32
    %sign3A_21 = arith.cmpi sgt, %select_n3A, %sign3A : i32
    %sign3A_22 = arith.extui %sign3A_21 : i1 to i32
    %sign3A_23 = arith.constant 0 : i32
    %sign3A_24 = arith.cmpi slt, %select_n3A, %sign3A_23 : i32
    %sign3A_25 = arith.extui %sign3A_24 : i1 to i32
    %sign3A_26 = arith.subi %sign3A_22, %sign3A_25 : i32
    %sign3A_27 = arith.constant 0 : i32
    %sign3A_28 = arith.cmpi sgt, %jit3A_20, %sign3A_27 : i32
    %sign3A_29 = arith.extui %sign3A_28 : i1 to i32
    %sign3A_30 = arith.constant 0 : i32
    %sign3A_31 = arith.cmpi slt, %jit3A_20, %sign3A_30 : i32
    %sign3A_32 = arith.extui %sign3A_31 : i1 to i32
    %sign3A_33 = arith.subi %sign3A_29, %sign3A_32 : i32
    %ne3A = arith.cmpi ne, %sign3A_26, %sign3A_33 : i32
    %rem3A = arith.remsi %select_n3A, %jit3A_20 : i32
    %ne3A_34 = arith.constant 0 : i32
    %ne3A_35 = arith.cmpi ne, %rem3A, %ne3A_34 : i32
    %and3A = arith.andi %ne3A, %ne3A_35 : i1
    %sub3A = arith.constant 1 : i32
    %sub3A_36 = arith.subi %div3A, %sub3A : i32
    %select_n3A_37 = arith.select %and3A, %sub3A_36, %div3A : i32
    %while3A = arith.constant 0 : i32
    %while3A_38 = arith.constant 0 : i32
    %while3A_39 = arith.subi %select_n3A_37, %while3A : i32
    %while3A_40 = arith.addi %while3A, %while3A_39 : i32
    %while3A_41 = arith.constant 1 : i32
    %while3A_42 = arith.divsi %while3A_39, %while3A_41 : i32
    %while3A_43 = arith.muli %while3A_42, %while3A_41 : i32
    %while3A_44 = arith.addi %while3A, %while3A_43 : i32
    %while3A_45 = arith.constant 1 : i32
    %while3A_46 = scf.for %while3A_196 = %while3A to %while3A_44 step %while3A_45 iter_args(%while3A_197 = %while3A_38) -> (i32)  : i32 {
      %mul3A_198 = arith.constant 2 : i32
      %mul3A_199 = arith.muli %mul3A_198, %while3A_196 : i32
      %mul3A_200 = arith.constant 128 : i32
      %mul3A_201 = arith.muli %mul3A_199, %mul3A_200 : i32
      %add3A_202 = arith.addi %mul3A_8, %mul3A_201 : i32
      %mul3A_203 = arith.constant 128 : i32
      %mul3A_204 = arith.muli %mul3A_199, %mul3A_203 : i32
      %add3A_205 = arith.addi %mul3A_8, %mul3A_204 : i32
      %dma_wait3A = arith.constant 0 : i32
      %dma_wait3A_206 = arith.constant 0 : i32
      %dma_wait3A_207 = tpu.memref_slice %arg7[%dma_wait3A, %dma_wait3A_206] : memref<2x128xi32, #tpu.memory_space<vmem>> -> memref<1x128xi32, #tpu.memory_space<vmem>>
      %dma_wait3A_208 = tpu.memref_squeeze %dma_wait3A_207 : memref<1x128xi32, #tpu.memory_space<vmem>> -> memref<128xi32, #tpu.memory_space<vmem>>
      %dma_wait3A_209 = tpu.memref_slice %arg3[%add3A_202] : memref<327680xi32, #tpu.memory_space<hbm>> -> memref<128xi32, #tpu.memory_space<hbm>>
      %dma_wait3A_210 = arith.constant 0 : i32
      %dma_wait3A_211 = tpu.memref_slice %arg7[%dma_wait3A, %dma_wait3A_210] : memref<2x128xi32, #tpu.memory_space<vmem>> -> memref<1x128xi32, #tpu.memory_space<vmem>>
      %dma_wait3A_212 = tpu.memref_squeeze %dma_wait3A_211 : memref<1x128xi32, #tpu.memory_space<vmem>> -> memref<128xi32, #tpu.memory_space<vmem>>
      %dma_wait3A_213 = tpu.memref_slice %arg3[%add3A_202] : memref<327680xi32, #tpu.memory_space<hbm>> -> memref<128xi32, #tpu.memory_space<hbm>>
      tpu.wait_dma2 semaphore(%arg13 : memref<!tpu.dma_semaphore, #tpu.memory_space<semaphore_mem>>) src(%dma_wait3A_213 : memref<128xi32, #tpu.memory_space<hbm>>) dst(%dma_wait3A_212 : memref<128xi32, #tpu.memory_space<vmem>>)
      %dma_wait3A_214 = arith.constant 0 : i32
      %dma_wait3A_215 = arith.constant 0 : i32
      %dma_wait3A_216 = tpu.memref_slice %arg8[%dma_wait3A_214, %dma_wait3A_215] : memref<2x128xi32, #tpu.memory_space<vmem>> -> memref<1x128xi32, #tpu.memory_space<vmem>>
      %dma_wait3A_217 = tpu.memref_squeeze %dma_wait3A_216 : memref<1x128xi32, #tpu.memory_space<vmem>> -> memref<128xi32, #tpu.memory_space<vmem>>
      %dma_wait3A_218 = tpu.memref_slice %arg4[%add3A_205] : memref<327680xi32, #tpu.memory_space<hbm>> -> memref<128xi32, #tpu.memory_space<hbm>>
      %dma_wait3A_219 = arith.constant 0 : i32
      %dma_wait3A_220 = tpu.memref_slice %arg8[%dma_wait3A_214, %dma_wait3A_219] : memref<2x128xi32, #tpu.memory_space<vmem>> -> memref<1x128xi32, #tpu.memory_space<vmem>>
      %dma_wait3A_221 = tpu.memref_squeeze %dma_wait3A_220 : memref<1x128xi32, #tpu.memory_space<vmem>> -> memref<128xi32, #tpu.memory_space<vmem>>
      %dma_wait3A_222 = tpu.memref_slice %arg4[%add3A_205] : memref<327680xi32, #tpu.memory_space<hbm>> -> memref<128xi32, #tpu.memory_space<hbm>>
      tpu.wait_dma2 semaphore(%arg14 : memref<!tpu.dma_semaphore, #tpu.memory_space<semaphore_mem>>) src(%dma_wait3A_222 : memref<128xi32, #tpu.memory_space<hbm>>) dst(%dma_wait3A_221 : memref<128xi32, #tpu.memory_space<vmem>>)
      %add3A_223 = arith.constant 1 : i32
      %add3A_224 = arith.addi %mul3A_199, %add3A_223 : i32
      %lt3A = arith.cmpi slt, %add3A_224, %select_n3A : i32
      %convert_element_type3A_225 = arith.extui %lt3A : i1 to i32
      %cond3A_226 = arith.constant 0 : i32
      %cond3A_227 = arith.cmpi ne, %convert_element_type3A_225, %cond3A_226 : i32
      scf.if %cond3A_227 {
        %add3A_273 = arith.constant 1 : i32
        %add3A_274 = arith.addi %mul3A_199, %add3A_273 : i32
        %mul3A_275 = arith.constant 128 : i32
        %mul3A_276 = arith.muli %add3A_274, %mul3A_275 : i32
        %add3A_277 = arith.addi %mul3A_8, %mul3A_276 : i32
        %mul3A_278 = arith.constant 128 : i32
        %mul3A_279 = arith.muli %add3A_274, %mul3A_278 : i32
        %add3A_280 = arith.addi %mul3A_8, %mul3A_279 : i32
        %dma_start3A = arith.constant 1 : i32
        %dma_start3A_281 = arith.constant 0 : i32
        %dma_start3A_282 = tpu.memref_slice %arg7[%dma_start3A, %dma_start3A_281] : memref<2x128xi32, #tpu.memory_space<vmem>> -> memref<1x128xi32, #tpu.memory_space<vmem>>
        %dma_start3A_283 = tpu.memref_squeeze %dma_start3A_282 : memref<1x128xi32, #tpu.memory_space<vmem>> -> memref<128xi32, #tpu.memory_space<vmem>>
        %dma_start3A_284 = tpu.memref_slice %arg3[%add3A_277] : memref<327680xi32, #tpu.memory_space<hbm>> -> memref<128xi32, #tpu.memory_space<hbm>>
        %dma_start3A_285 = arith.constant 0 : i32
        %dma_start3A_286 = tpu.memref_slice %arg7[%dma_start3A, %dma_start3A_285] : memref<2x128xi32, #tpu.memory_space<vmem>> -> memref<1x128xi32, #tpu.memory_space<vmem>>
        %dma_start3A_287 = tpu.memref_squeeze %dma_start3A_286 : memref<1x128xi32, #tpu.memory_space<vmem>> -> memref<128xi32, #tpu.memory_space<vmem>>
        %dma_start3A_288 = tpu.memref_slice %arg3[%add3A_277] : memref<327680xi32, #tpu.memory_space<hbm>> -> memref<128xi32, #tpu.memory_space<hbm>>
        tpu.enqueue_dma source(%dma_start3A_288 : memref<128xi32, #tpu.memory_space<hbm>>) target(%dma_start3A_287 : memref<128xi32, #tpu.memory_space<vmem>>) target_semaphore(%arg13 : memref<!tpu.dma_semaphore, #tpu.memory_space<semaphore_mem>>)
        %dma_start3A_289 = arith.constant 1 : i32
        %dma_start3A_290 = arith.constant 0 : i32
        %dma_start3A_291 = tpu.memref_slice %arg8[%dma_start3A_289, %dma_start3A_290] : memref<2x128xi32, #tpu.memory_space<vmem>> -> memref<1x128xi32, #tpu.memory_space<vmem>>
        %dma_start3A_292 = tpu.memref_squeeze %dma_start3A_291 : memref<1x128xi32, #tpu.memory_space<vmem>> -> memref<128xi32, #tpu.memory_space<vmem>>
        %dma_start3A_293 = tpu.memref_slice %arg4[%add3A_280] : memref<327680xi32, #tpu.memory_space<hbm>> -> memref<128xi32, #tpu.memory_space<hbm>>
        %dma_start3A_294 = arith.constant 0 : i32
        %dma_start3A_295 = tpu.memref_slice %arg8[%dma_start3A_289, %dma_start3A_294] : memref<2x128xi32, #tpu.memory_space<vmem>> -> memref<1x128xi32, #tpu.memory_space<vmem>>
        %dma_start3A_296 = tpu.memref_squeeze %dma_start3A_295 : memref<1x128xi32, #tpu.memory_space<vmem>> -> memref<128xi32, #tpu.memory_space<vmem>>
        %dma_start3A_297 = tpu.memref_slice %arg4[%add3A_280] : memref<327680xi32, #tpu.memory_space<hbm>> -> memref<128xi32, #tpu.memory_space<hbm>>
        tpu.enqueue_dma source(%dma_start3A_297 : memref<128xi32, #tpu.memory_space<hbm>>) target(%dma_start3A_296 : memref<128xi32, #tpu.memory_space<vmem>>) target_semaphore(%arg14 : memref<!tpu.dma_semaphore, #tpu.memory_space<semaphore_mem>>)
      } else {
      }
      %scan3A = arith.constant 0 : i32
      %scan3A_228 = arith.constant 8 : i32
      %scan3A_229 = arith.addi %scan3A, %scan3A_228 : i32
      %scan3A_230 = arith.constant 1 : i32
      %scan3A_231 = scf.for %scan3A_273 = %scan3A to %scan3A_229 step %scan3A_230 iter_args(%scan3A_274 = %while3A_197) -> (i32)  : i32 {
        %mul3A_275 = arith.constant 16 : i32
        %mul3A_276 = arith.muli %scan3A_273, %mul3A_275 : i32
        %get3A = arith.constant 0 : i32
        %get3A_277 = arith.index_cast %get3A : i32 to index
        %get3A_278 = arith.index_cast %mul3A_276 : i32 to index
        %get3A_279 = tpu.vector_load %arg7[%get3A_277, %get3A_278] {strides = array<i32>} : memref<2x128xi32, #tpu.memory_space<vmem>>, vector<16xi32>,
        %mul3A_280 = arith.constant 16 : i32
        %mul3A_281 = arith.muli %scan3A_273, %mul3A_280 : i32
        %get3A_282 = arith.constant 0 : i32
        %get3A_283 = arith.index_cast %get3A_282 : i32 to index
        %get3A_284 = arith.index_cast %mul3A_281 : i32 to index
        %get3A_285 = tpu.vector_load %arg8[%get3A_283, %get3A_284] {strides = array<i32>} : memref<2x128xi32, #tpu.memory_space<vmem>>, vector<16xi32>,
        %lt3A_286 = arith.constant 2048 : i32
        %lt3A_287 = vector.broadcast %lt3A_286 : i32 to vector<16xi32>
        %lt3A_288 = arith.cmpi slt, %get3A_285, %lt3A_287 : vector<16xi32>
        %swap3A_289 = arith.index_cast %scan3A_274 : i32 to index
        %swap3A_290 = tpu.vector_load %arg15[%swap3A_289] masked %lt3A_288 {strides = array<i32>} : memref<13568xi32, #tpu.memory_space<vmem>>, vector<16xi32>, vector<16xi1>
        tpu.vector_store %arg15[%swap3A_289], %get3A_279 masked %lt3A_288 {strides = array<i32>} : memref<13568xi32, #tpu.memory_space<vmem>>, vector<16xi32>, vector<16xi1>
        %swap3A_291 = arith.index_cast %scan3A_274 : i32 to index
        %swap3A_292 = tpu.vector_load %arg16[%swap3A_291] masked %lt3A_288 {strides = array<i32>} : memref<13568xi32, #tpu.memory_space<vmem>>, vector<16xi32>, vector<16xi1>
        tpu.vector_store %arg16[%swap3A_291], %get3A_285 masked %lt3A_288 {strides = array<i32>} : memref<13568xi32, #tpu.memory_space<vmem>>, vector<16xi32>, vector<16xi1>
        %all_reduce_population_count3A = tpu.all_reduce %lt3A_288 {dim = 0 : i64, kind = #tpu.reduction_kind<sum>} : vector<16xi1> -> vector<16xi32>
        %slice3A = vector.extract_strided_slice %all_reduce_population_count3A {offsets = [0], sizes = [1], strides = [1]} : vector<16xi32> to vector<1xi32>
        %squeeze3A = vector.extract %slice3A[0] : i32 from vector<1xi32>
        %add3A_293 = arith.addi %scan3A_274, %squeeze3A : i32
        scf.yield %add3A_293 : i32
      }
      %scan3A_232 = arith.constant 8 : i32
      %mul3A_233 = arith.constant 2 : i32
      %mul3A_234 = arith.muli %mul3A_233, %while3A_196 : i32
      %add3A_235 = arith.constant 1 : i32
      %add3A_236 = arith.addi %mul3A_234, %add3A_235 : i32
      %mul3A_237 = arith.constant 128 : i32
      %mul3A_238 = arith.muli %add3A_236, %mul3A_237 : i32
      %add3A_239 = arith.addi %mul3A_8, %mul3A_238 : i32
      %mul3A_240 = arith.constant 128 : i32
      %mul3A_241 = arith.muli %add3A_236, %mul3A_240 : i32
      %add3A_242 = arith.addi %mul3A_8, %mul3A_241 : i32
      %dma_wait3A_243 = arith.constant 1 : i32
      %dma_wait3A_244 = arith.constant 0 : i32
      %dma_wait3A_245 = tpu.memref_slice %arg7[%dma_wait3A_243, %dma_wait3A_244] : memref<2x128xi32, #tpu.memory_space<vmem>> -> memref<1x128xi32, #tpu.memory_space<vmem>>
      %dma_wait3A_246 = tpu.memref_squeeze %dma_wait3A_245 : memref<1x128xi32, #tpu.memory_space<vmem>> -> memref<128xi32, #tpu.memory_space<vmem>>
      %dma_wait3A_247 = tpu.memref_slice %arg3[%add3A_239] : memref<327680xi32, #tpu.memory_space<hbm>> -> memref<128xi32, #tpu.memory_space<hbm>>
      %dma_wait3A_248 = arith.constant 0 : i32
      %dma_wait3A_249 = tpu.memref_slice %arg7[%dma_wait3A_243, %dma_wait3A_248] : memref<2x128xi32, #tpu.memory_space<vmem>> -> memref<1x128xi32, #tpu.memory_space<vmem>>
      %dma_wait3A_250 = tpu.memref_squeeze %dma_wait3A_249 : memref<1x128xi32, #tpu.memory_space<vmem>> -> memref<128xi32, #tpu.memory_space<vmem>>
      %dma_wait3A_251 = tpu.memref_slice %arg3[%add3A_239] : memref<327680xi32, #tpu.memory_space<hbm>> -> memref<128xi32, #tpu.memory_space<hbm>>
      tpu.wait_dma2 semaphore(%arg13 : memref<!tpu.dma_semaphore, #tpu.memory_space<semaphore_mem>>) src(%dma_wait3A_251 : memref<128xi32, #tpu.memory_space<hbm>>) dst(%dma_wait3A_250 : memref<128xi32, #tpu.memory_space<vmem>>)
      %dma_wait3A_252 = arith.constant 1 : i32
      %dma_wait3A_253 = arith.constant 0 : i32
      %dma_wait3A_254 = tpu.memref_slice %arg8[%dma_wait3A_252, %dma_wait3A_253] : memref<2x128xi32, #tpu.memory_space<vmem>> -> memref<1x128xi32, #tpu.memory_space<vmem>>
      %dma_wait3A_255 = tpu.memref_squeeze %dma_wait3A_254 : memref<1x128xi32, #tpu.memory_space<vmem>> -> memref<128xi32, #tpu.memory_space<vmem>>
      %dma_wait3A_256 = tpu.memref_slice %arg4[%add3A_242] : memref<327680xi32, #tpu.memory_space<hbm>> -> memref<128xi32, #tpu.memory_space<hbm>>
      %dma_wait3A_257 = arith.constant 0 : i32
      %dma_wait3A_258 = tpu.memref_slice %arg8[%dma_wait3A_252, %dma_wait3A_257] : memref<2x128xi32, #tpu.memory_space<vmem>> -> memref<1x128xi32, #tpu.memory_space<vmem>>
      %dma_wait3A_259 = tpu.memref_squeeze %dma_wait3A_258 : memref<1x128xi32, #tpu.memory_space<vmem>> -> memref<128xi32, #tpu.memory_space<vmem>>
      %dma_wait3A_260 = tpu.memref_slice %arg4[%add3A_242] : memref<327680xi32, #tpu.memory_space<hbm>> -> memref<128xi32, #tpu.memory_space<hbm>>
      tpu.wait_dma2 semaphore(%arg14 : memref<!tpu.dma_semaphore, #tpu.memory_space<semaphore_mem>>) src(%dma_wait3A_260 : memref<128xi32, #tpu.memory_space<hbm>>) dst(%dma_wait3A_259 : memref<128xi32, #tpu.memory_space<vmem>>)
      %add3A_261 = arith.constant 1 : i32
      %add3A_262 = arith.addi %add3A_236, %add3A_261 : i32
      %lt3A_263 = arith.cmpi slt, %add3A_262, %select_n3A : i32
      %convert_element_type3A_264 = arith.extui %lt3A_263 : i1 to i32
      %cond3A_265 = arith.constant 0 : i32
      %cond3A_266 = arith.cmpi ne, %convert_element_type3A_264, %cond3A_265 : i32
      scf.if %cond3A_266 {
        %add3A_273 = arith.constant 1 : i32
        %add3A_274 = arith.addi %add3A_236, %add3A_273 : i32
        %mul3A_275 = arith.constant 128 : i32
        %mul3A_276 = arith.muli %add3A_274, %mul3A_275 : i32
        %add3A_277 = arith.addi %mul3A_8, %mul3A_276 : i32
        %mul3A_278 = arith.constant 128 : i32
        %mul3A_279 = arith.muli %add3A_274, %mul3A_278 : i32
        %add3A_280 = arith.addi %mul3A_8, %mul3A_279 : i32
        %dma_start3A = arith.constant 0 : i32
        %dma_start3A_281 = arith.constant 0 : i32
        %dma_start3A_282 = tpu.memref_slice %arg7[%dma_start3A, %dma_start3A_281] : memref<2x128xi32, #tpu.memory_space<vmem>> -> memref<1x128xi32, #tpu.memory_space<vmem>>
        %dma_start3A_283 = tpu.memref_squeeze %dma_start3A_282 : memref<1x128xi32, #tpu.memory_space<vmem>> -> memref<128xi32, #tpu.memory_space<vmem>>
        %dma_start3A_284 = tpu.memref_slice %arg3[%add3A_277] : memref<327680xi32, #tpu.memory_space<hbm>> -> memref<128xi32, #tpu.memory_space<hbm>>
        %dma_start3A_285 = arith.constant 0 : i32
        %dma_start3A_286 = tpu.memref_slice %arg7[%dma_start3A, %dma_start3A_285] : memref<2x128xi32, #tpu.memory_space<vmem>> -> memref<1x128xi32, #tpu.memory_space<vmem>>
        %dma_start3A_287 = tpu.memref_squeeze %dma_start3A_286 : memref<1x128xi32, #tpu.memory_space<vmem>> -> memref<128xi32, #tpu.memory_space<vmem>>
        %dma_start3A_288 = tpu.memref_slice %arg3[%add3A_277] : memref<327680xi32, #tpu.memory_space<hbm>> -> memref<128xi32, #tpu.memory_space<hbm>>
        tpu.enqueue_dma source(%dma_start3A_288 : memref<128xi32, #tpu.memory_space<hbm>>) target(%dma_start3A_287 : memref<128xi32, #tpu.memory_space<vmem>>) target_semaphore(%arg13 : memref<!tpu.dma_semaphore, #tpu.memory_space<semaphore_mem>>)
        %dma_start3A_289 = arith.constant 0 : i32
        %dma_start3A_290 = arith.constant 0 : i32
        %dma_start3A_291 = tpu.memref_slice %arg8[%dma_start3A_289, %dma_start3A_290] : memref<2x128xi32, #tpu.memory_space<vmem>> -> memref<1x128xi32, #tpu.memory_space<vmem>>
        %dma_start3A_292 = tpu.memref_squeeze %dma_start3A_291 : memref<1x128xi32, #tpu.memory_space<vmem>> -> memref<128xi32, #tpu.memory_space<vmem>>
        %dma_start3A_293 = tpu.memref_slice %arg4[%add3A_280] : memref<327680xi32, #tpu.memory_space<hbm>> -> memref<128xi32, #tpu.memory_space<hbm>>
        %dma_start3A_294 = arith.constant 0 : i32
        %dma_start3A_295 = tpu.memref_slice %arg8[%dma_start3A_289, %dma_start3A_294] : memref<2x128xi32, #tpu.memory_space<vmem>> -> memref<1x128xi32, #tpu.memory_space<vmem>>
        %dma_start3A_296 = tpu.memref_squeeze %dma_start3A_295 : memref<1x128xi32, #tpu.memory_space<vmem>> -> memref<128xi32, #tpu.memory_space<vmem>>
        %dma_start3A_297 = tpu.memref_slice %arg4[%add3A_280] : memref<327680xi32, #tpu.memory_space<hbm>> -> memref<128xi32, #tpu.memory_space<hbm>>
        tpu.enqueue_dma source(%dma_start3A_297 : memref<128xi32, #tpu.memory_space<hbm>>) target(%dma_start3A_296 : memref<128xi32, #tpu.memory_space<vmem>>) target_semaphore(%arg14 : memref<!tpu.dma_semaphore, #tpu.memory_space<semaphore_mem>>)
      } else {
      }
      %scan3A_267 = arith.constant 0 : i32
      %scan3A_268 = arith.constant 8 : i32
      %scan3A_269 = arith.addi %scan3A_267, %scan3A_268 : i32
      %scan3A_270 = arith.constant 1 : i32
      %scan3A_271 = scf.for %scan3A_273 = %scan3A_267 to %scan3A_269 step %scan3A_270 iter_args(%scan3A_274 = %scan3A_231) -> (i32)  : i32 {
        %mul3A_275 = arith.constant 16 : i32
        %mul3A_276 = arith.muli %scan3A_273, %mul3A_275 : i32
        %get3A = arith.constant 1 : i32
        %get3A_277 = arith.index_cast %get3A : i32 to index
        %get3A_278 = arith.index_cast %mul3A_276 : i32 to index
        %get3A_279 = tpu.vector_load %arg7[%get3A_277, %get3A_278] {strides = array<i32>} : memref<2x128xi32, #tpu.memory_space<vmem>>, vector<16xi32>,
        %mul3A_280 = arith.constant 16 : i32
        %mul3A_281 = arith.muli %scan3A_273, %mul3A_280 : i32
        %get3A_282 = arith.constant 1 : i32
        %get3A_283 = arith.index_cast %get3A_282 : i32 to index
        %get3A_284 = arith.index_cast %mul3A_281 : i32 to index
        %get3A_285 = tpu.vector_load %arg8[%get3A_283, %get3A_284] {strides = array<i32>} : memref<2x128xi32, #tpu.memory_space<vmem>>, vector<16xi32>,
        %lt3A_286 = arith.constant 2048 : i32
        %lt3A_287 = vector.broadcast %lt3A_286 : i32 to vector<16xi32>
        %lt3A_288 = arith.cmpi slt, %get3A_285, %lt3A_287 : vector<16xi32>
        %swap3A_289 = arith.index_cast %scan3A_274 : i32 to index
        %swap3A_290 = tpu.vector_load %arg15[%swap3A_289] masked %lt3A_288 {strides = array<i32>} : memref<13568xi32, #tpu.memory_space<vmem>>, vector<16xi32>, vector<16xi1>
        tpu.vector_store %arg15[%swap3A_289], %get3A_279 masked %lt3A_288 {strides = array<i32>} : memref<13568xi32, #tpu.memory_space<vmem>>, vector<16xi32>, vector<16xi1>
        %swap3A_291 = arith.index_cast %scan3A_274 : i32 to index
        %swap3A_292 = tpu.vector_load %arg16[%swap3A_291] masked %lt3A_288 {strides = array<i32>} : memref<13568xi32, #tpu.memory_space<vmem>>, vector<16xi32>, vector<16xi1>
        tpu.vector_store %arg16[%swap3A_291], %get3A_285 masked %lt3A_288 {strides = array<i32>} : memref<13568xi32, #tpu.memory_space<vmem>>, vector<16xi32>, vector<16xi1>
        %all_reduce_population_count3A = tpu.all_reduce %lt3A_288 {dim = 0 : i64, kind = #tpu.reduction_kind<sum>} : vector<16xi1> -> vector<16xi32>
        %slice3A = vector.extract_strided_slice %all_reduce_population_count3A {offsets = [0], sizes = [1], strides = [1]} : vector<16xi32> to vector<1xi32>
        %squeeze3A = vector.extract %slice3A[0] : i32 from vector<1xi32>
        %add3A_293 = arith.addi %scan3A_274, %squeeze3A : i32
        scf.yield %add3A_293 : i32
      }
      %scan3A_272 = arith.constant 8 : i32
      scf.yield %scan3A_271 : i32
    }
    %while3A_47 = arith.constant 1 : i32
    %while3A_48 = scf.for %while3A_196 = %while3A_44 to %while3A_40 step %while3A_47 iter_args(%while3A_197 = %while3A_46) -> (i32)  : i32 {
      %mul3A_198 = arith.constant 2 : i32
      %mul3A_199 = arith.muli %mul3A_198, %while3A_196 : i32
      %mul3A_200 = arith.constant 128 : i32
      %mul3A_201 = arith.muli %mul3A_199, %mul3A_200 : i32
      %add3A_202 = arith.addi %mul3A_8, %mul3A_201 : i32
      %mul3A_203 = arith.constant 128 : i32
      %mul3A_204 = arith.muli %mul3A_199, %mul3A_203 : i32
      %add3A_205 = arith.addi %mul3A_8, %mul3A_204 : i32
      %dma_wait3A = arith.constant 0 : i32
      %dma_wait3A_206 = arith.constant 0 : i32
      %dma_wait3A_207 = tpu.memref_slice %arg7[%dma_wait3A, %dma_wait3A_206] : memref<2x128xi32, #tpu.memory_space<vmem>> -> memref<1x128xi32, #tpu.memory_space<vmem>>
      %dma_wait3A_208 = tpu.memref_squeeze %dma_wait3A_207 : memref<1x128xi32, #tpu.memory_space<vmem>> -> memref<128xi32, #tpu.memory_space<vmem>>
      %dma_wait3A_209 = tpu.memref_slice %arg3[%add3A_202] : memref<327680xi32, #tpu.memory_space<hbm>> -> memref<128xi32, #tpu.memory_space<hbm>>
      %dma_wait3A_210 = arith.constant 0 : i32
      %dma_wait3A_211 = tpu.memref_slice %arg7[%dma_wait3A, %dma_wait3A_210] : memref<2x128xi32, #tpu.memory_space<vmem>> -> memref<1x128xi32, #tpu.memory_space<vmem>>
      %dma_wait3A_212 = tpu.memref_squeeze %dma_wait3A_211 : memref<1x128xi32, #tpu.memory_space<vmem>> -> memref<128xi32, #tpu.memory_space<vmem>>
      %dma_wait3A_213 = tpu.memref_slice %arg3[%add3A_202] : memref<327680xi32, #tpu.memory_space<hbm>> -> memref<128xi32, #tpu.memory_space<hbm>>
      tpu.wait_dma2 semaphore(%arg13 : memref<!tpu.dma_semaphore, #tpu.memory_space<semaphore_mem>>) src(%dma_wait3A_213 : memref<128xi32, #tpu.memory_space<hbm>>) dst(%dma_wait3A_212 : memref<128xi32, #tpu.memory_space<vmem>>)
      %dma_wait3A_214 = arith.constant 0 : i32
      %dma_wait3A_215 = arith.constant 0 : i32
      %dma_wait3A_216 = tpu.memref_slice %arg8[%dma_wait3A_214, %dma_wait3A_215] : memref<2x128xi32, #tpu.memory_space<vmem>> -> memref<1x128xi32, #tpu.memory_space<vmem>>
      %dma_wait3A_217 = tpu.memref_squeeze %dma_wait3A_216 : memref<1x128xi32, #tpu.memory_space<vmem>> -> memref<128xi32, #tpu.memory_space<vmem>>
      %dma_wait3A_218 = tpu.memref_slice %arg4[%add3A_205] : memref<327680xi32, #tpu.memory_space<hbm>> -> memref<128xi32, #tpu.memory_space<hbm>>
      %dma_wait3A_219 = arith.constant 0 : i32
      %dma_wait3A_220 = tpu.memref_slice %arg8[%dma_wait3A_214, %dma_wait3A_219] : memref<2x128xi32, #tpu.memory_space<vmem>> -> memref<1x128xi32, #tpu.memory_space<vmem>>
      %dma_wait3A_221 = tpu.memref_squeeze %dma_wait3A_220 : memref<1x128xi32, #tpu.memory_space<vmem>> -> memref<128xi32, #tpu.memory_space<vmem>>
      %dma_wait3A_222 = tpu.memref_slice %arg4[%add3A_205] : memref<327680xi32, #tpu.memory_space<hbm>> -> memref<128xi32, #tpu.memory_space<hbm>>
      tpu.wait_dma2 semaphore(%arg14 : memref<!tpu.dma_semaphore, #tpu.memory_space<semaphore_mem>>) src(%dma_wait3A_222 : memref<128xi32, #tpu.memory_space<hbm>>) dst(%dma_wait3A_221 : memref<128xi32, #tpu.memory_space<vmem>>)
      %add3A_223 = arith.constant 1 : i32
      %add3A_224 = arith.addi %mul3A_199, %add3A_223 : i32
      %lt3A = arith.cmpi slt, %add3A_224, %select_n3A : i32
      %convert_element_type3A_225 = arith.extui %lt3A : i1 to i32
      %cond3A_226 = arith.constant 0 : i32
      %cond3A_227 = arith.cmpi ne, %convert_element_type3A_225, %cond3A_226 : i32
      scf.if %cond3A_227 {
        %add3A_273 = arith.constant 1 : i32
        %add3A_274 = arith.addi %mul3A_199, %add3A_273 : i32
        %mul3A_275 = arith.constant 128 : i32
        %mul3A_276 = arith.muli %add3A_274, %mul3A_275 : i32
        %add3A_277 = arith.addi %mul3A_8, %mul3A_276 : i32
        %mul3A_278 = arith.constant 128 : i32
        %mul3A_279 = arith.muli %add3A_274, %mul3A_278 : i32
        %add3A_280 = arith.addi %mul3A_8, %mul3A_279 : i32
        %dma_start3A = arith.constant 1 : i32
        %dma_start3A_281 = arith.constant 0 : i32
        %dma_start3A_282 = tpu.memref_slice %arg7[%dma_start3A, %dma_start3A_281] : memref<2x128xi32, #tpu.memory_space<vmem>> -> memref<1x128xi32, #tpu.memory_space<vmem>>
        %dma_start3A_283 = tpu.memref_squeeze %dma_start3A_282 : memref<1x128xi32, #tpu.memory_space<vmem>> -> memref<128xi32, #tpu.memory_space<vmem>>
        %dma_start3A_284 = tpu.memref_slice %arg3[%add3A_277] : memref<327680xi32, #tpu.memory_space<hbm>> -> memref<128xi32, #tpu.memory_space<hbm>>
        %dma_start3A_285 = arith.constant 0 : i32
        %dma_start3A_286 = tpu.memref_slice %arg7[%dma_start3A, %dma_start3A_285] : memref<2x128xi32, #tpu.memory_space<vmem>> -> memref<1x128xi32, #tpu.memory_space<vmem>>
        %dma_start3A_287 = tpu.memref_squeeze %dma_start3A_286 : memref<1x128xi32, #tpu.memory_space<vmem>> -> memref<128xi32, #tpu.memory_space<vmem>>
        %dma_start3A_288 = tpu.memref_slice %arg3[%add3A_277] : memref<327680xi32, #tpu.memory_space<hbm>> -> memref<128xi32, #tpu.memory_space<hbm>>
        tpu.enqueue_dma source(%dma_start3A_288 : memref<128xi32, #tpu.memory_space<hbm>>) target(%dma_start3A_287 : memref<128xi32, #tpu.memory_space<vmem>>) target_semaphore(%arg13 : memref<!tpu.dma_semaphore, #tpu.memory_space<semaphore_mem>>)
        %dma_start3A_289 = arith.constant 1 : i32
        %dma_start3A_290 = arith.constant 0 : i32
        %dma_start3A_291 = tpu.memref_slice %arg8[%dma_start3A_289, %dma_start3A_290] : memref<2x128xi32, #tpu.memory_space<vmem>> -> memref<1x128xi32, #tpu.memory_space<vmem>>
        %dma_start3A_292 = tpu.memref_squeeze %dma_start3A_291 : memref<1x128xi32, #tpu.memory_space<vmem>> -> memref<128xi32, #tpu.memory_space<vmem>>
        %dma_start3A_293 = tpu.memref_slice %arg4[%add3A_280] : memref<327680xi32, #tpu.memory_space<hbm>> -> memref<128xi32, #tpu.memory_space<hbm>>
        %dma_start3A_294 = arith.constant 0 : i32
        %dma_start3A_295 = tpu.memref_slice %arg8[%dma_start3A_289, %dma_start3A_294] : memref<2x128xi32, #tpu.memory_space<vmem>> -> memref<1x128xi32, #tpu.memory_space<vmem>>
        %dma_start3A_296 = tpu.memref_squeeze %dma_start3A_295 : memref<1x128xi32, #tpu.memory_space<vmem>> -> memref<128xi32, #tpu.memory_space<vmem>>
        %dma_start3A_297 = tpu.memref_slice %arg4[%add3A_280] : memref<327680xi32, #tpu.memory_space<hbm>> -> memref<128xi32, #tpu.memory_space<hbm>>
        tpu.enqueue_dma source(%dma_start3A_297 : memref<128xi32, #tpu.memory_space<hbm>>) target(%dma_start3A_296 : memref<128xi32, #tpu.memory_space<vmem>>) target_semaphore(%arg14 : memref<!tpu.dma_semaphore, #tpu.memory_space<semaphore_mem>>)
      } else {
      }
      %scan3A = arith.constant 0 : i32
      %scan3A_228 = arith.constant 8 : i32
      %scan3A_229 = arith.addi %scan3A, %scan3A_228 : i32
      %scan3A_230 = arith.constant 1 : i32
      %scan3A_231 = scf.for %scan3A_273 = %scan3A to %scan3A_229 step %scan3A_230 iter_args(%scan3A_274 = %while3A_197) -> (i32)  : i32 {
        %mul3A_275 = arith.constant 16 : i32
        %mul3A_276 = arith.muli %scan3A_273, %mul3A_275 : i32
        %get3A = arith.constant 0 : i32
        %get3A_277 = arith.index_cast %get3A : i32 to index
        %get3A_278 = arith.index_cast %mul3A_276 : i32 to index
        %get3A_279 = tpu.vector_load %arg7[%get3A_277, %get3A_278] {strides = array<i32>} : memref<2x128xi32, #tpu.memory_space<vmem>>, vector<16xi32>,
        %mul3A_280 = arith.constant 16 : i32
        %mul3A_281 = arith.muli %scan3A_273, %mul3A_280 : i32
        %get3A_282 = arith.constant 0 : i32
        %get3A_283 = arith.index_cast %get3A_282 : i32 to index
        %get3A_284 = arith.index_cast %mul3A_281 : i32 to index
        %get3A_285 = tpu.vector_load %arg8[%get3A_283, %get3A_284] {strides = array<i32>} : memref<2x128xi32, #tpu.memory_space<vmem>>, vector<16xi32>,
        %lt3A_286 = arith.constant 2048 : i32
        %lt3A_287 = vector.broadcast %lt3A_286 : i32 to vector<16xi32>
        %lt3A_288 = arith.cmpi slt, %get3A_285, %lt3A_287 : vector<16xi32>
        %swap3A_289 = arith.index_cast %scan3A_274 : i32 to index
        %swap3A_290 = tpu.vector_load %arg15[%swap3A_289] masked %lt3A_288 {strides = array<i32>} : memref<13568xi32, #tpu.memory_space<vmem>>, vector<16xi32>, vector<16xi1>
        tpu.vector_store %arg15[%swap3A_289], %get3A_279 masked %lt3A_288 {strides = array<i32>} : memref<13568xi32, #tpu.memory_space<vmem>>, vector<16xi32>, vector<16xi1>
        %swap3A_291 = arith.index_cast %scan3A_274 : i32 to index
        %swap3A_292 = tpu.vector_load %arg16[%swap3A_291] masked %lt3A_288 {strides = array<i32>} : memref<13568xi32, #tpu.memory_space<vmem>>, vector<16xi32>, vector<16xi1>
        tpu.vector_store %arg16[%swap3A_291], %get3A_285 masked %lt3A_288 {strides = array<i32>} : memref<13568xi32, #tpu.memory_space<vmem>>, vector<16xi32>, vector<16xi1>
        %all_reduce_population_count3A = tpu.all_reduce %lt3A_288 {dim = 0 : i64, kind = #tpu.reduction_kind<sum>} : vector<16xi1> -> vector<16xi32>
        %slice3A = vector.extract_strided_slice %all_reduce_population_count3A {offsets = [0], sizes = [1], strides = [1]} : vector<16xi32> to vector<1xi32>
        %squeeze3A = vector.extract %slice3A[0] : i32 from vector<1xi32>
        %add3A_293 = arith.addi %scan3A_274, %squeeze3A : i32
        scf.yield %add3A_293 : i32
      }
      %scan3A_232 = arith.constant 8 : i32
      %mul3A_233 = arith.constant 2 : i32
      %mul3A_234 = arith.muli %mul3A_233, %while3A_196 : i32
      %add3A_235 = arith.constant 1 : i32
      %add3A_236 = arith.addi %mul3A_234, %add3A_235 : i32
      %mul3A_237 = arith.constant 128 : i32
      %mul3A_238 = arith.muli %add3A_236, %mul3A_237 : i32
      %add3A_239 = arith.addi %mul3A_8, %mul3A_238 : i32
      %mul3A_240 = arith.constant 128 : i32
      %mul3A_241 = arith.muli %add3A_236, %mul3A_240 : i32
      %add3A_242 = arith.addi %mul3A_8, %mul3A_241 : i32
      %dma_wait3A_243 = arith.constant 1 : i32
      %dma_wait3A_244 = arith.constant 0 : i32
      %dma_wait3A_245 = tpu.memref_slice %arg7[%dma_wait3A_243, %dma_wait3A_244] : memref<2x128xi32, #tpu.memory_space<vmem>> -> memref<1x128xi32, #tpu.memory_space<vmem>>
      %dma_wait3A_246 = tpu.memref_squeeze %dma_wait3A_245 : memref<1x128xi32, #tpu.memory_space<vmem>> -> memref<128xi32, #tpu.memory_space<vmem>>
      %dma_wait3A_247 = tpu.memref_slice %arg3[%add3A_239] : memref<327680xi32, #tpu.memory_space<hbm>> -> memref<128xi32, #tpu.memory_space<hbm>>
      %dma_wait3A_248 = arith.constant 0 : i32
      %dma_wait3A_249 = tpu.memref_slice %arg7[%dma_wait3A_243, %dma_wait3A_248] : memref<2x128xi32, #tpu.memory_space<vmem>> -> memref<1x128xi32, #tpu.memory_space<vmem>>
      %dma_wait3A_250 = tpu.memref_squeeze %dma_wait3A_249 : memref<1x128xi32, #tpu.memory_space<vmem>> -> memref<128xi32, #tpu.memory_space<vmem>>
      %dma_wait3A_251 = tpu.memref_slice %arg3[%add3A_239] : memref<327680xi32, #tpu.memory_space<hbm>> -> memref<128xi32, #tpu.memory_space<hbm>>
      tpu.wait_dma2 semaphore(%arg13 : memref<!tpu.dma_semaphore, #tpu.memory_space<semaphore_mem>>) src(%dma_wait3A_251 : memref<128xi32, #tpu.memory_space<hbm>>) dst(%dma_wait3A_250 : memref<128xi32, #tpu.memory_space<vmem>>)
      %dma_wait3A_252 = arith.constant 1 : i32
      %dma_wait3A_253 = arith.constant 0 : i32
      %dma_wait3A_254 = tpu.memref_slice %arg8[%dma_wait3A_252, %dma_wait3A_253] : memref<2x128xi32, #tpu.memory_space<vmem>> -> memref<1x128xi32, #tpu.memory_space<vmem>>
      %dma_wait3A_255 = tpu.memref_squeeze %dma_wait3A_254 : memref<1x128xi32, #tpu.memory_space<vmem>> -> memref<128xi32, #tpu.memory_space<vmem>>
      %dma_wait3A_256 = tpu.memref_slice %arg4[%add3A_242] : memref<327680xi32, #tpu.memory_space<hbm>> -> memref<128xi32, #tpu.memory_space<hbm>>
      %dma_wait3A_257 = arith.constant 0 : i32
      %dma_wait3A_258 = tpu.memref_slice %arg8[%dma_wait3A_252, %dma_wait3A_257] : memref<2x128xi32, #tpu.memory_space<vmem>> -> memref<1x128xi32, #tpu.memory_space<vmem>>
      %dma_wait3A_259 = tpu.memref_squeeze %dma_wait3A_258 : memref<1x128xi32, #tpu.memory_space<vmem>> -> memref<128xi32, #tpu.memory_space<vmem>>
      %dma_wait3A_260 = tpu.memref_slice %arg4[%add3A_242] : memref<327680xi32, #tpu.memory_space<hbm>> -> memref<128xi32, #tpu.memory_space<hbm>>
      tpu.wait_dma2 semaphore(%arg14 : memref<!tpu.dma_semaphore, #tpu.memory_space<semaphore_mem>>) src(%dma_wait3A_260 : memref<128xi32, #tpu.memory_space<hbm>>) dst(%dma_wait3A_259 : memref<128xi32, #tpu.memory_space<vmem>>)
      %add3A_261 = arith.constant 1 : i32
      %add3A_262 = arith.addi %add3A_236, %add3A_261 : i32
      %lt3A_263 = arith.cmpi slt, %add3A_262, %select_n3A : i32
      %convert_element_type3A_264 = arith.extui %lt3A_263 : i1 to i32
      %cond3A_265 = arith.constant 0 : i32
      %cond3A_266 = arith.cmpi ne, %convert_element_type3A_264, %cond3A_265 : i32
      scf.if %cond3A_266 {
        %add3A_273 = arith.constant 1 : i32
        %add3A_274 = arith.addi %add3A_236, %add3A_273 : i32
        %mul3A_275 = arith.constant 128 : i32
        %mul3A_276 = arith.muli %add3A_274, %mul3A_275 : i32
        %add3A_277 = arith.addi %mul3A_8, %mul3A_276 : i32
        %mul3A_278 = arith.constant 128 : i32
        %mul3A_279 = arith.muli %add3A_274, %mul3A_278 : i32
        %add3A_280 = arith.addi %mul3A_8, %mul3A_279 : i32
        %dma_start3A = arith.constant 0 : i32
        %dma_start3A_281 = arith.constant 0 : i32
        %dma_start3A_282 = tpu.memref_slice %arg7[%dma_start3A, %dma_start3A_281] : memref<2x128xi32, #tpu.memory_space<vmem>> -> memref<1x128xi32, #tpu.memory_space<vmem>>
        %dma_start3A_283 = tpu.memref_squeeze %dma_start3A_282 : memref<1x128xi32, #tpu.memory_space<vmem>> -> memref<128xi32, #tpu.memory_space<vmem>>
        %dma_start3A_284 = tpu.memref_slice %arg3[%add3A_277] : memref<327680xi32, #tpu.memory_space<hbm>> -> memref<128xi32, #tpu.memory_space<hbm>>
        %dma_start3A_285 = arith.constant 0 : i32
        %dma_start3A_286 = tpu.memref_slice %arg7[%dma_start3A, %dma_start3A_285] : memref<2x128xi32, #tpu.memory_space<vmem>> -> memref<1x128xi32, #tpu.memory_space<vmem>>
        %dma_start3A_287 = tpu.memref_squeeze %dma_start3A_286 : memref<1x128xi32, #tpu.memory_space<vmem>> -> memref<128xi32, #tpu.memory_space<vmem>>
        %dma_start3A_288 = tpu.memref_slice %arg3[%add3A_277] : memref<327680xi32, #tpu.memory_space<hbm>> -> memref<128xi32, #tpu.memory_space<hbm>>
        tpu.enqueue_dma source(%dma_start3A_288 : memref<128xi32, #tpu.memory_space<hbm>>) target(%dma_start3A_287 : memref<128xi32, #tpu.memory_space<vmem>>) target_semaphore(%arg13 : memref<!tpu.dma_semaphore, #tpu.memory_space<semaphore_mem>>)
        %dma_start3A_289 = arith.constant 0 : i32
        %dma_start3A_290 = arith.constant 0 : i32
        %dma_start3A_291 = tpu.memref_slice %arg8[%dma_start3A_289, %dma_start3A_290] : memref<2x128xi32, #tpu.memory_space<vmem>> -> memref<1x128xi32, #tpu.memory_space<vmem>>
        %dma_start3A_292 = tpu.memref_squeeze %dma_start3A_291 : memref<1x128xi32, #tpu.memory_space<vmem>> -> memref<128xi32, #tpu.memory_space<vmem>>
        %dma_start3A_293 = tpu.memref_slice %arg4[%add3A_280] : memref<327680xi32, #tpu.memory_space<hbm>> -> memref<128xi32, #tpu.memory_space<hbm>>
        %dma_start3A_294 = arith.constant 0 : i32
        %dma_start3A_295 = tpu.memref_slice %arg8[%dma_start3A_289, %dma_start3A_294] : memref<2x128xi32, #tpu.memory_space<vmem>> -> memref<1x128xi32, #tpu.memory_space<vmem>>
        %dma_start3A_296 = tpu.memref_squeeze %dma_start3A_295 : memref<1x128xi32, #tpu.memory_space<vmem>> -> memref<128xi32, #tpu.memory_space<vmem>>
        %dma_start3A_297 = tpu.memref_slice %arg4[%add3A_280] : memref<327680xi32, #tpu.memory_space<hbm>> -> memref<128xi32, #tpu.memory_space<hbm>>
        tpu.enqueue_dma source(%dma_start3A_297 : memref<128xi32, #tpu.memory_space<hbm>>) target(%dma_start3A_296 : memref<128xi32, #tpu.memory_space<vmem>>) target_semaphore(%arg14 : memref<!tpu.dma_semaphore, #tpu.memory_space<semaphore_mem>>)
      } else {
      }
      %scan3A_267 = arith.constant 0 : i32
      %scan3A_268 = arith.constant 8 : i32
      %scan3A_269 = arith.addi %scan3A_267, %scan3A_268 : i32
      %scan3A_270 = arith.constant 1 : i32
      %scan3A_271 = scf.for %scan3A_273 = %scan3A_267 to %scan3A_269 step %scan3A_270 iter_args(%scan3A_274 = %scan3A_231) -> (i32)  : i32 {
        %mul3A_275 = arith.constant 16 : i32
        %mul3A_276 = arith.muli %scan3A_273, %mul3A_275 : i32
        %get3A = arith.constant 1 : i32
        %get3A_277 = arith.index_cast %get3A : i32 to index
        %get3A_278 = arith.index_cast %mul3A_276 : i32 to index
        %get3A_279 = tpu.vector_load %arg7[%get3A_277, %get3A_278] {strides = array<i32>} : memref<2x128xi32, #tpu.memory_space<vmem>>, vector<16xi32>,
        %mul3A_280 = arith.constant 16 : i32
        %mul3A_281 = arith.muli %scan3A_273, %mul3A_280 : i32
        %get3A_282 = arith.constant 1 : i32
        %get3A_283 = arith.index_cast %get3A_282 : i32 to index
        %get3A_284 = arith.index_cast %mul3A_281 : i32 to index
        %get3A_285 = tpu.vector_load %arg8[%get3A_283, %get3A_284] {strides = array<i32>} : memref<2x128xi32, #tpu.memory_space<vmem>>, vector<16xi32>,
        %lt3A_286 = arith.constant 2048 : i32
        %lt3A_287 = vector.broadcast %lt3A_286 : i32 to vector<16xi32>
        %lt3A_288 = arith.cmpi slt, %get3A_285, %lt3A_287 : vector<16xi32>
        %swap3A_289 = arith.index_cast %scan3A_274 : i32 to index
        %swap3A_290 = tpu.vector_load %arg15[%swap3A_289] masked %lt3A_288 {strides = array<i32>} : memref<13568xi32, #tpu.memory_space<vmem>>, vector<16xi32>, vector<16xi1>
        tpu.vector_store %arg15[%swap3A_289], %get3A_279 masked %lt3A_288 {strides = array<i32>} : memref<13568xi32, #tpu.memory_space<vmem>>, vector<16xi32>, vector<16xi1>
        %swap3A_291 = arith.index_cast %scan3A_274 : i32 to index
        %swap3A_292 = tpu.vector_load %arg16[%swap3A_291] masked %lt3A_288 {strides = array<i32>} : memref<13568xi32, #tpu.memory_space<vmem>>, vector<16xi32>, vector<16xi1>
        tpu.vector_store %arg16[%swap3A_291], %get3A_285 masked %lt3A_288 {strides = array<i32>} : memref<13568xi32, #tpu.memory_space<vmem>>, vector<16xi32>, vector<16xi1>
        %all_reduce_population_count3A = tpu.all_reduce %lt3A_288 {dim = 0 : i64, kind = #tpu.reduction_kind<sum>} : vector<16xi1> -> vector<16xi32>
        %slice3A = vector.extract_strided_slice %all_reduce_population_count3A {offsets = [0], sizes = [1], strides = [1]} : vector<16xi32> to vector<1xi32>
        %squeeze3A = vector.extract %slice3A[0] : i32 from vector<1xi32>
        %add3A_293 = arith.addi %scan3A_274, %squeeze3A : i32
        scf.yield %add3A_293 : i32
      }
      %scan3A_272 = arith.constant 8 : i32
      scf.yield %scan3A_271 : i32
    }
    %broadcast_in_dim3A_49 = arith.constant 0 : i32
    %broadcast_in_dim3A_50 = vector.broadcast %broadcast_in_dim3A_49 : i32 to vector<16xi32>
    %broadcast_in_dim3A_51 = arith.constant 2048 : i32
    %broadcast_in_dim3A_52 = vector.broadcast %broadcast_in_dim3A_51 : i32 to vector<16xi32>
    %add3A_53 = arith.constant 0 : i32
    %add3A_54 = arith.addi %while3A_48, %add3A_53 : i32
    %swap3A = arith.index_cast %add3A_54 : i32 to index
    %swap3A_55 = tpu.vector_load %arg15[%swap3A] {strides = array<i32>} : memref<13568xi32, #tpu.memory_space<vmem>>, vector<16xi32>,
    tpu.vector_store %arg15[%swap3A], %broadcast_in_dim3A_50 {strides = array<i32>} : memref<13568xi32, #tpu.memory_space<vmem>>, vector<16xi32>,
    %add3A_56 = arith.constant 0 : i32
    %add3A_57 = arith.addi %while3A_48, %add3A_56 : i32
    %swap3A_58 = arith.index_cast %add3A_57 : i32 to index
    %swap3A_59 = tpu.vector_load %arg16[%swap3A_58] {strides = array<i32>} : memref<13568xi32, #tpu.memory_space<vmem>>, vector<16xi32>,
    tpu.vector_store %arg16[%swap3A_58], %broadcast_in_dim3A_52 {strides = array<i32>} : memref<13568xi32, #tpu.memory_space<vmem>>, vector<16xi32>,
    %add3A_60 = arith.constant 16 : i32
    %add3A_61 = arith.addi %while3A_48, %add3A_60 : i32
    %swap3A_62 = arith.index_cast %add3A_61 : i32 to index
    %swap3A_63 = tpu.vector_load %arg15[%swap3A_62] {strides = array<i32>} : memref<13568xi32, #tpu.memory_space<vmem>>, vector<16xi32>,
    tpu.vector_store %arg15[%swap3A_62], %broadcast_in_dim3A_50 {strides = array<i32>} : memref<13568xi32, #tpu.memory_space<vmem>>, vector<16xi32>,
    %add3A_64 = arith.constant 16 : i32
    %add3A_65 = arith.addi %while3A_48, %add3A_64 : i32
    %swap3A_66 = arith.index_cast %add3A_65 : i32 to index
    %swap3A_67 = tpu.vector_load %arg16[%swap3A_66] {strides = array<i32>} : memref<13568xi32, #tpu.memory_space<vmem>>, vector<16xi32>,
    tpu.vector_store %arg16[%swap3A_66], %broadcast_in_dim3A_52 {strides = array<i32>} : memref<13568xi32, #tpu.memory_space<vmem>>, vector<16xi32>,
    %add3A_68 = arith.constant 32 : i32
    %add3A_69 = arith.addi %while3A_48, %add3A_68 : i32
    %swap3A_70 = arith.index_cast %add3A_69 : i32 to index
    %swap3A_71 = tpu.vector_load %arg15[%swap3A_70] {strides = array<i32>} : memref<13568xi32, #tpu.memory_space<vmem>>, vector<16xi32>,
    tpu.vector_store %arg15[%swap3A_70], %broadcast_in_dim3A_50 {strides = array<i32>} : memref<13568xi32, #tpu.memory_space<vmem>>, vector<16xi32>,
    %add3A_72 = arith.constant 32 : i32
    %add3A_73 = arith.addi %while3A_48, %add3A_72 : i32
    %swap3A_74 = arith.index_cast %add3A_73 : i32 to index
    %swap3A_75 = tpu.vector_load %arg16[%swap3A_74] {strides = array<i32>} : memref<13568xi32, #tpu.memory_space<vmem>>, vector<16xi32>,
    tpu.vector_store %arg16[%swap3A_74], %broadcast_in_dim3A_52 {strides = array<i32>} : memref<13568xi32, #tpu.memory_space<vmem>>, vector<16xi32>,
    %add3A_76 = arith.constant 48 : i32
    %add3A_77 = arith.addi %while3A_48, %add3A_76 : i32
    %swap3A_78 = arith.index_cast %add3A_77 : i32 to index
    %swap3A_79 = tpu.vector_load %arg15[%swap3A_78] {strides = array<i32>} : memref<13568xi32, #tpu.memory_space<vmem>>, vector<16xi32>,
    tpu.vector_store %arg15[%swap3A_78], %broadcast_in_dim3A_50 {strides = array<i32>} : memref<13568xi32, #tpu.memory_space<vmem>>, vector<16xi32>,
    %add3A_80 = arith.constant 48 : i32
    %add3A_81 = arith.addi %while3A_48, %add3A_80 : i32
    %swap3A_82 = arith.index_cast %add3A_81 : i32 to index
    %swap3A_83 = tpu.vector_load %arg16[%swap3A_82] {strides = array<i32>} : memref<13568xi32, #tpu.memory_space<vmem>>, vector<16xi32>,
    tpu.vector_store %arg16[%swap3A_82], %broadcast_in_dim3A_52 {strides = array<i32>} : memref<13568xi32, #tpu.memory_space<vmem>>, vector<16xi32>,
    %add3A_84 = arith.constant 64 : i32
    %add3A_85 = arith.addi %while3A_48, %add3A_84 : i32
    %swap3A_86 = arith.index_cast %add3A_85 : i32 to index
    %swap3A_87 = tpu.vector_load %arg15[%swap3A_86] {strides = array<i32>} : memref<13568xi32, #tpu.memory_space<vmem>>, vector<16xi32>,
    tpu.vector_store %arg15[%swap3A_86], %broadcast_in_dim3A_50 {strides = array<i32>} : memref<13568xi32, #tpu.memory_space<vmem>>, vector<16xi32>,
    %add3A_88 = arith.constant 64 : i32
    %add3A_89 = arith.addi %while3A_48, %add3A_88 : i32
    %swap3A_90 = arith.index_cast %add3A_89 : i32 to index
    %swap3A_91 = tpu.vector_load %arg16[%swap3A_90] {strides = array<i32>} : memref<13568xi32, #tpu.memory_space<vmem>>, vector<16xi32>,
    tpu.vector_store %arg16[%swap3A_90], %broadcast_in_dim3A_52 {strides = array<i32>} : memref<13568xi32, #tpu.memory_space<vmem>>, vector<16xi32>,
    %add3A_92 = arith.constant 80 : i32
    %add3A_93 = arith.addi %while3A_48, %add3A_92 : i32
    %swap3A_94 = arith.index_cast %add3A_93 : i32 to index
    %swap3A_95 = tpu.vector_load %arg15[%swap3A_94] {strides = array<i32>} : memref<13568xi32, #tpu.memory_space<vmem>>, vector<16xi32>,
    tpu.vector_store %arg15[%swap3A_94], %broadcast_in_dim3A_50 {strides = array<i32>} : memref<13568xi32, #tpu.memory_space<vmem>>, vector<16xi32>,
    %add3A_96 = arith.constant 80 : i32
    %add3A_97 = arith.addi %while3A_48, %add3A_96 : i32
    %swap3A_98 = arith.index_cast %add3A_97 : i32 to index
    %swap3A_99 = tpu.vector_load %arg16[%swap3A_98] {strides = array<i32>} : memref<13568xi32, #tpu.memory_space<vmem>>, vector<16xi32>,
    tpu.vector_store %arg16[%swap3A_98], %broadcast_in_dim3A_52 {strides = array<i32>} : memref<13568xi32, #tpu.memory_space<vmem>>, vector<16xi32>,
    %add3A_100 = arith.constant 96 : i32
    %add3A_101 = arith.addi %while3A_48, %add3A_100 : i32
    %swap3A_102 = arith.index_cast %add3A_101 : i32 to index
    %swap3A_103 = tpu.vector_load %arg15[%swap3A_102] {strides = array<i32>} : memref<13568xi32, #tpu.memory_space<vmem>>, vector<16xi32>,
    tpu.vector_store %arg15[%swap3A_102], %broadcast_in_dim3A_50 {strides = array<i32>} : memref<13568xi32, #tpu.memory_space<vmem>>, vector<16xi32>,
    %add3A_104 = arith.constant 96 : i32
    %add3A_105 = arith.addi %while3A_48, %add3A_104 : i32
    %swap3A_106 = arith.index_cast %add3A_105 : i32 to index
    %swap3A_107 = tpu.vector_load %arg16[%swap3A_106] {strides = array<i32>} : memref<13568xi32, #tpu.memory_space<vmem>>, vector<16xi32>,
    tpu.vector_store %arg16[%swap3A_106], %broadcast_in_dim3A_52 {strides = array<i32>} : memref<13568xi32, #tpu.memory_space<vmem>>, vector<16xi32>,
    %add3A_108 = arith.constant 112 : i32
    %add3A_109 = arith.addi %while3A_48, %add3A_108 : i32
    %swap3A_110 = arith.index_cast %add3A_109 : i32 to index
    %swap3A_111 = tpu.vector_load %arg15[%swap3A_110] {strides = array<i32>} : memref<13568xi32, #tpu.memory_space<vmem>>, vector<16xi32>,
    tpu.vector_store %arg15[%swap3A_110], %broadcast_in_dim3A_50 {strides = array<i32>} : memref<13568xi32, #tpu.memory_space<vmem>>, vector<16xi32>,
    %add3A_112 = arith.constant 112 : i32
    %add3A_113 = arith.addi %while3A_48, %add3A_112 : i32
    %swap3A_114 = arith.index_cast %add3A_113 : i32 to index
    %swap3A_115 = tpu.vector_load %arg16[%swap3A_114] {strides = array<i32>} : memref<13568xi32, #tpu.memory_space<vmem>>, vector<16xi32>,
    tpu.vector_store %arg16[%swap3A_114], %broadcast_in_dim3A_52 {strides = array<i32>} : memref<13568xi32, #tpu.memory_space<vmem>>, vector<16xi32>,
    %add3A_116 = arith.constant 128 : i32
    %add3A_117 = arith.addi %while3A_48, %add3A_116 : i32
    %sub3A_118 = arith.constant 1 : i32
    %sub3A_119 = arith.subi %add3A_117, %sub3A_118 : i32
    %jit3A_120 = arith.constant 128 : i32
    %div3A_121 = arith.divsi %sub3A_119, %jit3A_120 : i32
    %sign3A_122 = arith.constant 0 : i32
    %sign3A_123 = arith.cmpi sgt, %sub3A_119, %sign3A_122 : i32
    %sign3A_124 = arith.extui %sign3A_123 : i1 to i32
    %sign3A_125 = arith.constant 0 : i32
    %sign3A_126 = arith.cmpi slt, %sub3A_119, %sign3A_125 : i32
    %sign3A_127 = arith.extui %sign3A_126 : i1 to i32
    %sign3A_128 = arith.subi %sign3A_124, %sign3A_127 : i32
    %sign3A_129 = arith.constant 0 : i32
    %sign3A_130 = arith.cmpi sgt, %jit3A_120, %sign3A_129 : i32
    %sign3A_131 = arith.extui %sign3A_130 : i1 to i32
    %sign3A_132 = arith.constant 0 : i32
    %sign3A_133 = arith.cmpi slt, %jit3A_120, %sign3A_132 : i32
    %sign3A_134 = arith.extui %sign3A_133 : i1 to i32
    %sign3A_135 = arith.subi %sign3A_131, %sign3A_134 : i32
    %ne3A_136 = arith.cmpi ne, %sign3A_128, %sign3A_135 : i32
    %rem3A_137 = arith.remsi %sub3A_119, %jit3A_120 : i32
    %ne3A_138 = arith.constant 0 : i32
    %ne3A_139 = arith.cmpi ne, %rem3A_137, %ne3A_138 : i32
    %and3A_140 = arith.andi %ne3A_136, %ne3A_139 : i1
    %sub3A_141 = arith.constant 1 : i32
    %sub3A_142 = arith.subi %div3A_121, %sub3A_141 : i32
    %select_n3A_143 = arith.select %and3A_140, %sub3A_142, %div3A_121 : i32
    %while3A_144 = arith.constant 0 : i32
    %while3A_145 = arith.constant 0 : i32
    %while3A_146 = arith.subi %select_n3A_143, %while3A_145 : i32
    %while3A_147 = arith.addi %while3A_145, %while3A_146 : i32
    %while3A_148 = arith.constant 1 : i32
    %while3A_149 = arith.divsi %while3A_146, %while3A_148 : i32
    %while3A_150 = arith.muli %while3A_149, %while3A_148 : i32
    %while3A_151 = arith.addi %while3A_145, %while3A_150 : i32
    %while3A_152 = arith.constant 1 : i32
    scf.for %while3A_196 = %while3A_145 to %while3A_151 step %while3A_152  : i32 {
      %scan3A = arith.constant 0 : i32
      %scan3A_197 = arith.constant 8 : i32
      %scan3A_198 = arith.addi %scan3A, %scan3A_197 : i32
      %scan3A_199 = arith.constant 1 : i32
      scf.for %scan3A_201 = %scan3A to %scan3A_198 step %scan3A_199  : i32 {
        %mul3A_202 = arith.constant 128 : i32
        %mul3A_203 = arith.muli %while3A_196, %mul3A_202 : i32
        %mul3A_204 = arith.constant 16 : i32
        %mul3A_205 = arith.muli %scan3A_201, %mul3A_204 : i32
        %add3A_206 = arith.addi %mul3A_203, %mul3A_205 : i32
        %get3A = arith.index_cast %add3A_206 : i32 to index
        %get3A_207 = tpu.vector_load %arg16[%get3A] {strides = array<i32>} : memref<13568xi32, #tpu.memory_space<vmem>>, vector<16xi32>,
        %mul3A_208 = arith.constant 16 : i32
        %mul3A_209 = arith.muli %scan3A_201, %mul3A_208 : i32
        %swap3A_210 = arith.index_cast %while3A_196 : i32 to index
        %swap3A_211 = arith.index_cast %mul3A_209 : i32 to index
        %swap3A_212 = tpu.vector_load %arg17[%swap3A_210, %swap3A_211] {strides = array<i32>} : memref<105x128xi32, #tpu.memory_space<vmem>>, vector<16xi32>,
        tpu.vector_store %arg17[%swap3A_210, %swap3A_211], %get3A_207 {strides = array<i32>} : memref<105x128xi32, #tpu.memory_space<vmem>>, vector<16xi32>,
      }
      %scan3A_200 = arith.constant 8 : i32
    }
    %while3A_153 = arith.constant 1 : i32
    scf.for %while3A_196 = %while3A_151 to %while3A_147 step %while3A_153  : i32 {
      %scan3A = arith.constant 0 : i32
      %scan3A_197 = arith.constant 8 : i32
      %scan3A_198 = arith.addi %scan3A, %scan3A_197 : i32
      %scan3A_199 = arith.constant 1 : i32
      scf.for %scan3A_201 = %scan3A to %scan3A_198 step %scan3A_199  : i32 {
        %mul3A_202 = arith.constant 128 : i32
        %mul3A_203 = arith.muli %while3A_196, %mul3A_202 : i32
        %mul3A_204 = arith.constant 16 : i32
        %mul3A_205 = arith.muli %scan3A_201, %mul3A_204 : i32
        %add3A_206 = arith.addi %mul3A_203, %mul3A_205 : i32
        %get3A = arith.index_cast %add3A_206 : i32 to index
        %get3A_207 = tpu.vector_load %arg16[%get3A] {strides = array<i32>} : memref<13568xi32, #tpu.memory_space<vmem>>, vector<16xi32>,
        %mul3A_208 = arith.constant 16 : i32
        %mul3A_209 = arith.muli %scan3A_201, %mul3A_208 : i32
        %swap3A_210 = arith.index_cast %while3A_196 : i32 to index
        %swap3A_211 = arith.index_cast %mul3A_209 : i32 to index
        %swap3A_212 = tpu.vector_load %arg17[%swap3A_210, %swap3A_211] {strides = array<i32>} : memref<105x128xi32, #tpu.memory_space<vmem>>, vector<16xi32>,
        tpu.vector_store %arg17[%swap3A_210, %swap3A_211], %get3A_207 {strides = array<i32>} : memref<105x128xi32, #tpu.memory_space<vmem>>, vector<16xi32>,
      }
      %scan3A_200 = arith.constant 8 : i32
    }
    %gt3A_154 = arith.constant 0 : i32
    %gt3A_155 = arith.cmpi sgt, %select_n3A_143, %gt3A_154 : i32
    %convert_element_type3A_156 = arith.extui %gt3A_155 : i1 to i32
    %cond3A_157 = arith.constant 0 : i32
    %cond3A_158 = arith.cmpi ne, %convert_element_type3A_156, %cond3A_157 : i32
    scf.if %cond3A_158 {
      %dma_start3A = arith.constant 0 : i32
      %dma_start3A_196 = arith.constant 0 : i32
      %dma_start3A_197 = arith.constant 0 : i32
      %dma_start3A_198 = tpu.memref_slice %arg9[%dma_start3A, %dma_start3A_196, %dma_start3A_197] : memref<2x128x128xf32, #tpu.memory_space<vmem>> -> memref<1x128x128xf32, #tpu.memory_space<vmem>>
      %dma_start3A_199 = tpu.memref_squeeze %dma_start3A_198 : memref<1x128x128xf32, #tpu.memory_space<vmem>> -> memref<128x128xf32, #tpu.memory_space<vmem>>
      %dma_start3A_200 = arith.constant 0 : i32
      %dma_start3A_201 = tpu.memref_slice %arg15[%dma_start3A_200] : memref<13568xi32, #tpu.memory_space<vmem>> -> memref<128xi32, #tpu.memory_space<vmem>>
      %dma_start3A_202 = arith.constant 0 : i32
      %dma_start3A_203 = arith.constant 0 : i32
      %dma_start3A_204 = tpu.memref_slice %arg2[%dma_start3A_202, %dma_start3A_203] : memref<10000x128xf32, #tpu.memory_space<hbm>> -> memref<10000x128xf32, #tpu.memory_space<hbm>>
      tpu.enqueue_indirect_dma source(%dma_start3A_204 : memref<10000x128xf32, #tpu.memory_space<hbm>>) target(%dma_start3A_199 : memref<128x128xf32, #tpu.memory_space<vmem>>) offsets(%dma_start3A_201 : memref<128xi32, #tpu.memory_space<vmem>>) semaphore(%arg11 : memref<!tpu.dma_semaphore, #tpu.memory_space<semaphore_mem>>)
    } else {
    }
    %add3A_159 = arith.constant 1 : i32
    %add3A_160 = arith.addi %select_n3A_143, %add3A_159 : i32
    %jit3A_161 = arith.constant 2 : i32
    %div3A_162 = arith.divsi %add3A_160, %jit3A_161 : i32
    %sign3A_163 = arith.constant 0 : i32
    %sign3A_164 = arith.cmpi sgt, %add3A_160, %sign3A_163 : i32
    %sign3A_165 = arith.extui %sign3A_164 : i1 to i32
    %sign3A_166 = arith.constant 0 : i32
    %sign3A_167 = arith.cmpi slt, %add3A_160, %sign3A_166 : i32
    %sign3A_168 = arith.extui %sign3A_167 : i1 to i32
    %sign3A_169 = arith.subi %sign3A_165, %sign3A_168 : i32
    %sign3A_170 = arith.constant 0 : i32
    %sign3A_171 = arith.cmpi sgt, %jit3A_161, %sign3A_170 : i32
    %sign3A_172 = arith.extui %sign3A_171 : i1 to i32
    %sign3A_173 = arith.constant 0 : i32
    %sign3A_174 = arith.cmpi slt, %jit3A_161, %sign3A_173 : i32
    %sign3A_175 = arith.extui %sign3A_174 : i1 to i32
    %sign3A_176 = arith.subi %sign3A_172, %sign3A_175 : i32
    %ne3A_177 = arith.cmpi ne, %sign3A_169, %sign3A_176 : i32
    %rem3A_178 = arith.remsi %add3A_160, %jit3A_161 : i32
    %ne3A_179 = arith.constant 0 : i32
    %ne3A_180 = arith.cmpi ne, %rem3A_178, %ne3A_179 : i32
    %and3A_181 = arith.andi %ne3A_177, %ne3A_180 : i1
    %sub3A_182 = arith.constant 1 : i32
    %sub3A_183 = arith.subi %div3A_162, %sub3A_182 : i32
    %select_n3A_184 = arith.select %and3A_181, %sub3A_183, %div3A_162 : i32
    %while3A_185 = arith.constant 0 : i32
    %while3A_186 = arith.constant 0 : i32
    %while3A_187 = arith.subi %select_n3A_184, %while3A_186 : i32
    %while3A_188 = arith.addi %while3A_186, %while3A_187 : i32
    %while3A_189 = arith.constant 1 : i32
    %while3A_190 = arith.divsi %while3A_187, %while3A_189 : i32
    %while3A_191 = arith.muli %while3A_190, %while3A_189 : i32
    %while3A_192 = arith.addi %while3A_186, %while3A_191 : i32
    %while3A_193 = arith.constant 1 : i32
    scf.for %while3A_196 = %while3A_186 to %while3A_192 step %while3A_193  : i32 {
      %mul3A_197 = arith.constant 2 : i32
      %mul3A_198 = arith.muli %mul3A_197, %while3A_196 : i32
      %mul3A_199 = arith.constant 128 : i32
      %mul3A_200 = arith.muli %mul3A_198, %mul3A_199 : i32
      %dma_wait3A = arith.constant 0 : i32
      %dma_wait3A_201 = arith.constant 0 : i32
      %dma_wait3A_202 = arith.constant 0 : i32
      %dma_wait3A_203 = tpu.memref_slice %arg9[%dma_wait3A, %dma_wait3A_201, %dma_wait3A_202] : memref<2x128x128xf32, #tpu.memory_space<vmem>> -> memref<1x128x128xf32, #tpu.memory_space<vmem>>
      %dma_wait3A_204 = tpu.memref_squeeze %dma_wait3A_203 : memref<1x128x128xf32, #tpu.memory_space<vmem>> -> memref<128x128xf32, #tpu.memory_space<vmem>>
      %dma_wait3A_205 = tpu.memref_slice %arg15[%mul3A_200] : memref<13568xi32, #tpu.memory_space<vmem>> -> memref<128xi32, #tpu.memory_space<vmem>>
      %dma_wait3A_206 = arith.constant 0 : i32
      %dma_wait3A_207 = arith.constant 0 : i32
      %dma_wait3A_208 = tpu.memref_slice %arg2[%dma_wait3A_206, %dma_wait3A_207] : memref<10000x128xf32, #tpu.memory_space<hbm>> -> memref<10000x128xf32, #tpu.memory_space<hbm>>
      tpu.wait_indirect_dma semaphore(%arg11 : memref<!tpu.dma_semaphore, #tpu.memory_space<semaphore_mem>>) src(%dma_wait3A_208 : memref<10000x128xf32, #tpu.memory_space<hbm>>) dst(%dma_wait3A_204 : memref<128x128xf32, #tpu.memory_space<vmem>>)
      %add3A_209 = arith.constant 1 : i32
      %add3A_210 = arith.addi %mul3A_198, %add3A_209 : i32
      %lt3A = arith.cmpi slt, %add3A_210, %select_n3A_143 : i32
      %convert_element_type3A_211 = arith.extui %lt3A : i1 to i32
      %cond3A_212 = arith.constant 0 : i32
      %cond3A_213 = arith.cmpi ne, %convert_element_type3A_211, %cond3A_212 : i32
      scf.if %cond3A_213 {
        %add3A_223 = arith.constant 1 : i32
        %add3A_224 = arith.addi %mul3A_198, %add3A_223 : i32
        %mul3A_225 = arith.constant 128 : i32
        %mul3A_226 = arith.muli %add3A_224, %mul3A_225 : i32
        %dma_start3A = arith.constant 1 : i32
        %dma_start3A_227 = arith.constant 0 : i32
        %dma_start3A_228 = arith.constant 0 : i32
        %dma_start3A_229 = tpu.memref_slice %arg9[%dma_start3A, %dma_start3A_227, %dma_start3A_228] : memref<2x128x128xf32, #tpu.memory_space<vmem>> -> memref<1x128x128xf32, #tpu.memory_space<vmem>>
        %dma_start3A_230 = tpu.memref_squeeze %dma_start3A_229 : memref<1x128x128xf32, #tpu.memory_space<vmem>> -> memref<128x128xf32, #tpu.memory_space<vmem>>
        %dma_start3A_231 = tpu.memref_slice %arg15[%mul3A_226] : memref<13568xi32, #tpu.memory_space<vmem>> -> memref<128xi32, #tpu.memory_space<vmem>>
        %dma_start3A_232 = arith.constant 0 : i32
        %dma_start3A_233 = arith.constant 0 : i32
        %dma_start3A_234 = tpu.memref_slice %arg2[%dma_start3A_232, %dma_start3A_233] : memref<10000x128xf32, #tpu.memory_space<hbm>> -> memref<10000x128xf32, #tpu.memory_space<hbm>>
        tpu.enqueue_indirect_dma source(%dma_start3A_234 : memref<10000x128xf32, #tpu.memory_space<hbm>>) target(%dma_start3A_230 : memref<128x128xf32, #tpu.memory_space<vmem>>) offsets(%dma_start3A_231 : memref<128xi32, #tpu.memory_space<vmem>>) semaphore(%arg12 : memref<!tpu.dma_semaphore, #tpu.memory_space<semaphore_mem>>)
      } else {
      }
      %run_scoped3A_214 = arith.constant 0 : i32
      "tpu.region"() ({
        %run_scoped3A_223 = tpu.sem_alloc : memref<!tpu.dma_semaphore, #tpu.memory_space<semaphore_mem>>
        %dma_start3A = arith.constant 0 : i32
        %dma_start3A_224 = arith.constant 0 : i32
        %dma_start3A_225 = tpu.memref_slice %arg9[%run_scoped3A_214, %dma_start3A, %dma_start3A_224] : memref<2x128x128xf32, #tpu.memory_space<vmem>> -> memref<1x128x128xf32, #tpu.memory_space<vmem>>
        %dma_start3A_226 = tpu.memref_squeeze %dma_start3A_225 : memref<1x128x128xf32, #tpu.memory_space<vmem>> -> memref<128x128xf32, #tpu.memory_space<vmem>>
        %dma_start3A_227 = arith.constant 0 : i32
        %dma_start3A_228 = tpu.memref_slice %arg17[%mul3A_198, %dma_start3A_227] : memref<105x128xi32, #tpu.memory_space<vmem>> -> memref<1x128xi32, #tpu.memory_space<vmem>>
        %dma_start3A_229 = tpu.memref_squeeze %dma_start3A_228 : memref<1x128xi32, #tpu.memory_space<vmem>> -> memref<128xi32, #tpu.memory_space<vmem>>
        %dma_start3A_230 = arith.constant 0 : i32
        %dma_start3A_231 = arith.constant 0 : i32
        %dma_start3A_232 = tpu.memref_slice %arg10[%dma_start3A_230, %dma_start3A_231] : memref<2176x128xf32, #tpu.memory_space<vmem_shared>> -> memref<2176x128xf32, #tpu.memory_space<vmem_shared>>
        tpu.enqueue_indirect_dma source(%dma_start3A_226 : memref<128x128xf32, #tpu.memory_space<vmem>>) target(%dma_start3A_232 : memref<2176x128xf32, #tpu.memory_space<vmem_shared>>) offsets(%dma_start3A_229 : memref<128xi32, #tpu.memory_space<vmem>>) semaphore(%run_scoped3A_223 : memref<!tpu.dma_semaphore, #tpu.memory_space<semaphore_mem>>) {add = true}
        %dma_wait3A_233 = arith.constant 0 : i32
        %dma_wait3A_234 = arith.constant 0 : i32
        %dma_wait3A_235 = tpu.memref_slice %arg9[%run_scoped3A_214, %dma_wait3A_233, %dma_wait3A_234] : memref<2x128x128xf32, #tpu.memory_space<vmem>> -> memref<1x128x128xf32, #tpu.memory_space<vmem>>
        %dma_wait3A_236 = tpu.memref_squeeze %dma_wait3A_235 : memref<1x128x128xf32, #tpu.memory_space<vmem>> -> memref<128x128xf32, #tpu.memory_space<vmem>>
        %dma_wait3A_237 = arith.constant 0 : i32
        %dma_wait3A_238 = tpu.memref_slice %arg17[%mul3A_198, %dma_wait3A_237] : memref<105x128xi32, #tpu.memory_space<vmem>> -> memref<1x128xi32, #tpu.memory_space<vmem>>
        %dma_wait3A_239 = tpu.memref_squeeze %dma_wait3A_238 : memref<1x128xi32, #tpu.memory_space<vmem>> -> memref<128xi32, #tpu.memory_space<vmem>>
        %dma_wait3A_240 = arith.constant 0 : i32
        %dma_wait3A_241 = arith.constant 0 : i32
        %dma_wait3A_242 = tpu.memref_slice %arg10[%dma_wait3A_240, %dma_wait3A_241] : memref<2176x128xf32, #tpu.memory_space<vmem_shared>> -> memref<2176x128xf32, #tpu.memory_space<vmem_shared>>
        tpu.wait_indirect_dma semaphore(%run_scoped3A_223 : memref<!tpu.dma_semaphore, #tpu.memory_space<semaphore_mem>>) src(%dma_wait3A_236 : memref<128x128xf32, #tpu.memory_space<vmem>>) dst(%dma_wait3A_242 : memref<2176x128xf32, #tpu.memory_space<vmem_shared>>)
        tpu.yield
      }) : () -> ()
      %mul3A_215 = arith.constant 2 : i32
      %mul3A_216 = arith.muli %mul3A_215, %while3A_196 : i32
      %add3A_217 = arith.constant 1 : i32
      %add3A_218 = arith.addi %mul3A_216, %add3A_217 : i32
      %lt3A_219 = arith.cmpi slt, %add3A_218, %select_n3A_143 : i32
      %convert_element_type3A_220 = arith.extui %lt3A_219 : i1 to i32
      %cond3A_221 = arith.constant 0 : i32
      %cond3A_222 = arith.cmpi ne, %convert_element_type3A_220, %cond3A_221 : i32
      scf.if %cond3A_222 {
        %mul3A_223 = arith.constant 2 : i32
        %mul3A_224 = arith.muli %mul3A_223, %while3A_196 : i32
        %add3A_225 = arith.constant 1 : i32
        %add3A_226 = arith.addi %mul3A_224, %add3A_225 : i32
        %mul3A_227 = arith.constant 128 : i32
        %mul3A_228 = arith.muli %add3A_226, %mul3A_227 : i32
        %dma_wait3A_229 = arith.constant 1 : i32
        %dma_wait3A_230 = arith.constant 0 : i32
        %dma_wait3A_231 = arith.constant 0 : i32
        %dma_wait3A_232 = tpu.memref_slice %arg9[%dma_wait3A_229, %dma_wait3A_230, %dma_wait3A_231] : memref<2x128x128xf32, #tpu.memory_space<vmem>> -> memref<1x128x128xf32, #tpu.memory_space<vmem>>
        %dma_wait3A_233 = tpu.memref_squeeze %dma_wait3A_232 : memref<1x128x128xf32, #tpu.memory_space<vmem>> -> memref<128x128xf32, #tpu.memory_space<vmem>>
        %dma_wait3A_234 = tpu.memref_slice %arg15[%mul3A_228] : memref<13568xi32, #tpu.memory_space<vmem>> -> memref<128xi32, #tpu.memory_space<vmem>>
        %dma_wait3A_235 = arith.constant 0 : i32
        %dma_wait3A_236 = arith.constant 0 : i32
        %dma_wait3A_237 = tpu.memref_slice %arg2[%dma_wait3A_235, %dma_wait3A_236] : memref<10000x128xf32, #tpu.memory_space<hbm>> -> memref<10000x128xf32, #tpu.memory_space<hbm>>
        tpu.wait_indirect_dma semaphore(%arg12 : memref<!tpu.dma_semaphore, #tpu.memory_space<semaphore_mem>>) src(%dma_wait3A_237 : memref<10000x128xf32, #tpu.memory_space<hbm>>) dst(%dma_wait3A_233 : memref<128x128xf32, #tpu.memory_space<vmem>>)
        %add3A_238 = arith.constant 1 : i32
        %add3A_239 = arith.addi %add3A_226, %add3A_238 : i32
        %lt3A_240 = arith.cmpi slt, %add3A_239, %select_n3A_143 : i32
        %convert_element_type3A_241 = arith.extui %lt3A_240 : i1 to i32
        %cond3A_242 = arith.constant 0 : i32
        %cond3A_243 = arith.cmpi ne, %convert_element_type3A_241, %cond3A_242 : i32
        scf.if %cond3A_243 {
          %add3A_245 = arith.constant 1 : i32
          %add3A_246 = arith.addi %add3A_226, %add3A_245 : i32
          %mul3A_247 = arith.constant 128 : i32
          %mul3A_248 = arith.muli %add3A_246, %mul3A_247 : i32
          %dma_start3A = arith.constant 0 : i32
          %dma_start3A_249 = arith.constant 0 : i32
          %dma_start3A_250 = arith.constant 0 : i32
          %dma_start3A_251 = tpu.memref_slice %arg9[%dma_start3A, %dma_start3A_249, %dma_start3A_250] : memref<2x128x128xf32, #tpu.memory_space<vmem>> -> memref<1x128x128xf32, #tpu.memory_space<vmem>>
          %dma_start3A_252 = tpu.memref_squeeze %dma_start3A_251 : memref<1x128x128xf32, #tpu.memory_space<vmem>> -> memref<128x128xf32, #tpu.memory_space<vmem>>
          %dma_start3A_253 = tpu.memref_slice %arg15[%mul3A_248] : memref<13568xi32, #tpu.memory_space<vmem>> -> memref<128xi32, #tpu.memory_space<vmem>>
          %dma_start3A_254 = arith.constant 0 : i32
          %dma_start3A_255 = arith.constant 0 : i32
          %dma_start3A_256 = tpu.memref_slice %arg2[%dma_start3A_254, %dma_start3A_255] : memref<10000x128xf32, #tpu.memory_space<hbm>> -> memref<10000x128xf32, #tpu.memory_space<hbm>>
          tpu.enqueue_indirect_dma source(%dma_start3A_256 : memref<10000x128xf32, #tpu.memory_space<hbm>>) target(%dma_start3A_252 : memref<128x128xf32, #tpu.memory_space<vmem>>) offsets(%dma_start3A_253 : memref<128xi32, #tpu.memory_space<vmem>>) semaphore(%arg11 : memref<!tpu.dma_semaphore, #tpu.memory_space<semaphore_mem>>)
        } else {
        }
        %run_scoped3A_244 = arith.constant 1 : i32
        "tpu.region"() ({
          %run_scoped3A_245 = tpu.sem_alloc : memref<!tpu.dma_semaphore, #tpu.memory_space<semaphore_mem>>
          %dma_start3A = arith.constant 0 : i32
          %dma_start3A_246 = arith.constant 0 : i32
          %dma_start3A_247 = tpu.memref_slice %arg9[%run_scoped3A_244, %dma_start3A, %dma_start3A_246] : memref<2x128x128xf32, #tpu.memory_space<vmem>> -> memref<1x128x128xf32, #tpu.memory_space<vmem>>
          %dma_start3A_248 = tpu.memref_squeeze %dma_start3A_247 : memref<1x128x128xf32, #tpu.memory_space<vmem>> -> memref<128x128xf32, #tpu.memory_space<vmem>>
          %dma_start3A_249 = arith.constant 0 : i32
          %dma_start3A_250 = tpu.memref_slice %arg17[%add3A_226, %dma_start3A_249] : memref<105x128xi32, #tpu.memory_space<vmem>> -> memref<1x128xi32, #tpu.memory_space<vmem>>
          %dma_start3A_251 = tpu.memref_squeeze %dma_start3A_250 : memref<1x128xi32, #tpu.memory_space<vmem>> -> memref<128xi32, #tpu.memory_space<vmem>>
          %dma_start3A_252 = arith.constant 0 : i32
          %dma_start3A_253 = arith.constant 0 : i32
          %dma_start3A_254 = tpu.memref_slice %arg10[%dma_start3A_252, %dma_start3A_253] : memref<2176x128xf32, #tpu.memory_space<vmem_shared>> -> memref<2176x128xf32, #tpu.memory_space<vmem_shared>>
          tpu.enqueue_indirect_dma source(%dma_start3A_248 : memref<128x128xf32, #tpu.memory_space<vmem>>) target(%dma_start3A_254 : memref<2176x128xf32, #tpu.memory_space<vmem_shared>>) offsets(%dma_start3A_251 : memref<128xi32, #tpu.memory_space<vmem>>) semaphore(%run_scoped3A_245 : memref<!tpu.dma_semaphore, #tpu.memory_space<semaphore_mem>>) {add = true}
          %dma_wait3A_255 = arith.constant 0 : i32
          %dma_wait3A_256 = arith.constant 0 : i32
          %dma_wait3A_257 = tpu.memref_slice %arg9[%run_scoped3A_244, %dma_wait3A_255, %dma_wait3A_256] : memref<2x128x128xf32, #tpu.memory_space<vmem>> -> memref<1x128x128xf32, #tpu.memory_space<vmem>>
          %dma_wait3A_258 = tpu.memref_squeeze %dma_wait3A_257 : memref<1x128x128xf32, #tpu.memory_space<vmem>> -> memref<128x128xf32, #tpu.memory_space<vmem>>
          %dma_wait3A_259 = arith.constant 0 : i32
          %dma_wait3A_260 = tpu.memref_slice %arg17[%add3A_226, %dma_wait3A_259] : memref<105x128xi32, #tpu.memory_space<vmem>> -> memref<1x128xi32, #tpu.memory_space<vmem>>
          %dma_wait3A_261 = tpu.memref_squeeze %dma_wait3A_260 : memref<1x128xi32, #tpu.memory_space<vmem>> -> memref<128xi32, #tpu.memory_space<vmem>>
          %dma_wait3A_262 = arith.constant 0 : i32
          %dma_wait3A_263 = arith.constant 0 : i32
          %dma_wait3A_264 = tpu.memref_slice %arg10[%dma_wait3A_262, %dma_wait3A_263] : memref<2176x128xf32, #tpu.memory_space<vmem_shared>> -> memref<2176x128xf32, #tpu.memory_space<vmem_shared>>
          tpu.wait_indirect_dma semaphore(%run_scoped3A_245 : memref<!tpu.dma_semaphore, #tpu.memory_space<semaphore_mem>>) src(%dma_wait3A_258 : memref<128x128xf32, #tpu.memory_space<vmem>>) dst(%dma_wait3A_264 : memref<2176x128xf32, #tpu.memory_space<vmem_shared>>)
          tpu.yield
        }) : () -> ()
      } else {
      }
    }
    %while3A_194 = arith.constant 1 : i32
    scf.for %while3A_196 = %while3A_192 to %while3A_188 step %while3A_194  : i32 {
      %mul3A_197 = arith.constant 2 : i32
      %mul3A_198 = arith.muli %mul3A_197, %while3A_196 : i32
      %mul3A_199 = arith.constant 128 : i32
      %mul3A_200 = arith.muli %mul3A_198, %mul3A_199 : i32
      %dma_wait3A = arith.constant 0 : i32
      %dma_wait3A_201 = arith.constant 0 : i32
      %dma_wait3A_202 = arith.constant 0 : i32
      %dma_wait3A_203 = tpu.memref_slice %arg9[%dma_wait3A, %dma_wait3A_201, %dma_wait3A_202] : memref<2x128x128xf32, #tpu.memory_space<vmem>> -> memref<1x128x128xf32, #tpu.memory_space<vmem>>
      %dma_wait3A_204 = tpu.memref_squeeze %dma_wait3A_203 : memref<1x128x128xf32, #tpu.memory_space<vmem>> -> memref<128x128xf32, #tpu.memory_space<vmem>>
      %dma_wait3A_205 = tpu.memref_slice %arg15[%mul3A_200] : memref<13568xi32, #tpu.memory_space<vmem>> -> memref<128xi32, #tpu.memory_space<vmem>>
      %dma_wait3A_206 = arith.constant 0 : i32
      %dma_wait3A_207 = arith.constant 0 : i32
      %dma_wait3A_208 = tpu.memref_slice %arg2[%dma_wait3A_206, %dma_wait3A_207] : memref<10000x128xf32, #tpu.memory_space<hbm>> -> memref<10000x128xf32, #tpu.memory_space<hbm>>
      tpu.wait_indirect_dma semaphore(%arg11 : memref<!tpu.dma_semaphore, #tpu.memory_space<semaphore_mem>>) src(%dma_wait3A_208 : memref<10000x128xf32, #tpu.memory_space<hbm>>) dst(%dma_wait3A_204 : memref<128x128xf32, #tpu.memory_space<vmem>>)
      %add3A_209 = arith.constant 1 : i32
      %add3A_210 = arith.addi %mul3A_198, %add3A_209 : i32
      %lt3A = arith.cmpi slt, %add3A_210, %select_n3A_143 : i32
      %convert_element_type3A_211 = arith.extui %lt3A : i1 to i32
      %cond3A_212 = arith.constant 0 : i32
      %cond3A_213 = arith.cmpi ne, %convert_element_type3A_211, %cond3A_212 : i32
      scf.if %cond3A_213 {
        %add3A_223 = arith.constant 1 : i32
        %add3A_224 = arith.addi %mul3A_198, %add3A_223 : i32
        %mul3A_225 = arith.constant 128 : i32
        %mul3A_226 = arith.muli %add3A_224, %mul3A_225 : i32
        %dma_start3A = arith.constant 1 : i32
        %dma_start3A_227 = arith.constant 0 : i32
        %dma_start3A_228 = arith.constant 0 : i32
        %dma_start3A_229 = tpu.memref_slice %arg9[%dma_start3A, %dma_start3A_227, %dma_start3A_228] : memref<2x128x128xf32, #tpu.memory_space<vmem>> -> memref<1x128x128xf32, #tpu.memory_space<vmem>>
        %dma_start3A_230 = tpu.memref_squeeze %dma_start3A_229 : memref<1x128x128xf32, #tpu.memory_space<vmem>> -> memref<128x128xf32, #tpu.memory_space<vmem>>
        %dma_start3A_231 = tpu.memref_slice %arg15[%mul3A_226] : memref<13568xi32, #tpu.memory_space<vmem>> -> memref<128xi32, #tpu.memory_space<vmem>>
        %dma_start3A_232 = arith.constant 0 : i32
        %dma_start3A_233 = arith.constant 0 : i32
        %dma_start3A_234 = tpu.memref_slice %arg2[%dma_start3A_232, %dma_start3A_233] : memref<10000x128xf32, #tpu.memory_space<hbm>> -> memref<10000x128xf32, #tpu.memory_space<hbm>>
        tpu.enqueue_indirect_dma source(%dma_start3A_234 : memref<10000x128xf32, #tpu.memory_space<hbm>>) target(%dma_start3A_230 : memref<128x128xf32, #tpu.memory_space<vmem>>) offsets(%dma_start3A_231 : memref<128xi32, #tpu.memory_space<vmem>>) semaphore(%arg12 : memref<!tpu.dma_semaphore, #tpu.memory_space<semaphore_mem>>)
      } else {
      }
      %run_scoped3A_214 = arith.constant 0 : i32
      "tpu.region"() ({
        %run_scoped3A_223 = tpu.sem_alloc : memref<!tpu.dma_semaphore, #tpu.memory_space<semaphore_mem>>
        %dma_start3A = arith.constant 0 : i32
        %dma_start3A_224 = arith.constant 0 : i32
        %dma_start3A_225 = tpu.memref_slice %arg9[%run_scoped3A_214, %dma_start3A, %dma_start3A_224] : memref<2x128x128xf32, #tpu.memory_space<vmem>> -> memref<1x128x128xf32, #tpu.memory_space<vmem>>
        %dma_start3A_226 = tpu.memref_squeeze %dma_start3A_225 : memref<1x128x128xf32, #tpu.memory_space<vmem>> -> memref<128x128xf32, #tpu.memory_space<vmem>>
        %dma_start3A_227 = arith.constant 0 : i32
        %dma_start3A_228 = tpu.memref_slice %arg17[%mul3A_198, %dma_start3A_227] : memref<105x128xi32, #tpu.memory_space<vmem>> -> memref<1x128xi32, #tpu.memory_space<vmem>>
        %dma_start3A_229 = tpu.memref_squeeze %dma_start3A_228 : memref<1x128xi32, #tpu.memory_space<vmem>> -> memref<128xi32, #tpu.memory_space<vmem>>
        %dma_start3A_230 = arith.constant 0 : i32
        %dma_start3A_231 = arith.constant 0 : i32
        %dma_start3A_232 = tpu.memref_slice %arg10[%dma_start3A_230, %dma_start3A_231] : memref<2176x128xf32, #tpu.memory_space<vmem_shared>> -> memref<2176x128xf32, #tpu.memory_space<vmem_shared>>
        tpu.enqueue_indirect_dma source(%dma_start3A_226 : memref<128x128xf32, #tpu.memory_space<vmem>>) target(%dma_start3A_232 : memref<2176x128xf32, #tpu.memory_space<vmem_shared>>) offsets(%dma_start3A_229 : memref<128xi32, #tpu.memory_space<vmem>>) semaphore(%run_scoped3A_223 : memref<!tpu.dma_semaphore, #tpu.memory_space<semaphore_mem>>) {add = true}
        %dma_wait3A_233 = arith.constant 0 : i32
        %dma_wait3A_234 = arith.constant 0 : i32
        %dma_wait3A_235 = tpu.memref_slice %arg9[%run_scoped3A_214, %dma_wait3A_233, %dma_wait3A_234] : memref<2x128x128xf32, #tpu.memory_space<vmem>> -> memref<1x128x128xf32, #tpu.memory_space<vmem>>
        %dma_wait3A_236 = tpu.memref_squeeze %dma_wait3A_235 : memref<1x128x128xf32, #tpu.memory_space<vmem>> -> memref<128x128xf32, #tpu.memory_space<vmem>>
        %dma_wait3A_237 = arith.constant 0 : i32
        %dma_wait3A_238 = tpu.memref_slice %arg17[%mul3A_198, %dma_wait3A_237] : memref<105x128xi32, #tpu.memory_space<vmem>> -> memref<1x128xi32, #tpu.memory_space<vmem>>
        %dma_wait3A_239 = tpu.memref_squeeze %dma_wait3A_238 : memref<1x128xi32, #tpu.memory_space<vmem>> -> memref<128xi32, #tpu.memory_space<vmem>>
        %dma_wait3A_240 = arith.constant 0 : i32
        %dma_wait3A_241 = arith.constant 0 : i32
        %dma_wait3A_242 = tpu.memref_slice %arg10[%dma_wait3A_240, %dma_wait3A_241] : memref<2176x128xf32, #tpu.memory_space<vmem_shared>> -> memref<2176x128xf32, #tpu.memory_space<vmem_shared>>
        tpu.wait_indirect_dma semaphore(%run_scoped3A_223 : memref<!tpu.dma_semaphore, #tpu.memory_space<semaphore_mem>>) src(%dma_wait3A_236 : memref<128x128xf32, #tpu.memory_space<vmem>>) dst(%dma_wait3A_242 : memref<2176x128xf32, #tpu.memory_space<vmem_shared>>)
        tpu.yield
      }) : () -> ()
      %mul3A_215 = arith.constant 2 : i32
      %mul3A_216 = arith.muli %mul3A_215, %while3A_196 : i32
      %add3A_217 = arith.constant 1 : i32
      %add3A_218 = arith.addi %mul3A_216, %add3A_217 : i32
      %lt3A_219 = arith.cmpi slt, %add3A_218, %select_n3A_143 : i32
      %convert_element_type3A_220 = arith.extui %lt3A_219 : i1 to i32
      %cond3A_221 = arith.constant 0 : i32
      %cond3A_222 = arith.cmpi ne, %convert_element_type3A_220, %cond3A_221 : i32
      scf.if %cond3A_222 {
        %mul3A_223 = arith.constant 2 : i32
        %mul3A_224 = arith.muli %mul3A_223, %while3A_196 : i32
        %add3A_225 = arith.constant 1 : i32
        %add3A_226 = arith.addi %mul3A_224, %add3A_225 : i32
        %mul3A_227 = arith.constant 128 : i32
        %mul3A_228 = arith.muli %add3A_226, %mul3A_227 : i32
        %dma_wait3A_229 = arith.constant 1 : i32
        %dma_wait3A_230 = arith.constant 0 : i32
        %dma_wait3A_231 = arith.constant 0 : i32
        %dma_wait3A_232 = tpu.memref_slice %arg9[%dma_wait3A_229, %dma_wait3A_230, %dma_wait3A_231] : memref<2x128x128xf32, #tpu.memory_space<vmem>> -> memref<1x128x128xf32, #tpu.memory_space<vmem>>
        %dma_wait3A_233 = tpu.memref_squeeze %dma_wait3A_232 : memref<1x128x128xf32, #tpu.memory_space<vmem>> -> memref<128x128xf32, #tpu.memory_space<vmem>>
        %dma_wait3A_234 = tpu.memref_slice %arg15[%mul3A_228] : memref<13568xi32, #tpu.memory_space<vmem>> -> memref<128xi32, #tpu.memory_space<vmem>>
        %dma_wait3A_235 = arith.constant 0 : i32
        %dma_wait3A_236 = arith.constant 0 : i32
        %dma_wait3A_237 = tpu.memref_slice %arg2[%dma_wait3A_235, %dma_wait3A_236] : memref<10000x128xf32, #tpu.memory_space<hbm>> -> memref<10000x128xf32, #tpu.memory_space<hbm>>
        tpu.wait_indirect_dma semaphore(%arg12 : memref<!tpu.dma_semaphore, #tpu.memory_space<semaphore_mem>>) src(%dma_wait3A_237 : memref<10000x128xf32, #tpu.memory_space<hbm>>) dst(%dma_wait3A_233 : memref<128x128xf32, #tpu.memory_space<vmem>>)
        %add3A_238 = arith.constant 1 : i32
        %add3A_239 = arith.addi %add3A_226, %add3A_238 : i32
        %lt3A_240 = arith.cmpi slt, %add3A_239, %select_n3A_143 : i32
        %convert_element_type3A_241 = arith.extui %lt3A_240 : i1 to i32
        %cond3A_242 = arith.constant 0 : i32
        %cond3A_243 = arith.cmpi ne, %convert_element_type3A_241, %cond3A_242 : i32
        scf.if %cond3A_243 {
          %add3A_245 = arith.constant 1 : i32
          %add3A_246 = arith.addi %add3A_226, %add3A_245 : i32
          %mul3A_247 = arith.constant 128 : i32
          %mul3A_248 = arith.muli %add3A_246, %mul3A_247 : i32
          %dma_start3A = arith.constant 0 : i32
          %dma_start3A_249 = arith.constant 0 : i32
          %dma_start3A_250 = arith.constant 0 : i32
          %dma_start3A_251 = tpu.memref_slice %arg9[%dma_start3A, %dma_start3A_249, %dma_start3A_250] : memref<2x128x128xf32, #tpu.memory_space<vmem>> -> memref<1x128x128xf32, #tpu.memory_space<vmem>>
          %dma_start3A_252 = tpu.memref_squeeze %dma_start3A_251 : memref<1x128x128xf32, #tpu.memory_space<vmem>> -> memref<128x128xf32, #tpu.memory_space<vmem>>
          %dma_start3A_253 = tpu.memref_slice %arg15[%mul3A_248] : memref<13568xi32, #tpu.memory_space<vmem>> -> memref<128xi32, #tpu.memory_space<vmem>>
          %dma_start3A_254 = arith.constant 0 : i32
          %dma_start3A_255 = arith.constant 0 : i32
          %dma_start3A_256 = tpu.memref_slice %arg2[%dma_start3A_254, %dma_start3A_255] : memref<10000x128xf32, #tpu.memory_space<hbm>> -> memref<10000x128xf32, #tpu.memory_space<hbm>>
          tpu.enqueue_indirect_dma source(%dma_start3A_256 : memref<10000x128xf32, #tpu.memory_space<hbm>>) target(%dma_start3A_252 : memref<128x128xf32, #tpu.memory_space<vmem>>) offsets(%dma_start3A_253 : memref<128xi32, #tpu.memory_space<vmem>>) semaphore(%arg11 : memref<!tpu.dma_semaphore, #tpu.memory_space<semaphore_mem>>)
        } else {
        }
        %run_scoped3A_244 = arith.constant 1 : i32
        "tpu.region"() ({
          %run_scoped3A_245 = tpu.sem_alloc : memref<!tpu.dma_semaphore, #tpu.memory_space<semaphore_mem>>
          %dma_start3A = arith.constant 0 : i32
          %dma_start3A_246 = arith.constant 0 : i32
          %dma_start3A_247 = tpu.memref_slice %arg9[%run_scoped3A_244, %dma_start3A, %dma_start3A_246] : memref<2x128x128xf32, #tpu.memory_space<vmem>> -> memref<1x128x128xf32, #tpu.memory_space<vmem>>
          %dma_start3A_248 = tpu.memref_squeeze %dma_start3A_247 : memref<1x128x128xf32, #tpu.memory_space<vmem>> -> memref<128x128xf32, #tpu.memory_space<vmem>>
          %dma_start3A_249 = arith.constant 0 : i32
          %dma_start3A_250 = tpu.memref_slice %arg17[%add3A_226, %dma_start3A_249] : memref<105x128xi32, #tpu.memory_space<vmem>> -> memref<1x128xi32, #tpu.memory_space<vmem>>
          %dma_start3A_251 = tpu.memref_squeeze %dma_start3A_250 : memref<1x128xi32, #tpu.memory_space<vmem>> -> memref<128xi32, #tpu.memory_space<vmem>>
          %dma_start3A_252 = arith.constant 0 : i32
          %dma_start3A_253 = arith.constant 0 : i32
          %dma_start3A_254 = tpu.memref_slice %arg10[%dma_start3A_252, %dma_start3A_253] : memref<2176x128xf32, #tpu.memory_space<vmem_shared>> -> memref<2176x128xf32, #tpu.memory_space<vmem_shared>>
          tpu.enqueue_indirect_dma source(%dma_start3A_248 : memref<128x128xf32, #tpu.memory_space<vmem>>) target(%dma_start3A_254 : memref<2176x128xf32, #tpu.memory_space<vmem_shared>>) offsets(%dma_start3A_251 : memref<128xi32, #tpu.memory_space<vmem>>) semaphore(%run_scoped3A_245 : memref<!tpu.dma_semaphore, #tpu.memory_space<semaphore_mem>>) {add = true}
          %dma_wait3A_255 = arith.constant 0 : i32
          %dma_wait3A_256 = arith.constant 0 : i32
          %dma_wait3A_257 = tpu.memref_slice %arg9[%run_scoped3A_244, %dma_wait3A_255, %dma_wait3A_256] : memref<2x128x128xf32, #tpu.memory_space<vmem>> -> memref<1x128x128xf32, #tpu.memory_space<vmem>>
          %dma_wait3A_258 = tpu.memref_squeeze %dma_wait3A_257 : memref<1x128x128xf32, #tpu.memory_space<vmem>> -> memref<128x128xf32, #tpu.memory_space<vmem>>
          %dma_wait3A_259 = arith.constant 0 : i32
          %dma_wait3A_260 = tpu.memref_slice %arg17[%add3A_226, %dma_wait3A_259] : memref<105x128xi32, #tpu.memory_space<vmem>> -> memref<1x128xi32, #tpu.memory_space<vmem>>
          %dma_wait3A_261 = tpu.memref_squeeze %dma_wait3A_260 : memref<1x128xi32, #tpu.memory_space<vmem>> -> memref<128xi32, #tpu.memory_space<vmem>>
          %dma_wait3A_262 = arith.constant 0 : i32
          %dma_wait3A_263 = arith.constant 0 : i32
          %dma_wait3A_264 = tpu.memref_slice %arg10[%dma_wait3A_262, %dma_wait3A_263] : memref<2176x128xf32, #tpu.memory_space<vmem_shared>> -> memref<2176x128xf32, #tpu.memory_space<vmem_shared>>
          tpu.wait_indirect_dma semaphore(%run_scoped3A_245 : memref<!tpu.dma_semaphore, #tpu.memory_space<semaphore_mem>>) src(%dma_wait3A_258 : memref<128x128xf32, #tpu.memory_space<vmem>>) dst(%dma_wait3A_264 : memref<2176x128xf32, #tpu.memory_space<vmem_shared>>)
          tpu.yield
        }) : () -> ()
      } else {
      }
    }
    %barrier3A_195 = arith.constant 0 : index
    tpu.barrier barrier_id(%barrier3A_195)
    "tpu.region"() ({
      %run_scoped3A_196 = tpu.sem_alloc : memref<!tpu.dma_semaphore, #tpu.memory_space<semaphore_mem>>
      %dma_start3A = arith.constant 0 : i32
      %dma_start3A_197 = tpu.memref_slice %arg6[%arg0, %mul3A_10, %dma_start3A] : memref<2x2176x128xf32, #tpu.memory_space<hbm>> -> memref<1x136x128xf32, #tpu.memory_space<hbm>>
      %dma_start3A_198 = tpu.memref_squeeze %dma_start3A_197 : memref<1x136x128xf32, #tpu.memory_space<hbm>> -> memref<136x128xf32, #tpu.memory_space<hbm>>
      %dma_start3A_199 = arith.constant 0 : i32
      %dma_start3A_200 = tpu.memref_slice %arg10[%mul3A_10, %dma_start3A_199] : memref<2176x128xf32, #tpu.memory_space<vmem_shared>> -> memref<136x128xf32, #tpu.memory_space<vmem_shared>>
      tpu.enqueue_dma source(%dma_start3A_200 : memref<136x128xf32, #tpu.memory_space<vmem_shared>>) target(%dma_start3A_198 : memref<136x128xf32, #tpu.memory_space<hbm>>) target_semaphore(%run_scoped3A_196 : memref<!tpu.dma_semaphore, #tpu.memory_space<semaphore_mem>>)
      %dma_wait3A = arith.constant 0 : i32
      %dma_wait3A_201 = tpu.memref_slice %arg6[%arg0, %mul3A_10, %dma_wait3A] : memref<2x2176x128xf32, #tpu.memory_space<hbm>> -> memref<1x136x128xf32, #tpu.memory_space<hbm>>
      %dma_wait3A_202 = tpu.memref_squeeze %dma_wait3A_201 : memref<1x136x128xf32, #tpu.memory_space<hbm>> -> memref<136x128xf32, #tpu.memory_space<hbm>>
      %dma_wait3A_203 = arith.constant 0 : i32
      %dma_wait3A_204 = tpu.memref_slice %arg10[%mul3A_10, %dma_wait3A_203] : memref<2176x128xf32, #tpu.memory_space<vmem_shared>> -> memref<136x128xf32, #tpu.memory_space<vmem_shared>>
      tpu.wait_dma2 semaphore(%run_scoped3A_196 : memref<!tpu.dma_semaphore, #tpu.memory_space<semaphore_mem>>) src(%dma_wait3A_204 : memref<136x128xf32, #tpu.memory_space<vmem_shared>>) dst(%dma_wait3A_202 : memref<136x128xf32, #tpu.memory_space<hbm>>)
      tpu.yield
    }) : () -> ()
    return
  }
}

#map = affine_map<(d0, d1) -> (0, 0)>
#map1 = affine_map<(d0, d1) -> (0)>
#map2 = affine_map<(d0, d1) -> (0, 0, 0)>
module attributes {stable_mosaic.version = 14 : i64} {
  func.func @seg(%arg0: i32, %arg1: i32, %arg2: memref<10000x128xf32, #tpu.memory_space<hbm>>, %arg3: memref<327680xi32, #tpu.memory_space<hbm>>, %arg4: memref<327680xi32, #tpu.memory_space<hbm>>, %arg5: memref<128x128xf32, #tpu.memory_space<hbm>>, %arg6: memref<2x10240x128xf32, #tpu.memory_space<hbm>>, %arg7: memref<2x80x128xf32, #tpu.memory_space<hbm>>, %arg8: memref<2x128xi32, #tpu.memory_space<vmem>>, %arg9: memref<2x128xi32, #tpu.memory_space<vmem>>, %arg10: memref<2x128x128xf32, #tpu.memory_space<vmem>>, %arg11: memref<10240x128xf32, #tpu.memory_space<vmem_shared>>, %arg12: memref<!tpu.dma_semaphore, #tpu.memory_space<semaphore_mem>>, %arg13: memref<!tpu.dma_semaphore, #tpu.memory_space<semaphore_mem>>, %arg14: memref<!tpu.dma_semaphore, #tpu.memory_space<semaphore_mem>>, %arg15: memref<!tpu.dma_semaphore, #tpu.memory_space<semaphore_mem>>, %arg16: memref<80x128xf32, #tpu.memory_space<vmem>>, %arg17: memref<80xi32, #tpu.memory_space<vmem>>, %arg18: memref<80x128xf32, #tpu.memory_space<vmem_shared>>) attributes {dimension_semantics = [#tpu.dimension_semantics<core_parallel>, #tpu.dimension_semantics<subcore_parallel>], iteration_bounds = array<i64: 2, 16>, scalar_prefetch = 0 : i64, scratch_operands = 11 : i64, tpu.core_type = #tpu.core_type<sc_vector_subcore>, window_params = [{transform_indices = #map}, {transform_indices = #map1}, {transform_indices = #map1}, {transform_indices = #map}, {transform_indices = #map2}, {transform_indices = #map2}]} {
    %eq3A = arith.constant 0 : i32
    %eq3A_0 = arith.cmpi eq, %arg0, %eq3A : i32
    %jit3A = arith.constant 146 : i32
    %jit3A_1 = arith.constant 14 : i32
    %select_n3A = arith.select %eq3A_0, %jit3A, %jit3A_1 : i32
    %mul3A = arith.constant 146 : i32
    %mul3A_2 = arith.muli %arg1, %mul3A : i32
    %mul3A_3 = arith.constant 14 : i32
    %mul3A_4 = arith.muli %arg1, %mul3A_3 : i32
    %add3A = arith.constant 2336 : i32
    %add3A_5 = arith.addi %add3A, %mul3A_4 : i32
    %select_n3A_6 = arith.select %eq3A_0, %mul3A_2, %add3A_5 : i32
    %mul3A_7 = arith.constant 128 : i32
    %mul3A_8 = arith.muli %select_n3A_6, %mul3A_7 : i32
    %run_scoped3A = arith.constant 0 : i32
    "tpu.region"() ({
      %run_scoped3A_94 = tpu.sem_alloc : memref<!tpu.dma_semaphore, #tpu.memory_space<semaphore_mem>>
      %dma_start3A = arith.constant 0 : i32
      %dma_start3A_95 = arith.constant 0 : i32
      %dma_start3A_96 = tpu.memref_slice %arg10[%run_scoped3A, %dma_start3A, %dma_start3A_95] : memref<2x128x128xf32, #tpu.memory_space<vmem>> -> memref<1x128x128xf32, #tpu.memory_space<vmem>>
      %dma_start3A_97 = tpu.memref_squeeze %dma_start3A_96 : memref<1x128x128xf32, #tpu.memory_space<vmem>> -> memref<128x128xf32, #tpu.memory_space<vmem>>
      %dma_start3A_98 = arith.constant 0 : i32
      %dma_start3A_99 = arith.constant 0 : i32
      %dma_start3A_100 = tpu.memref_slice %arg10[%run_scoped3A, %dma_start3A_98, %dma_start3A_99] : memref<2x128x128xf32, #tpu.memory_space<vmem>> -> memref<1x128x128xf32, #tpu.memory_space<vmem>>
      %dma_start3A_101 = tpu.memref_squeeze %dma_start3A_100 : memref<1x128x128xf32, #tpu.memory_space<vmem>> -> memref<128x128xf32, #tpu.memory_space<vmem>>
      tpu.enqueue_dma source(%arg5 : memref<128x128xf32, #tpu.memory_space<hbm>>) target(%dma_start3A_101 : memref<128x128xf32, #tpu.memory_space<vmem>>) target_semaphore(%run_scoped3A_94 : memref<!tpu.dma_semaphore, #tpu.memory_space<semaphore_mem>>)
      %dma_wait3A = arith.constant 0 : i32
      %dma_wait3A_102 = arith.constant 0 : i32
      %dma_wait3A_103 = tpu.memref_slice %arg10[%run_scoped3A, %dma_wait3A, %dma_wait3A_102] : memref<2x128x128xf32, #tpu.memory_space<vmem>> -> memref<1x128x128xf32, #tpu.memory_space<vmem>>
      %dma_wait3A_104 = tpu.memref_squeeze %dma_wait3A_103 : memref<1x128x128xf32, #tpu.memory_space<vmem>> -> memref<128x128xf32, #tpu.memory_space<vmem>>
      %dma_wait3A_105 = arith.constant 0 : i32
      %dma_wait3A_106 = arith.constant 0 : i32
      %dma_wait3A_107 = tpu.memref_slice %arg10[%run_scoped3A, %dma_wait3A_105, %dma_wait3A_106] : memref<2x128x128xf32, #tpu.memory_space<vmem>> -> memref<1x128x128xf32, #tpu.memory_space<vmem>>
      %dma_wait3A_108 = tpu.memref_squeeze %dma_wait3A_107 : memref<1x128x128xf32, #tpu.memory_space<vmem>> -> memref<128x128xf32, #tpu.memory_space<vmem>>
      tpu.wait_dma2 semaphore(%run_scoped3A_94 : memref<!tpu.dma_semaphore, #tpu.memory_space<semaphore_mem>>) src(%arg5 : memref<128x128xf32, #tpu.memory_space<hbm>>) dst(%dma_wait3A_108 : memref<128x128xf32, #tpu.memory_space<vmem>>)
      tpu.yield
    }) : () -> ()
    %mul3A_9 = arith.constant 640 : i32
    %mul3A_10 = arith.muli %arg1, %mul3A_9 : i32
    %add3A_11 = arith.constant 0 : i32
    %add3A_12 = arith.addi %mul3A_10, %add3A_11 : i32
    %run_scoped3A_13 = arith.constant 0 : i32
    "tpu.region"() ({
      %run_scoped3A_94 = tpu.sem_alloc : memref<!tpu.dma_semaphore, #tpu.memory_space<semaphore_mem>>
      %dma_start3A = arith.constant 0 : i32
      %dma_start3A_95 = arith.constant 0 : i32
      %dma_start3A_96 = tpu.memref_slice %arg10[%run_scoped3A_13, %dma_start3A, %dma_start3A_95] : memref<2x128x128xf32, #tpu.memory_space<vmem>> -> memref<1x128x128xf32, #tpu.memory_space<vmem>>
      %dma_start3A_97 = tpu.memref_squeeze %dma_start3A_96 : memref<1x128x128xf32, #tpu.memory_space<vmem>> -> memref<128x128xf32, #tpu.memory_space<vmem>>
      %dma_start3A_98 = arith.constant 0 : i32
      %dma_start3A_99 = tpu.memref_slice %arg11[%add3A_12, %dma_start3A_98] : memref<10240x128xf32, #tpu.memory_space<vmem_shared>> -> memref<128x128xf32, #tpu.memory_space<vmem_shared>>
      %dma_start3A_100 = arith.constant 0 : i32
      %dma_start3A_101 = tpu.memref_slice %arg11[%add3A_12, %dma_start3A_100] : memref<10240x128xf32, #tpu.memory_space<vmem_shared>> -> memref<128x128xf32, #tpu.memory_space<vmem_shared>>
      %dma_start3A_102 = arith.constant 0 : i32
      %dma_start3A_103 = arith.constant 0 : i32
      %dma_start3A_104 = tpu.memref_slice %arg10[%run_scoped3A_13, %dma_start3A_102, %dma_start3A_103] : memref<2x128x128xf32, #tpu.memory_space<vmem>> -> memref<1x128x128xf32, #tpu.memory_space<vmem>>
      %dma_start3A_105 = tpu.memref_squeeze %dma_start3A_104 : memref<1x128x128xf32, #tpu.memory_space<vmem>> -> memref<128x128xf32, #tpu.memory_space<vmem>>
      tpu.enqueue_dma source(%dma_start3A_105 : memref<128x128xf32, #tpu.memory_space<vmem>>) target(%dma_start3A_101 : memref<128x128xf32, #tpu.memory_space<vmem_shared>>) target_semaphore(%run_scoped3A_94 : memref<!tpu.dma_semaphore, #tpu.memory_space<semaphore_mem>>)
      %dma_wait3A = arith.constant 0 : i32
      %dma_wait3A_106 = arith.constant 0 : i32
      %dma_wait3A_107 = tpu.memref_slice %arg10[%run_scoped3A_13, %dma_wait3A, %dma_wait3A_106] : memref<2x128x128xf32, #tpu.memory_space<vmem>> -> memref<1x128x128xf32, #tpu.memory_space<vmem>>
      %dma_wait3A_108 = tpu.memref_squeeze %dma_wait3A_107 : memref<1x128x128xf32, #tpu.memory_space<vmem>> -> memref<128x128xf32, #tpu.memory_space<vmem>>
      %dma_wait3A_109 = arith.constant 0 : i32
      %dma_wait3A_110 = tpu.memref_slice %arg11[%add3A_12, %dma_wait3A_109] : memref<10240x128xf32, #tpu.memory_space<vmem_shared>> -> memref<128x128xf32, #tpu.memory_space<vmem_shared>>
      %dma_wait3A_111 = arith.constant 0 : i32
      %dma_wait3A_112 = tpu.memref_slice %arg11[%add3A_12, %dma_wait3A_111] : memref<10240x128xf32, #tpu.memory_space<vmem_shared>> -> memref<128x128xf32, #tpu.memory_space<vmem_shared>>
      %dma_wait3A_113 = arith.constant 0 : i32
      %dma_wait3A_114 = arith.constant 0 : i32
      %dma_wait3A_115 = tpu.memref_slice %arg10[%run_scoped3A_13, %dma_wait3A_113, %dma_wait3A_114] : memref<2x128x128xf32, #tpu.memory_space<vmem>> -> memref<1x128x128xf32, #tpu.memory_space<vmem>>
      %dma_wait3A_116 = tpu.memref_squeeze %dma_wait3A_115 : memref<1x128x128xf32, #tpu.memory_space<vmem>> -> memref<128x128xf32, #tpu.memory_space<vmem>>
      tpu.wait_dma2 semaphore(%run_scoped3A_94 : memref<!tpu.dma_semaphore, #tpu.memory_space<semaphore_mem>>) src(%dma_wait3A_116 : memref<128x128xf32, #tpu.memory_space<vmem>>) dst(%dma_wait3A_112 : memref<128x128xf32, #tpu.memory_space<vmem_shared>>)
      tpu.yield
    }) : () -> ()
    %add3A_14 = arith.constant 128 : i32
    %add3A_15 = arith.addi %mul3A_10, %add3A_14 : i32
    %run_scoped3A_16 = arith.constant 0 : i32
    "tpu.region"() ({
      %run_scoped3A_94 = tpu.sem_alloc : memref<!tpu.dma_semaphore, #tpu.memory_space<semaphore_mem>>
      %dma_start3A = arith.constant 0 : i32
      %dma_start3A_95 = arith.constant 0 : i32
      %dma_start3A_96 = tpu.memref_slice %arg10[%run_scoped3A_16, %dma_start3A, %dma_start3A_95] : memref<2x128x128xf32, #tpu.memory_space<vmem>> -> memref<1x128x128xf32, #tpu.memory_space<vmem>>
      %dma_start3A_97 = tpu.memref_squeeze %dma_start3A_96 : memref<1x128x128xf32, #tpu.memory_space<vmem>> -> memref<128x128xf32, #tpu.memory_space<vmem>>
      %dma_start3A_98 = arith.constant 0 : i32
      %dma_start3A_99 = tpu.memref_slice %arg11[%add3A_15, %dma_start3A_98] : memref<10240x128xf32, #tpu.memory_space<vmem_shared>> -> memref<128x128xf32, #tpu.memory_space<vmem_shared>>
      %dma_start3A_100 = arith.constant 0 : i32
      %dma_start3A_101 = tpu.memref_slice %arg11[%add3A_15, %dma_start3A_100] : memref<10240x128xf32, #tpu.memory_space<vmem_shared>> -> memref<128x128xf32, #tpu.memory_space<vmem_shared>>
      %dma_start3A_102 = arith.constant 0 : i32
      %dma_start3A_103 = arith.constant 0 : i32
      %dma_start3A_104 = tpu.memref_slice %arg10[%run_scoped3A_16, %dma_start3A_102, %dma_start3A_103] : memref<2x128x128xf32, #tpu.memory_space<vmem>> -> memref<1x128x128xf32, #tpu.memory_space<vmem>>
      %dma_start3A_105 = tpu.memref_squeeze %dma_start3A_104 : memref<1x128x128xf32, #tpu.memory_space<vmem>> -> memref<128x128xf32, #tpu.memory_space<vmem>>
      tpu.enqueue_dma source(%dma_start3A_105 : memref<128x128xf32, #tpu.memory_space<vmem>>) target(%dma_start3A_101 : memref<128x128xf32, #tpu.memory_space<vmem_shared>>) target_semaphore(%run_scoped3A_94 : memref<!tpu.dma_semaphore, #tpu.memory_space<semaphore_mem>>)
      %dma_wait3A = arith.constant 0 : i32
      %dma_wait3A_106 = arith.constant 0 : i32
      %dma_wait3A_107 = tpu.memref_slice %arg10[%run_scoped3A_16, %dma_wait3A, %dma_wait3A_106] : memref<2x128x128xf32, #tpu.memory_space<vmem>> -> memref<1x128x128xf32, #tpu.memory_space<vmem>>
      %dma_wait3A_108 = tpu.memref_squeeze %dma_wait3A_107 : memref<1x128x128xf32, #tpu.memory_space<vmem>> -> memref<128x128xf32, #tpu.memory_space<vmem>>
      %dma_wait3A_109 = arith.constant 0 : i32
      %dma_wait3A_110 = tpu.memref_slice %arg11[%add3A_15, %dma_wait3A_109] : memref<10240x128xf32, #tpu.memory_space<vmem_shared>> -> memref<128x128xf32, #tpu.memory_space<vmem_shared>>
      %dma_wait3A_111 = arith.constant 0 : i32
      %dma_wait3A_112 = tpu.memref_slice %arg11[%add3A_15, %dma_wait3A_111] : memref<10240x128xf32, #tpu.memory_space<vmem_shared>> -> memref<128x128xf32, #tpu.memory_space<vmem_shared>>
      %dma_wait3A_113 = arith.constant 0 : i32
      %dma_wait3A_114 = arith.constant 0 : i32
      %dma_wait3A_115 = tpu.memref_slice %arg10[%run_scoped3A_16, %dma_wait3A_113, %dma_wait3A_114] : memref<2x128x128xf32, #tpu.memory_space<vmem>> -> memref<1x128x128xf32, #tpu.memory_space<vmem>>
      %dma_wait3A_116 = tpu.memref_squeeze %dma_wait3A_115 : memref<1x128x128xf32, #tpu.memory_space<vmem>> -> memref<128x128xf32, #tpu.memory_space<vmem>>
      tpu.wait_dma2 semaphore(%run_scoped3A_94 : memref<!tpu.dma_semaphore, #tpu.memory_space<semaphore_mem>>) src(%dma_wait3A_116 : memref<128x128xf32, #tpu.memory_space<vmem>>) dst(%dma_wait3A_112 : memref<128x128xf32, #tpu.memory_space<vmem_shared>>)
      tpu.yield
    }) : () -> ()
    %add3A_17 = arith.constant 256 : i32
    %add3A_18 = arith.addi %mul3A_10, %add3A_17 : i32
    %run_scoped3A_19 = arith.constant 0 : i32
    "tpu.region"() ({
      %run_scoped3A_94 = tpu.sem_alloc : memref<!tpu.dma_semaphore, #tpu.memory_space<semaphore_mem>>
      %dma_start3A = arith.constant 0 : i32
      %dma_start3A_95 = arith.constant 0 : i32
      %dma_start3A_96 = tpu.memref_slice %arg10[%run_scoped3A_19, %dma_start3A, %dma_start3A_95] : memref<2x128x128xf32, #tpu.memory_space<vmem>> -> memref<1x128x128xf32, #tpu.memory_space<vmem>>
      %dma_start3A_97 = tpu.memref_squeeze %dma_start3A_96 : memref<1x128x128xf32, #tpu.memory_space<vmem>> -> memref<128x128xf32, #tpu.memory_space<vmem>>
      %dma_start3A_98 = arith.constant 0 : i32
      %dma_start3A_99 = tpu.memref_slice %arg11[%add3A_18, %dma_start3A_98] : memref<10240x128xf32, #tpu.memory_space<vmem_shared>> -> memref<128x128xf32, #tpu.memory_space<vmem_shared>>
      %dma_start3A_100 = arith.constant 0 : i32
      %dma_start3A_101 = tpu.memref_slice %arg11[%add3A_18, %dma_start3A_100] : memref<10240x128xf32, #tpu.memory_space<vmem_shared>> -> memref<128x128xf32, #tpu.memory_space<vmem_shared>>
      %dma_start3A_102 = arith.constant 0 : i32
      %dma_start3A_103 = arith.constant 0 : i32
      %dma_start3A_104 = tpu.memref_slice %arg10[%run_scoped3A_19, %dma_start3A_102, %dma_start3A_103] : memref<2x128x128xf32, #tpu.memory_space<vmem>> -> memref<1x128x128xf32, #tpu.memory_space<vmem>>
      %dma_start3A_105 = tpu.memref_squeeze %dma_start3A_104 : memref<1x128x128xf32, #tpu.memory_space<vmem>> -> memref<128x128xf32, #tpu.memory_space<vmem>>
      tpu.enqueue_dma source(%dma_start3A_105 : memref<128x128xf32, #tpu.memory_space<vmem>>) target(%dma_start3A_101 : memref<128x128xf32, #tpu.memory_space<vmem_shared>>) target_semaphore(%run_scoped3A_94 : memref<!tpu.dma_semaphore, #tpu.memory_space<semaphore_mem>>)
      %dma_wait3A = arith.constant 0 : i32
      %dma_wait3A_106 = arith.constant 0 : i32
      %dma_wait3A_107 = tpu.memref_slice %arg10[%run_scoped3A_19, %dma_wait3A, %dma_wait3A_106] : memref<2x128x128xf32, #tpu.memory_space<vmem>> -> memref<1x128x128xf32, #tpu.memory_space<vmem>>
      %dma_wait3A_108 = tpu.memref_squeeze %dma_wait3A_107 : memref<1x128x128xf32, #tpu.memory_space<vmem>> -> memref<128x128xf32, #tpu.memory_space<vmem>>
      %dma_wait3A_109 = arith.constant 0 : i32
      %dma_wait3A_110 = tpu.memref_slice %arg11[%add3A_18, %dma_wait3A_109] : memref<10240x128xf32, #tpu.memory_space<vmem_shared>> -> memref<128x128xf32, #tpu.memory_space<vmem_shared>>
      %dma_wait3A_111 = arith.constant 0 : i32
      %dma_wait3A_112 = tpu.memref_slice %arg11[%add3A_18, %dma_wait3A_111] : memref<10240x128xf32, #tpu.memory_space<vmem_shared>> -> memref<128x128xf32, #tpu.memory_space<vmem_shared>>
      %dma_wait3A_113 = arith.constant 0 : i32
      %dma_wait3A_114 = arith.constant 0 : i32
      %dma_wait3A_115 = tpu.memref_slice %arg10[%run_scoped3A_19, %dma_wait3A_113, %dma_wait3A_114] : memref<2x128x128xf32, #tpu.memory_space<vmem>> -> memref<1x128x128xf32, #tpu.memory_space<vmem>>
      %dma_wait3A_116 = tpu.memref_squeeze %dma_wait3A_115 : memref<1x128x128xf32, #tpu.memory_space<vmem>> -> memref<128x128xf32, #tpu.memory_space<vmem>>
      tpu.wait_dma2 semaphore(%run_scoped3A_94 : memref<!tpu.dma_semaphore, #tpu.memory_space<semaphore_mem>>) src(%dma_wait3A_116 : memref<128x128xf32, #tpu.memory_space<vmem>>) dst(%dma_wait3A_112 : memref<128x128xf32, #tpu.memory_space<vmem_shared>>)
      tpu.yield
    }) : () -> ()
    %add3A_20 = arith.constant 384 : i32
    %add3A_21 = arith.addi %mul3A_10, %add3A_20 : i32
    %run_scoped3A_22 = arith.constant 0 : i32
    "tpu.region"() ({
      %run_scoped3A_94 = tpu.sem_alloc : memref<!tpu.dma_semaphore, #tpu.memory_space<semaphore_mem>>
      %dma_start3A = arith.constant 0 : i32
      %dma_start3A_95 = arith.constant 0 : i32
      %dma_start3A_96 = tpu.memref_slice %arg10[%run_scoped3A_22, %dma_start3A, %dma_start3A_95] : memref<2x128x128xf32, #tpu.memory_space<vmem>> -> memref<1x128x128xf32, #tpu.memory_space<vmem>>
      %dma_start3A_97 = tpu.memref_squeeze %dma_start3A_96 : memref<1x128x128xf32, #tpu.memory_space<vmem>> -> memref<128x128xf32, #tpu.memory_space<vmem>>
      %dma_start3A_98 = arith.constant 0 : i32
      %dma_start3A_99 = tpu.memref_slice %arg11[%add3A_21, %dma_start3A_98] : memref<10240x128xf32, #tpu.memory_space<vmem_shared>> -> memref<128x128xf32, #tpu.memory_space<vmem_shared>>
      %dma_start3A_100 = arith.constant 0 : i32
      %dma_start3A_101 = tpu.memref_slice %arg11[%add3A_21, %dma_start3A_100] : memref<10240x128xf32, #tpu.memory_space<vmem_shared>> -> memref<128x128xf32, #tpu.memory_space<vmem_shared>>
      %dma_start3A_102 = arith.constant 0 : i32
      %dma_start3A_103 = arith.constant 0 : i32
      %dma_start3A_104 = tpu.memref_slice %arg10[%run_scoped3A_22, %dma_start3A_102, %dma_start3A_103] : memref<2x128x128xf32, #tpu.memory_space<vmem>> -> memref<1x128x128xf32, #tpu.memory_space<vmem>>
      %dma_start3A_105 = tpu.memref_squeeze %dma_start3A_104 : memref<1x128x128xf32, #tpu.memory_space<vmem>> -> memref<128x128xf32, #tpu.memory_space<vmem>>
      tpu.enqueue_dma source(%dma_start3A_105 : memref<128x128xf32, #tpu.memory_space<vmem>>) target(%dma_start3A_101 : memref<128x128xf32, #tpu.memory_space<vmem_shared>>) target_semaphore(%run_scoped3A_94 : memref<!tpu.dma_semaphore, #tpu.memory_space<semaphore_mem>>)
      %dma_wait3A = arith.constant 0 : i32
      %dma_wait3A_106 = arith.constant 0 : i32
      %dma_wait3A_107 = tpu.memref_slice %arg10[%run_scoped3A_22, %dma_wait3A, %dma_wait3A_106] : memref<2x128x128xf32, #tpu.memory_space<vmem>> -> memref<1x128x128xf32, #tpu.memory_space<vmem>>
      %dma_wait3A_108 = tpu.memref_squeeze %dma_wait3A_107 : memref<1x128x128xf32, #tpu.memory_space<vmem>> -> memref<128x128xf32, #tpu.memory_space<vmem>>
      %dma_wait3A_109 = arith.constant 0 : i32
      %dma_wait3A_110 = tpu.memref_slice %arg11[%add3A_21, %dma_wait3A_109] : memref<10240x128xf32, #tpu.memory_space<vmem_shared>> -> memref<128x128xf32, #tpu.memory_space<vmem_shared>>
      %dma_wait3A_111 = arith.constant 0 : i32
      %dma_wait3A_112 = tpu.memref_slice %arg11[%add3A_21, %dma_wait3A_111] : memref<10240x128xf32, #tpu.memory_space<vmem_shared>> -> memref<128x128xf32, #tpu.memory_space<vmem_shared>>
      %dma_wait3A_113 = arith.constant 0 : i32
      %dma_wait3A_114 = arith.constant 0 : i32
      %dma_wait3A_115 = tpu.memref_slice %arg10[%run_scoped3A_22, %dma_wait3A_113, %dma_wait3A_114] : memref<2x128x128xf32, #tpu.memory_space<vmem>> -> memref<1x128x128xf32, #tpu.memory_space<vmem>>
      %dma_wait3A_116 = tpu.memref_squeeze %dma_wait3A_115 : memref<1x128x128xf32, #tpu.memory_space<vmem>> -> memref<128x128xf32, #tpu.memory_space<vmem>>
      tpu.wait_dma2 semaphore(%run_scoped3A_94 : memref<!tpu.dma_semaphore, #tpu.memory_space<semaphore_mem>>) src(%dma_wait3A_116 : memref<128x128xf32, #tpu.memory_space<vmem>>) dst(%dma_wait3A_112 : memref<128x128xf32, #tpu.memory_space<vmem_shared>>)
      tpu.yield
    }) : () -> ()
    %add3A_23 = arith.constant 512 : i32
    %add3A_24 = arith.addi %mul3A_10, %add3A_23 : i32
    %run_scoped3A_25 = arith.constant 0 : i32
    "tpu.region"() ({
      %run_scoped3A_94 = tpu.sem_alloc : memref<!tpu.dma_semaphore, #tpu.memory_space<semaphore_mem>>
      %dma_start3A = arith.constant 0 : i32
      %dma_start3A_95 = arith.constant 0 : i32
      %dma_start3A_96 = tpu.memref_slice %arg10[%run_scoped3A_25, %dma_start3A, %dma_start3A_95] : memref<2x128x128xf32, #tpu.memory_space<vmem>> -> memref<1x128x128xf32, #tpu.memory_space<vmem>>
      %dma_start3A_97 = tpu.memref_squeeze %dma_start3A_96 : memref<1x128x128xf32, #tpu.memory_space<vmem>> -> memref<128x128xf32, #tpu.memory_space<vmem>>
      %dma_start3A_98 = arith.constant 0 : i32
      %dma_start3A_99 = tpu.memref_slice %arg11[%add3A_24, %dma_start3A_98] : memref<10240x128xf32, #tpu.memory_space<vmem_shared>> -> memref<128x128xf32, #tpu.memory_space<vmem_shared>>
      %dma_start3A_100 = arith.constant 0 : i32
      %dma_start3A_101 = tpu.memref_slice %arg11[%add3A_24, %dma_start3A_100] : memref<10240x128xf32, #tpu.memory_space<vmem_shared>> -> memref<128x128xf32, #tpu.memory_space<vmem_shared>>
      %dma_start3A_102 = arith.constant 0 : i32
      %dma_start3A_103 = arith.constant 0 : i32
      %dma_start3A_104 = tpu.memref_slice %arg10[%run_scoped3A_25, %dma_start3A_102, %dma_start3A_103] : memref<2x128x128xf32, #tpu.memory_space<vmem>> -> memref<1x128x128xf32, #tpu.memory_space<vmem>>
      %dma_start3A_105 = tpu.memref_squeeze %dma_start3A_104 : memref<1x128x128xf32, #tpu.memory_space<vmem>> -> memref<128x128xf32, #tpu.memory_space<vmem>>
      tpu.enqueue_dma source(%dma_start3A_105 : memref<128x128xf32, #tpu.memory_space<vmem>>) target(%dma_start3A_101 : memref<128x128xf32, #tpu.memory_space<vmem_shared>>) target_semaphore(%run_scoped3A_94 : memref<!tpu.dma_semaphore, #tpu.memory_space<semaphore_mem>>)
      %dma_wait3A = arith.constant 0 : i32
      %dma_wait3A_106 = arith.constant 0 : i32
      %dma_wait3A_107 = tpu.memref_slice %arg10[%run_scoped3A_25, %dma_wait3A, %dma_wait3A_106] : memref<2x128x128xf32, #tpu.memory_space<vmem>> -> memref<1x128x128xf32, #tpu.memory_space<vmem>>
      %dma_wait3A_108 = tpu.memref_squeeze %dma_wait3A_107 : memref<1x128x128xf32, #tpu.memory_space<vmem>> -> memref<128x128xf32, #tpu.memory_space<vmem>>
      %dma_wait3A_109 = arith.constant 0 : i32
      %dma_wait3A_110 = tpu.memref_slice %arg11[%add3A_24, %dma_wait3A_109] : memref<10240x128xf32, #tpu.memory_space<vmem_shared>> -> memref<128x128xf32, #tpu.memory_space<vmem_shared>>
      %dma_wait3A_111 = arith.constant 0 : i32
      %dma_wait3A_112 = tpu.memref_slice %arg11[%add3A_24, %dma_wait3A_111] : memref<10240x128xf32, #tpu.memory_space<vmem_shared>> -> memref<128x128xf32, #tpu.memory_space<vmem_shared>>
      %dma_wait3A_113 = arith.constant 0 : i32
      %dma_wait3A_114 = arith.constant 0 : i32
      %dma_wait3A_115 = tpu.memref_slice %arg10[%run_scoped3A_25, %dma_wait3A_113, %dma_wait3A_114] : memref<2x128x128xf32, #tpu.memory_space<vmem>> -> memref<1x128x128xf32, #tpu.memory_space<vmem>>
      %dma_wait3A_116 = tpu.memref_squeeze %dma_wait3A_115 : memref<1x128x128xf32, #tpu.memory_space<vmem>> -> memref<128x128xf32, #tpu.memory_space<vmem>>
      tpu.wait_dma2 semaphore(%run_scoped3A_94 : memref<!tpu.dma_semaphore, #tpu.memory_space<semaphore_mem>>) src(%dma_wait3A_116 : memref<128x128xf32, #tpu.memory_space<vmem>>) dst(%dma_wait3A_112 : memref<128x128xf32, #tpu.memory_space<vmem_shared>>)
      tpu.yield
    }) : () -> ()
    "tpu.region"() ({
      %run_scoped3A_94 = tpu.sem_alloc : memref<!tpu.dma_semaphore, #tpu.memory_space<semaphore_mem>>
      %dma_start3A = arith.constant 0 : i32
      %dma_start3A_95 = arith.constant 0 : i32
      %dma_start3A_96 = tpu.memref_slice %arg5[%dma_start3A, %dma_start3A_95] : memref<128x128xf32, #tpu.memory_space<hbm>> -> memref<80x128xf32, #tpu.memory_space<hbm>>
      %dma_start3A_97 = arith.constant 0 : i32
      %dma_start3A_98 = arith.constant 0 : i32
      %dma_start3A_99 = tpu.memref_slice %arg5[%dma_start3A_97, %dma_start3A_98] : memref<128x128xf32, #tpu.memory_space<hbm>> -> memref<80x128xf32, #tpu.memory_space<hbm>>
      tpu.enqueue_dma source(%dma_start3A_99 : memref<80x128xf32, #tpu.memory_space<hbm>>) target(%arg16 : memref<80x128xf32, #tpu.memory_space<vmem>>) target_semaphore(%run_scoped3A_94 : memref<!tpu.dma_semaphore, #tpu.memory_space<semaphore_mem>>)
      %dma_wait3A = arith.constant 0 : i32
      %dma_wait3A_100 = arith.constant 0 : i32
      %dma_wait3A_101 = tpu.memref_slice %arg5[%dma_wait3A, %dma_wait3A_100] : memref<128x128xf32, #tpu.memory_space<hbm>> -> memref<80x128xf32, #tpu.memory_space<hbm>>
      %dma_wait3A_102 = arith.constant 0 : i32
      %dma_wait3A_103 = arith.constant 0 : i32
      %dma_wait3A_104 = tpu.memref_slice %arg5[%dma_wait3A_102, %dma_wait3A_103] : memref<128x128xf32, #tpu.memory_space<hbm>> -> memref<80x128xf32, #tpu.memory_space<hbm>>
      tpu.wait_dma2 semaphore(%run_scoped3A_94 : memref<!tpu.dma_semaphore, #tpu.memory_space<semaphore_mem>>) src(%dma_wait3A_104 : memref<80x128xf32, #tpu.memory_space<hbm>>) dst(%arg16 : memref<80x128xf32, #tpu.memory_space<vmem>>)
      tpu.yield
    }) : () -> ()
    %iota3A = tpu.iota {dimensions = array<i32: 0>} : vector<16xi32>
    %add3A_26 = arith.constant 0 : i32
    %add3A_27 = vector.broadcast %add3A_26 : i32 to vector<16xi32>
    %add3A_28 = arith.addi %iota3A, %add3A_27 : vector<16xi32>
    %swap3A = arith.constant 0 : index
    %swap3A_29 = tpu.vector_load %arg17[%swap3A] {strides = array<i32>} : memref<80xi32, #tpu.memory_space<vmem>>, vector<16xi32>,
    tpu.vector_store %arg17[%swap3A], %add3A_28 {strides = array<i32>} : memref<80xi32, #tpu.memory_space<vmem>>, vector<16xi32>,
    %iota3A_30 = tpu.iota {dimensions = array<i32: 0>} : vector<16xi32>
    %add3A_31 = arith.constant 16 : i32
    %add3A_32 = vector.broadcast %add3A_31 : i32 to vector<16xi32>
    %add3A_33 = arith.addi %iota3A_30, %add3A_32 : vector<16xi32>
    %swap3A_34 = arith.constant 16 : index
    %swap3A_35 = tpu.vector_load %arg17[%swap3A_34] {strides = array<i32>} : memref<80xi32, #tpu.memory_space<vmem>>, vector<16xi32>,
    tpu.vector_store %arg17[%swap3A_34], %add3A_33 {strides = array<i32>} : memref<80xi32, #tpu.memory_space<vmem>>, vector<16xi32>,
    %iota3A_36 = tpu.iota {dimensions = array<i32: 0>} : vector<16xi32>
    %add3A_37 = arith.constant 32 : i32
    %add3A_38 = vector.broadcast %add3A_37 : i32 to vector<16xi32>
    %add3A_39 = arith.addi %iota3A_36, %add3A_38 : vector<16xi32>
    %swap3A_40 = arith.constant 32 : index
    %swap3A_41 = tpu.vector_load %arg17[%swap3A_40] {strides = array<i32>} : memref<80xi32, #tpu.memory_space<vmem>>, vector<16xi32>,
    tpu.vector_store %arg17[%swap3A_40], %add3A_39 {strides = array<i32>} : memref<80xi32, #tpu.memory_space<vmem>>, vector<16xi32>,
    %iota3A_42 = tpu.iota {dimensions = array<i32: 0>} : vector<16xi32>
    %add3A_43 = arith.constant 48 : i32
    %add3A_44 = vector.broadcast %add3A_43 : i32 to vector<16xi32>
    %add3A_45 = arith.addi %iota3A_42, %add3A_44 : vector<16xi32>
    %swap3A_46 = arith.constant 48 : index
    %swap3A_47 = tpu.vector_load %arg17[%swap3A_46] {strides = array<i32>} : memref<80xi32, #tpu.memory_space<vmem>>, vector<16xi32>,
    tpu.vector_store %arg17[%swap3A_46], %add3A_45 {strides = array<i32>} : memref<80xi32, #tpu.memory_space<vmem>>, vector<16xi32>,
    %iota3A_48 = tpu.iota {dimensions = array<i32: 0>} : vector<16xi32>
    %add3A_49 = arith.constant 64 : i32
    %add3A_50 = vector.broadcast %add3A_49 : i32 to vector<16xi32>
    %add3A_51 = arith.addi %iota3A_48, %add3A_50 : vector<16xi32>
    %swap3A_52 = arith.constant 64 : index
    %swap3A_53 = tpu.vector_load %arg17[%swap3A_52] {strides = array<i32>} : memref<80xi32, #tpu.memory_space<vmem>>, vector<16xi32>,
    tpu.vector_store %arg17[%swap3A_52], %add3A_51 {strides = array<i32>} : memref<80xi32, #tpu.memory_space<vmem>>, vector<16xi32>,
    %eq3A_54 = arith.constant 0 : i32
    %eq3A_55 = arith.cmpi eq, %arg1, %eq3A_54 : i32
    %convert_element_type3A = arith.extui %eq3A_55 : i1 to i32
    %cond3A = arith.constant 0 : i32
    %cond3A_56 = arith.cmpi ne, %convert_element_type3A, %cond3A : i32
    scf.if %cond3A_56 {
      "tpu.region"() ({
        %run_scoped3A_94 = tpu.sem_alloc : memref<!tpu.dma_semaphore, #tpu.memory_space<semaphore_mem>>
        %dma_start3A = arith.constant 0 : i32
        %dma_start3A_95 = arith.constant 0 : i32
        %dma_start3A_96 = tpu.memref_slice %arg5[%dma_start3A, %dma_start3A_95] : memref<128x128xf32, #tpu.memory_space<hbm>> -> memref<80x128xf32, #tpu.memory_space<hbm>>
        tpu.enqueue_dma source(%dma_start3A_96 : memref<80x128xf32, #tpu.memory_space<hbm>>) target(%arg18 : memref<80x128xf32, #tpu.memory_space<vmem_shared>>) target_semaphore(%run_scoped3A_94 : memref<!tpu.dma_semaphore, #tpu.memory_space<semaphore_mem>>)
        %dma_wait3A = arith.constant 0 : i32
        %dma_wait3A_97 = arith.constant 0 : i32
        %dma_wait3A_98 = tpu.memref_slice %arg5[%dma_wait3A, %dma_wait3A_97] : memref<128x128xf32, #tpu.memory_space<hbm>> -> memref<80x128xf32, #tpu.memory_space<hbm>>
        tpu.wait_dma2 semaphore(%run_scoped3A_94 : memref<!tpu.dma_semaphore, #tpu.memory_space<semaphore_mem>>) src(%dma_wait3A_98 : memref<80x128xf32, #tpu.memory_space<hbm>>) dst(%arg18 : memref<80x128xf32, #tpu.memory_space<vmem_shared>>)
        tpu.yield
      }) : () -> ()
    } else {
    }
    %barrier3A = arith.constant 0 : index
    tpu.barrier barrier_id(%barrier3A)
    %broadcast_in_dim3A = arith.constant 1.000000e+00 : f32
    %broadcast_in_dim3A_57 = vector.broadcast %broadcast_in_dim3A : f32 to vector<16xf32>
    %gt3A = arith.constant 0 : i32
    %gt3A_58 = arith.cmpi sgt, %select_n3A, %gt3A : i32
    %convert_element_type3A_59 = arith.extui %gt3A_58 : i1 to i32
    %cond3A_60 = arith.constant 0 : i32
    %cond3A_61 = arith.cmpi ne, %convert_element_type3A_59, %cond3A_60 : i32
    scf.if %cond3A_61 {
      %add3A_94 = arith.constant 0 : i32
      %add3A_95 = arith.addi %mul3A_8, %add3A_94 : i32
      %add3A_96 = arith.constant 0 : i32
      %add3A_97 = arith.addi %mul3A_8, %add3A_96 : i32
      %dma_start3A = arith.constant 0 : i32
      %dma_start3A_98 = arith.constant 0 : i32
      %dma_start3A_99 = tpu.memref_slice %arg8[%dma_start3A, %dma_start3A_98] : memref<2x128xi32, #tpu.memory_space<vmem>> -> memref<1x128xi32, #tpu.memory_space<vmem>>
      %dma_start3A_100 = tpu.memref_squeeze %dma_start3A_99 : memref<1x128xi32, #tpu.memory_space<vmem>> -> memref<128xi32, #tpu.memory_space<vmem>>
      %dma_start3A_101 = tpu.memref_slice %arg3[%add3A_95] : memref<327680xi32, #tpu.memory_space<hbm>> -> memref<128xi32, #tpu.memory_space<hbm>>
      %dma_start3A_102 = arith.constant 0 : i32
      %dma_start3A_103 = tpu.memref_slice %arg8[%dma_start3A, %dma_start3A_102] : memref<2x128xi32, #tpu.memory_space<vmem>> -> memref<1x128xi32, #tpu.memory_space<vmem>>
      %dma_start3A_104 = tpu.memref_squeeze %dma_start3A_103 : memref<1x128xi32, #tpu.memory_space<vmem>> -> memref<128xi32, #tpu.memory_space<vmem>>
      %dma_start3A_105 = tpu.memref_slice %arg3[%add3A_95] : memref<327680xi32, #tpu.memory_space<hbm>> -> memref<128xi32, #tpu.memory_space<hbm>>
      tpu.enqueue_dma source(%dma_start3A_105 : memref<128xi32, #tpu.memory_space<hbm>>) target(%dma_start3A_104 : memref<128xi32, #tpu.memory_space<vmem>>) target_semaphore(%arg14 : memref<!tpu.dma_semaphore, #tpu.memory_space<semaphore_mem>>)
      %dma_start3A_106 = arith.constant 0 : i32
      %dma_start3A_107 = arith.constant 0 : i32
      %dma_start3A_108 = tpu.memref_slice %arg9[%dma_start3A_106, %dma_start3A_107] : memref<2x128xi32, #tpu.memory_space<vmem>> -> memref<1x128xi32, #tpu.memory_space<vmem>>
      %dma_start3A_109 = tpu.memref_squeeze %dma_start3A_108 : memref<1x128xi32, #tpu.memory_space<vmem>> -> memref<128xi32, #tpu.memory_space<vmem>>
      %dma_start3A_110 = tpu.memref_slice %arg4[%add3A_97] : memref<327680xi32, #tpu.memory_space<hbm>> -> memref<128xi32, #tpu.memory_space<hbm>>
      %dma_start3A_111 = arith.constant 0 : i32
      %dma_start3A_112 = tpu.memref_slice %arg9[%dma_start3A_106, %dma_start3A_111] : memref<2x128xi32, #tpu.memory_space<vmem>> -> memref<1x128xi32, #tpu.memory_space<vmem>>
      %dma_start3A_113 = tpu.memref_squeeze %dma_start3A_112 : memref<1x128xi32, #tpu.memory_space<vmem>> -> memref<128xi32, #tpu.memory_space<vmem>>
      %dma_start3A_114 = tpu.memref_slice %arg4[%add3A_97] : memref<327680xi32, #tpu.memory_space<hbm>> -> memref<128xi32, #tpu.memory_space<hbm>>
      tpu.enqueue_dma source(%dma_start3A_114 : memref<128xi32, #tpu.memory_space<hbm>>) target(%dma_start3A_113 : memref<128xi32, #tpu.memory_space<vmem>>) target_semaphore(%arg15 : memref<!tpu.dma_semaphore, #tpu.memory_space<semaphore_mem>>)
      %add3A_115 = arith.constant 0 : i32
      %add3A_116 = arith.addi %mul3A_8, %add3A_115 : i32
      %add3A_117 = arith.constant 0 : i32
      %add3A_118 = arith.addi %mul3A_8, %add3A_117 : i32
      %dma_wait3A = arith.constant 0 : i32
      %dma_wait3A_119 = arith.constant 0 : i32
      %dma_wait3A_120 = tpu.memref_slice %arg8[%dma_wait3A, %dma_wait3A_119] : memref<2x128xi32, #tpu.memory_space<vmem>> -> memref<1x128xi32, #tpu.memory_space<vmem>>
      %dma_wait3A_121 = tpu.memref_squeeze %dma_wait3A_120 : memref<1x128xi32, #tpu.memory_space<vmem>> -> memref<128xi32, #tpu.memory_space<vmem>>
      %dma_wait3A_122 = tpu.memref_slice %arg3[%add3A_116] : memref<327680xi32, #tpu.memory_space<hbm>> -> memref<128xi32, #tpu.memory_space<hbm>>
      %dma_wait3A_123 = arith.constant 0 : i32
      %dma_wait3A_124 = tpu.memref_slice %arg8[%dma_wait3A, %dma_wait3A_123] : memref<2x128xi32, #tpu.memory_space<vmem>> -> memref<1x128xi32, #tpu.memory_space<vmem>>
      %dma_wait3A_125 = tpu.memref_squeeze %dma_wait3A_124 : memref<1x128xi32, #tpu.memory_space<vmem>> -> memref<128xi32, #tpu.memory_space<vmem>>
      %dma_wait3A_126 = tpu.memref_slice %arg3[%add3A_116] : memref<327680xi32, #tpu.memory_space<hbm>> -> memref<128xi32, #tpu.memory_space<hbm>>
      tpu.wait_dma2 semaphore(%arg14 : memref<!tpu.dma_semaphore, #tpu.memory_space<semaphore_mem>>) src(%dma_wait3A_126 : memref<128xi32, #tpu.memory_space<hbm>>) dst(%dma_wait3A_125 : memref<128xi32, #tpu.memory_space<vmem>>)
      %dma_wait3A_127 = arith.constant 0 : i32
      %dma_wait3A_128 = arith.constant 0 : i32
      %dma_wait3A_129 = tpu.memref_slice %arg9[%dma_wait3A_127, %dma_wait3A_128] : memref<2x128xi32, #tpu.memory_space<vmem>> -> memref<1x128xi32, #tpu.memory_space<vmem>>
      %dma_wait3A_130 = tpu.memref_squeeze %dma_wait3A_129 : memref<1x128xi32, #tpu.memory_space<vmem>> -> memref<128xi32, #tpu.memory_space<vmem>>
      %dma_wait3A_131 = tpu.memref_slice %arg4[%add3A_118] : memref<327680xi32, #tpu.memory_space<hbm>> -> memref<128xi32, #tpu.memory_space<hbm>>
      %dma_wait3A_132 = arith.constant 0 : i32
      %dma_wait3A_133 = tpu.memref_slice %arg9[%dma_wait3A_127, %dma_wait3A_132] : memref<2x128xi32, #tpu.memory_space<vmem>> -> memref<1x128xi32, #tpu.memory_space<vmem>>
      %dma_wait3A_134 = tpu.memref_squeeze %dma_wait3A_133 : memref<1x128xi32, #tpu.memory_space<vmem>> -> memref<128xi32, #tpu.memory_space<vmem>>
      %dma_wait3A_135 = tpu.memref_slice %arg4[%add3A_118] : memref<327680xi32, #tpu.memory_space<hbm>> -> memref<128xi32, #tpu.memory_space<hbm>>
      tpu.wait_dma2 semaphore(%arg15 : memref<!tpu.dma_semaphore, #tpu.memory_space<semaphore_mem>>) src(%dma_wait3A_135 : memref<128xi32, #tpu.memory_space<hbm>>) dst(%dma_wait3A_134 : memref<128xi32, #tpu.memory_space<vmem>>)
      %dma_start3A_136 = arith.constant 0 : i32
      %dma_start3A_137 = arith.constant 0 : i32
      %dma_start3A_138 = arith.constant 0 : i32
      %dma_start3A_139 = arith.constant 0 : i32
      %dma_start3A_140 = tpu.memref_slice %arg10[%dma_start3A_137, %dma_start3A_138, %dma_start3A_139] : memref<2x128x128xf32, #tpu.memory_space<vmem>> -> memref<1x128x128xf32, #tpu.memory_space<vmem>>
      %dma_start3A_141 = tpu.memref_squeeze %dma_start3A_140 : memref<1x128x128xf32, #tpu.memory_space<vmem>> -> memref<128x128xf32, #tpu.memory_space<vmem>>
      %dma_start3A_142 = arith.constant 0 : i32
      %dma_start3A_143 = tpu.memref_slice %arg8[%dma_start3A_136, %dma_start3A_142] : memref<2x128xi32, #tpu.memory_space<vmem>> -> memref<1x128xi32, #tpu.memory_space<vmem>>
      %dma_start3A_144 = tpu.memref_squeeze %dma_start3A_143 : memref<1x128xi32, #tpu.memory_space<vmem>> -> memref<128xi32, #tpu.memory_space<vmem>>
      %dma_start3A_145 = arith.constant 0 : i32
      %dma_start3A_146 = arith.constant 0 : i32
      %dma_start3A_147 = tpu.memref_slice %arg2[%dma_start3A_145, %dma_start3A_146] : memref<10000x128xf32, #tpu.memory_space<hbm>> -> memref<10000x128xf32, #tpu.memory_space<hbm>>
      tpu.enqueue_indirect_dma source(%dma_start3A_147 : memref<10000x128xf32, #tpu.memory_space<hbm>>) target(%dma_start3A_141 : memref<128x128xf32, #tpu.memory_space<vmem>>) offsets(%dma_start3A_144 : memref<128xi32, #tpu.memory_space<vmem>>) semaphore(%arg12 : memref<!tpu.dma_semaphore, #tpu.memory_space<semaphore_mem>>)
      %add3A_148 = arith.constant 128 : i32
      %add3A_149 = arith.addi %mul3A_8, %add3A_148 : i32
      %add3A_150 = arith.constant 128 : i32
      %add3A_151 = arith.addi %mul3A_8, %add3A_150 : i32
      %dma_start3A_152 = arith.constant 1 : i32
      %dma_start3A_153 = arith.constant 0 : i32
      %dma_start3A_154 = tpu.memref_slice %arg8[%dma_start3A_152, %dma_start3A_153] : memref<2x128xi32, #tpu.memory_space<vmem>> -> memref<1x128xi32, #tpu.memory_space<vmem>>
      %dma_start3A_155 = tpu.memref_squeeze %dma_start3A_154 : memref<1x128xi32, #tpu.memory_space<vmem>> -> memref<128xi32, #tpu.memory_space<vmem>>
      %dma_start3A_156 = tpu.memref_slice %arg3[%add3A_149] : memref<327680xi32, #tpu.memory_space<hbm>> -> memref<128xi32, #tpu.memory_space<hbm>>
      %dma_start3A_157 = arith.constant 0 : i32
      %dma_start3A_158 = tpu.memref_slice %arg8[%dma_start3A_152, %dma_start3A_157] : memref<2x128xi32, #tpu.memory_space<vmem>> -> memref<1x128xi32, #tpu.memory_space<vmem>>
      %dma_start3A_159 = tpu.memref_squeeze %dma_start3A_158 : memref<1x128xi32, #tpu.memory_space<vmem>> -> memref<128xi32, #tpu.memory_space<vmem>>
      %dma_start3A_160 = tpu.memref_slice %arg3[%add3A_149] : memref<327680xi32, #tpu.memory_space<hbm>> -> memref<128xi32, #tpu.memory_space<hbm>>
      tpu.enqueue_dma source(%dma_start3A_160 : memref<128xi32, #tpu.memory_space<hbm>>) target(%dma_start3A_159 : memref<128xi32, #tpu.memory_space<vmem>>) target_semaphore(%arg14 : memref<!tpu.dma_semaphore, #tpu.memory_space<semaphore_mem>>)
      %dma_start3A_161 = arith.constant 1 : i32
      %dma_start3A_162 = arith.constant 0 : i32
      %dma_start3A_163 = tpu.memref_slice %arg9[%dma_start3A_161, %dma_start3A_162] : memref<2x128xi32, #tpu.memory_space<vmem>> -> memref<1x128xi32, #tpu.memory_space<vmem>>
      %dma_start3A_164 = tpu.memref_squeeze %dma_start3A_163 : memref<1x128xi32, #tpu.memory_space<vmem>> -> memref<128xi32, #tpu.memory_space<vmem>>
      %dma_start3A_165 = tpu.memref_slice %arg4[%add3A_151] : memref<327680xi32, #tpu.memory_space<hbm>> -> memref<128xi32, #tpu.memory_space<hbm>>
      %dma_start3A_166 = arith.constant 0 : i32
      %dma_start3A_167 = tpu.memref_slice %arg9[%dma_start3A_161, %dma_start3A_166] : memref<2x128xi32, #tpu.memory_space<vmem>> -> memref<1x128xi32, #tpu.memory_space<vmem>>
      %dma_start3A_168 = tpu.memref_squeeze %dma_start3A_167 : memref<1x128xi32, #tpu.memory_space<vmem>> -> memref<128xi32, #tpu.memory_space<vmem>>
      %dma_start3A_169 = tpu.memref_slice %arg4[%add3A_151] : memref<327680xi32, #tpu.memory_space<hbm>> -> memref<128xi32, #tpu.memory_space<hbm>>
      tpu.enqueue_dma source(%dma_start3A_169 : memref<128xi32, #tpu.memory_space<hbm>>) target(%dma_start3A_168 : memref<128xi32, #tpu.memory_space<vmem>>) target_semaphore(%arg15 : memref<!tpu.dma_semaphore, #tpu.memory_space<semaphore_mem>>)
    } else {
    }
    %jit3A_62 = arith.constant 2 : i32
    %div3A = arith.divsi %select_n3A, %jit3A_62 : i32
    %sign3A = arith.constant 0 : i32
    %sign3A_63 = arith.cmpi sgt, %select_n3A, %sign3A : i32
    %sign3A_64 = arith.extui %sign3A_63 : i1 to i32
    %sign3A_65 = arith.constant 0 : i32
    %sign3A_66 = arith.cmpi slt, %select_n3A, %sign3A_65 : i32
    %sign3A_67 = arith.extui %sign3A_66 : i1 to i32
    %sign3A_68 = arith.subi %sign3A_64, %sign3A_67 : i32
    %sign3A_69 = arith.constant 0 : i32
    %sign3A_70 = arith.cmpi sgt, %jit3A_62, %sign3A_69 : i32
    %sign3A_71 = arith.extui %sign3A_70 : i1 to i32
    %sign3A_72 = arith.constant 0 : i32
    %sign3A_73 = arith.cmpi slt, %jit3A_62, %sign3A_72 : i32
    %sign3A_74 = arith.extui %sign3A_73 : i1 to i32
    %sign3A_75 = arith.subi %sign3A_71, %sign3A_74 : i32
    %ne3A = arith.cmpi ne, %sign3A_68, %sign3A_75 : i32
    %rem3A = arith.remsi %select_n3A, %jit3A_62 : i32
    %ne3A_76 = arith.constant 0 : i32
    %ne3A_77 = arith.cmpi ne, %rem3A, %ne3A_76 : i32
    %and3A = arith.andi %ne3A, %ne3A_77 : i1
    %sub3A = arith.constant 1 : i32
    %sub3A_78 = arith.subi %div3A, %sub3A : i32
    %select_n3A_79 = arith.select %and3A, %sub3A_78, %div3A : i32
    %while3A = arith.constant 0 : i32
    %while3A_80 = arith.constant 0 : i32
    %while3A_81 = arith.subi %select_n3A_79, %while3A_80 : i32
    %while3A_82 = arith.addi %while3A_80, %while3A_81 : i32
    %while3A_83 = arith.constant 1 : i32
    %while3A_84 = arith.divsi %while3A_81, %while3A_83 : i32
    %while3A_85 = arith.muli %while3A_84, %while3A_83 : i32
    %while3A_86 = arith.addi %while3A_80, %while3A_85 : i32
    %while3A_87 = arith.constant 1 : i32
    scf.for %while3A_94 = %while3A_80 to %while3A_86 step %while3A_87  : i32 {
      %mul3A_95 = arith.constant 2 : i32
      %mul3A_96 = arith.muli %mul3A_95, %while3A_94 : i32
      %dma_wait3A = arith.constant 0 : i32
      %dma_wait3A_97 = arith.constant 0 : i32
      %dma_wait3A_98 = arith.constant 0 : i32
      %dma_wait3A_99 = arith.constant 0 : i32
      %dma_wait3A_100 = tpu.memref_slice %arg10[%dma_wait3A_97, %dma_wait3A_98, %dma_wait3A_99] : memref<2x128x128xf32, #tpu.memory_space<vmem>> -> memref<1x128x128xf32, #tpu.memory_space<vmem>>
      %dma_wait3A_101 = tpu.memref_squeeze %dma_wait3A_100 : memref<1x128x128xf32, #tpu.memory_space<vmem>> -> memref<128x128xf32, #tpu.memory_space<vmem>>
      %dma_wait3A_102 = arith.constant 0 : i32
      %dma_wait3A_103 = tpu.memref_slice %arg8[%dma_wait3A, %dma_wait3A_102] : memref<2x128xi32, #tpu.memory_space<vmem>> -> memref<1x128xi32, #tpu.memory_space<vmem>>
      %dma_wait3A_104 = tpu.memref_squeeze %dma_wait3A_103 : memref<1x128xi32, #tpu.memory_space<vmem>> -> memref<128xi32, #tpu.memory_space<vmem>>
      %dma_wait3A_105 = arith.constant 0 : i32
      %dma_wait3A_106 = arith.constant 0 : i32
      %dma_wait3A_107 = tpu.memref_slice %arg2[%dma_wait3A_105, %dma_wait3A_106] : memref<10000x128xf32, #tpu.memory_space<hbm>> -> memref<10000x128xf32, #tpu.memory_space<hbm>>
      tpu.wait_indirect_dma semaphore(%arg12 : memref<!tpu.dma_semaphore, #tpu.memory_space<semaphore_mem>>) src(%dma_wait3A_107 : memref<10000x128xf32, #tpu.memory_space<hbm>>) dst(%dma_wait3A_101 : memref<128x128xf32, #tpu.memory_space<vmem>>)
      %add3A_108 = arith.constant 1 : i32
      %add3A_109 = arith.addi %mul3A_96, %add3A_108 : i32
      %lt3A_110 = arith.cmpi slt, %add3A_109, %select_n3A : i32
      %convert_element_type3A_111 = arith.extui %lt3A_110 : i1 to i32
      %cond3A_112 = arith.constant 0 : i32
      %cond3A_113 = arith.cmpi ne, %convert_element_type3A_111, %cond3A_112 : i32
      scf.if %cond3A_113 {
        %add3A_163 = arith.constant 1 : i32
        %add3A_164 = arith.addi %mul3A_96, %add3A_163 : i32
        %mul3A_165 = arith.constant 128 : i32
        %mul3A_166 = arith.muli %add3A_164, %mul3A_165 : i32
        %add3A_167 = arith.addi %mul3A_8, %mul3A_166 : i32
        %mul3A_168 = arith.constant 128 : i32
        %mul3A_169 = arith.muli %add3A_164, %mul3A_168 : i32
        %add3A_170 = arith.addi %mul3A_8, %mul3A_169 : i32
        %dma_wait3A_171 = arith.constant 1 : i32
        %dma_wait3A_172 = arith.constant 0 : i32
        %dma_wait3A_173 = tpu.memref_slice %arg8[%dma_wait3A_171, %dma_wait3A_172] : memref<2x128xi32, #tpu.memory_space<vmem>> -> memref<1x128xi32, #tpu.memory_space<vmem>>
        %dma_wait3A_174 = tpu.memref_squeeze %dma_wait3A_173 : memref<1x128xi32, #tpu.memory_space<vmem>> -> memref<128xi32, #tpu.memory_space<vmem>>
        %dma_wait3A_175 = tpu.memref_slice %arg3[%add3A_167] : memref<327680xi32, #tpu.memory_space<hbm>> -> memref<128xi32, #tpu.memory_space<hbm>>
        %dma_wait3A_176 = arith.constant 0 : i32
        %dma_wait3A_177 = tpu.memref_slice %arg8[%dma_wait3A_171, %dma_wait3A_176] : memref<2x128xi32, #tpu.memory_space<vmem>> -> memref<1x128xi32, #tpu.memory_space<vmem>>
        %dma_wait3A_178 = tpu.memref_squeeze %dma_wait3A_177 : memref<1x128xi32, #tpu.memory_space<vmem>> -> memref<128xi32, #tpu.memory_space<vmem>>
        %dma_wait3A_179 = tpu.memref_slice %arg3[%add3A_167] : memref<327680xi32, #tpu.memory_space<hbm>> -> memref<128xi32, #tpu.memory_space<hbm>>
        tpu.wait_dma2 semaphore(%arg14 : memref<!tpu.dma_semaphore, #tpu.memory_space<semaphore_mem>>) src(%dma_wait3A_179 : memref<128xi32, #tpu.memory_space<hbm>>) dst(%dma_wait3A_178 : memref<128xi32, #tpu.memory_space<vmem>>)
        %dma_wait3A_180 = arith.constant 1 : i32
        %dma_wait3A_181 = arith.constant 0 : i32
        %dma_wait3A_182 = tpu.memref_slice %arg9[%dma_wait3A_180, %dma_wait3A_181] : memref<2x128xi32, #tpu.memory_space<vmem>> -> memref<1x128xi32, #tpu.memory_space<vmem>>
        %dma_wait3A_183 = tpu.memref_squeeze %dma_wait3A_182 : memref<1x128xi32, #tpu.memory_space<vmem>> -> memref<128xi32, #tpu.memory_space<vmem>>
        %dma_wait3A_184 = tpu.memref_slice %arg4[%add3A_170] : memref<327680xi32, #tpu.memory_space<hbm>> -> memref<128xi32, #tpu.memory_space<hbm>>
        %dma_wait3A_185 = arith.constant 0 : i32
        %dma_wait3A_186 = tpu.memref_slice %arg9[%dma_wait3A_180, %dma_wait3A_185] : memref<2x128xi32, #tpu.memory_space<vmem>> -> memref<1x128xi32, #tpu.memory_space<vmem>>
        %dma_wait3A_187 = tpu.memref_squeeze %dma_wait3A_186 : memref<1x128xi32, #tpu.memory_space<vmem>> -> memref<128xi32, #tpu.memory_space<vmem>>
        %dma_wait3A_188 = tpu.memref_slice %arg4[%add3A_170] : memref<327680xi32, #tpu.memory_space<hbm>> -> memref<128xi32, #tpu.memory_space<hbm>>
        tpu.wait_dma2 semaphore(%arg15 : memref<!tpu.dma_semaphore, #tpu.memory_space<semaphore_mem>>) src(%dma_wait3A_188 : memref<128xi32, #tpu.memory_space<hbm>>) dst(%dma_wait3A_187 : memref<128xi32, #tpu.memory_space<vmem>>)
        %add3A_189 = arith.constant 1 : i32
        %add3A_190 = arith.addi %mul3A_96, %add3A_189 : i32
        %dma_start3A = arith.constant 1 : i32
        %dma_start3A_191 = arith.constant 1 : i32
        %dma_start3A_192 = arith.constant 0 : i32
        %dma_start3A_193 = arith.constant 0 : i32
        %dma_start3A_194 = tpu.memref_slice %arg10[%dma_start3A_191, %dma_start3A_192, %dma_start3A_193] : memref<2x128x128xf32, #tpu.memory_space<vmem>> -> memref<1x128x128xf32, #tpu.memory_space<vmem>>
        %dma_start3A_195 = tpu.memref_squeeze %dma_start3A_194 : memref<1x128x128xf32, #tpu.memory_space<vmem>> -> memref<128x128xf32, #tpu.memory_space<vmem>>
        %dma_start3A_196 = arith.constant 0 : i32
        %dma_start3A_197 = tpu.memref_slice %arg8[%dma_start3A, %dma_start3A_196] : memref<2x128xi32, #tpu.memory_space<vmem>> -> memref<1x128xi32, #tpu.memory_space<vmem>>
        %dma_start3A_198 = tpu.memref_squeeze %dma_start3A_197 : memref<1x128xi32, #tpu.memory_space<vmem>> -> memref<128xi32, #tpu.memory_space<vmem>>
        %dma_start3A_199 = arith.constant 0 : i32
        %dma_start3A_200 = arith.constant 0 : i32
        %dma_start3A_201 = tpu.memref_slice %arg2[%dma_start3A_199, %dma_start3A_200] : memref<10000x128xf32, #tpu.memory_space<hbm>> -> memref<10000x128xf32, #tpu.memory_space<hbm>>
        tpu.enqueue_indirect_dma source(%dma_start3A_201 : memref<10000x128xf32, #tpu.memory_space<hbm>>) target(%dma_start3A_195 : memref<128x128xf32, #tpu.memory_space<vmem>>) offsets(%dma_start3A_198 : memref<128xi32, #tpu.memory_space<vmem>>) semaphore(%arg13 : memref<!tpu.dma_semaphore, #tpu.memory_space<semaphore_mem>>)
      } else {
      }
      %scan3A = arith.constant 0 : i32
      %scan3A_114 = arith.constant 0 : i32
      %scan3A_115 = arith.constant 8 : i32
      %scan3A_116 = arith.addi %scan3A_114, %scan3A_115 : i32
      %scan3A_117 = arith.constant 1 : i32
      scf.for %scan3A_163 = %scan3A_114 to %scan3A_116 step %scan3A_117  : i32 {
        %mul3A_164 = arith.constant 16 : i32
        %mul3A_165 = arith.muli %scan3A_163, %mul3A_164 : i32
        %get3A = arith.constant 0 : i32
        %get3A_166 = arith.index_cast %get3A : i32 to index
        %get3A_167 = arith.index_cast %mul3A_165 : i32 to index
        %get3A_168 = tpu.vector_load %arg9[%get3A_166, %get3A_167] {strides = array<i32>} : memref<2x128xi32, #tpu.memory_space<vmem>>, vector<16xi32>,
        %shift_right_logical3A = arith.constant 7 : i32
        %shift_right_logical3A_169 = vector.broadcast %shift_right_logical3A : i32 to vector<16xi32>
        %shift_right_logical3A_170 = arith.shrui %get3A_168, %shift_right_logical3A_169 : vector<16xi32>
        %and3A_171 = arith.constant 127 : i32
        %and3A_172 = vector.broadcast %and3A_171 : i32 to vector<16xi32>
        %and3A_173 = arith.andi %get3A_168, %and3A_172 : vector<16xi32>
        tpu.vector_store_idx %arg16[%shift_right_logical3A_170, %and3A_173], %broadcast_in_dim3A_57 {add = true} : memref<80x128xf32, #tpu.memory_space<vmem>>[vector<16xi32>, vector<16xi32>], vector<16xf32>,
      }
      %scan3A_118 = arith.constant 8 : i32
      %run_scoped3A_119 = arith.constant 0 : i32
      %run_scoped3A_120 = arith.constant 0 : i32
      "tpu.region"() ({
        %run_scoped3A_163 = tpu.sem_alloc : memref<!tpu.dma_semaphore, #tpu.memory_space<semaphore_mem>>
        %dma_start3A = arith.constant 0 : i32
        %dma_start3A_164 = arith.constant 0 : i32
        %dma_start3A_165 = tpu.memref_slice %arg10[%run_scoped3A_119, %dma_start3A, %dma_start3A_164] : memref<2x128x128xf32, #tpu.memory_space<vmem>> -> memref<1x128x128xf32, #tpu.memory_space<vmem>>
        %dma_start3A_166 = tpu.memref_squeeze %dma_start3A_165 : memref<1x128x128xf32, #tpu.memory_space<vmem>> -> memref<128x128xf32, #tpu.memory_space<vmem>>
        %dma_start3A_167 = arith.constant 0 : i32
        %dma_start3A_168 = tpu.memref_slice %arg9[%run_scoped3A_120, %dma_start3A_167] : memref<2x128xi32, #tpu.memory_space<vmem>> -> memref<1x128xi32, #tpu.memory_space<vmem>>
        %dma_start3A_169 = tpu.memref_squeeze %dma_start3A_168 : memref<1x128xi32, #tpu.memory_space<vmem>> -> memref<128xi32, #tpu.memory_space<vmem>>
        %dma_start3A_170 = arith.constant 0 : i32
        %dma_start3A_171 = arith.constant 0 : i32
        %dma_start3A_172 = tpu.memref_slice %arg11[%dma_start3A_170, %dma_start3A_171] : memref<10240x128xf32, #tpu.memory_space<vmem_shared>> -> memref<10240x128xf32, #tpu.memory_space<vmem_shared>>
        tpu.enqueue_indirect_dma source(%dma_start3A_166 : memref<128x128xf32, #tpu.memory_space<vmem>>) target(%dma_start3A_172 : memref<10240x128xf32, #tpu.memory_space<vmem_shared>>) offsets(%dma_start3A_169 : memref<128xi32, #tpu.memory_space<vmem>>) semaphore(%run_scoped3A_163 : memref<!tpu.dma_semaphore, #tpu.memory_space<semaphore_mem>>) {add = true}
        %dma_wait3A_173 = arith.constant 0 : i32
        %dma_wait3A_174 = arith.constant 0 : i32
        %dma_wait3A_175 = tpu.memref_slice %arg10[%run_scoped3A_119, %dma_wait3A_173, %dma_wait3A_174] : memref<2x128x128xf32, #tpu.memory_space<vmem>> -> memref<1x128x128xf32, #tpu.memory_space<vmem>>
        %dma_wait3A_176 = tpu.memref_squeeze %dma_wait3A_175 : memref<1x128x128xf32, #tpu.memory_space<vmem>> -> memref<128x128xf32, #tpu.memory_space<vmem>>
        %dma_wait3A_177 = arith.constant 0 : i32
        %dma_wait3A_178 = tpu.memref_slice %arg9[%run_scoped3A_120, %dma_wait3A_177] : memref<2x128xi32, #tpu.memory_space<vmem>> -> memref<1x128xi32, #tpu.memory_space<vmem>>
        %dma_wait3A_179 = tpu.memref_squeeze %dma_wait3A_178 : memref<1x128xi32, #tpu.memory_space<vmem>> -> memref<128xi32, #tpu.memory_space<vmem>>
        %dma_wait3A_180 = arith.constant 0 : i32
        %dma_wait3A_181 = arith.constant 0 : i32
        %dma_wait3A_182 = tpu.memref_slice %arg11[%dma_wait3A_180, %dma_wait3A_181] : memref<10240x128xf32, #tpu.memory_space<vmem_shared>> -> memref<10240x128xf32, #tpu.memory_space<vmem_shared>>
        tpu.wait_indirect_dma semaphore(%run_scoped3A_163 : memref<!tpu.dma_semaphore, #tpu.memory_space<semaphore_mem>>) src(%dma_wait3A_176 : memref<128x128xf32, #tpu.memory_space<vmem>>) dst(%dma_wait3A_182 : memref<10240x128xf32, #tpu.memory_space<vmem_shared>>)
        tpu.yield
      }) : () -> ()
      %add3A_121 = arith.constant 2 : i32
      %add3A_122 = arith.addi %mul3A_96, %add3A_121 : i32
      %lt3A_123 = arith.cmpi slt, %add3A_122, %select_n3A : i32
      %convert_element_type3A_124 = arith.extui %lt3A_123 : i1 to i32
      %cond3A_125 = arith.constant 0 : i32
      %cond3A_126 = arith.cmpi ne, %convert_element_type3A_124, %cond3A_125 : i32
      scf.if %cond3A_126 {
        %add3A_163 = arith.constant 2 : i32
        %add3A_164 = arith.addi %mul3A_96, %add3A_163 : i32
        %mul3A_165 = arith.constant 128 : i32
        %mul3A_166 = arith.muli %add3A_164, %mul3A_165 : i32
        %add3A_167 = arith.addi %mul3A_8, %mul3A_166 : i32
        %mul3A_168 = arith.constant 128 : i32
        %mul3A_169 = arith.muli %add3A_164, %mul3A_168 : i32
        %add3A_170 = arith.addi %mul3A_8, %mul3A_169 : i32
        %dma_start3A = arith.constant 0 : i32
        %dma_start3A_171 = arith.constant 0 : i32
        %dma_start3A_172 = tpu.memref_slice %arg8[%dma_start3A, %dma_start3A_171] : memref<2x128xi32, #tpu.memory_space<vmem>> -> memref<1x128xi32, #tpu.memory_space<vmem>>
        %dma_start3A_173 = tpu.memref_squeeze %dma_start3A_172 : memref<1x128xi32, #tpu.memory_space<vmem>> -> memref<128xi32, #tpu.memory_space<vmem>>
        %dma_start3A_174 = tpu.memref_slice %arg3[%add3A_167] : memref<327680xi32, #tpu.memory_space<hbm>> -> memref<128xi32, #tpu.memory_space<hbm>>
        %dma_start3A_175 = arith.constant 0 : i32
        %dma_start3A_176 = tpu.memref_slice %arg8[%dma_start3A, %dma_start3A_175] : memref<2x128xi32, #tpu.memory_space<vmem>> -> memref<1x128xi32, #tpu.memory_space<vmem>>
        %dma_start3A_177 = tpu.memref_squeeze %dma_start3A_176 : memref<1x128xi32, #tpu.memory_space<vmem>> -> memref<128xi32, #tpu.memory_space<vmem>>
        %dma_start3A_178 = tpu.memref_slice %arg3[%add3A_167] : memref<327680xi32, #tpu.memory_space<hbm>> -> memref<128xi32, #tpu.memory_space<hbm>>
        tpu.enqueue_dma source(%dma_start3A_178 : memref<128xi32, #tpu.memory_space<hbm>>) target(%dma_start3A_177 : memref<128xi32, #tpu.memory_space<vmem>>) target_semaphore(%arg14 : memref<!tpu.dma_semaphore, #tpu.memory_space<semaphore_mem>>)
        %dma_start3A_179 = arith.constant 0 : i32
        %dma_start3A_180 = arith.constant 0 : i32
        %dma_start3A_181 = tpu.memref_slice %arg9[%dma_start3A_179, %dma_start3A_180] : memref<2x128xi32, #tpu.memory_space<vmem>> -> memref<1x128xi32, #tpu.memory_space<vmem>>
        %dma_start3A_182 = tpu.memref_squeeze %dma_start3A_181 : memref<1x128xi32, #tpu.memory_space<vmem>> -> memref<128xi32, #tpu.memory_space<vmem>>
        %dma_start3A_183 = tpu.memref_slice %arg4[%add3A_170] : memref<327680xi32, #tpu.memory_space<hbm>> -> memref<128xi32, #tpu.memory_space<hbm>>
        %dma_start3A_184 = arith.constant 0 : i32
        %dma_start3A_185 = tpu.memref_slice %arg9[%dma_start3A_179, %dma_start3A_184] : memref<2x128xi32, #tpu.memory_space<vmem>> -> memref<1x128xi32, #tpu.memory_space<vmem>>
        %dma_start3A_186 = tpu.memref_squeeze %dma_start3A_185 : memref<1x128xi32, #tpu.memory_space<vmem>> -> memref<128xi32, #tpu.memory_space<vmem>>
        %dma_start3A_187 = tpu.memref_slice %arg4[%add3A_170] : memref<327680xi32, #tpu.memory_space<hbm>> -> memref<128xi32, #tpu.memory_space<hbm>>
        tpu.enqueue_dma source(%dma_start3A_187 : memref<128xi32, #tpu.memory_space<hbm>>) target(%dma_start3A_186 : memref<128xi32, #tpu.memory_space<vmem>>) target_semaphore(%arg15 : memref<!tpu.dma_semaphore, #tpu.memory_space<semaphore_mem>>)
      } else {
      }
      %mul3A_127 = arith.constant 2 : i32
      %mul3A_128 = arith.muli %mul3A_127, %while3A_94 : i32
      %add3A_129 = arith.constant 1 : i32
      %add3A_130 = arith.addi %mul3A_128, %add3A_129 : i32
      %dma_wait3A_131 = arith.constant 1 : i32
      %dma_wait3A_132 = arith.constant 1 : i32
      %dma_wait3A_133 = arith.constant 0 : i32
      %dma_wait3A_134 = arith.constant 0 : i32
      %dma_wait3A_135 = tpu.memref_slice %arg10[%dma_wait3A_132, %dma_wait3A_133, %dma_wait3A_134] : memref<2x128x128xf32, #tpu.memory_space<vmem>> -> memref<1x128x128xf32, #tpu.memory_space<vmem>>
      %dma_wait3A_136 = tpu.memref_squeeze %dma_wait3A_135 : memref<1x128x128xf32, #tpu.memory_space<vmem>> -> memref<128x128xf32, #tpu.memory_space<vmem>>
      %dma_wait3A_137 = arith.constant 0 : i32
      %dma_wait3A_138 = tpu.memref_slice %arg8[%dma_wait3A_131, %dma_wait3A_137] : memref<2x128xi32, #tpu.memory_space<vmem>> -> memref<1x128xi32, #tpu.memory_space<vmem>>
      %dma_wait3A_139 = tpu.memref_squeeze %dma_wait3A_138 : memref<1x128xi32, #tpu.memory_space<vmem>> -> memref<128xi32, #tpu.memory_space<vmem>>
      %dma_wait3A_140 = arith.constant 0 : i32
      %dma_wait3A_141 = arith.constant 0 : i32
      %dma_wait3A_142 = tpu.memref_slice %arg2[%dma_wait3A_140, %dma_wait3A_141] : memref<10000x128xf32, #tpu.memory_space<hbm>> -> memref<10000x128xf32, #tpu.memory_space<hbm>>
      tpu.wait_indirect_dma semaphore(%arg13 : memref<!tpu.dma_semaphore, #tpu.memory_space<semaphore_mem>>) src(%dma_wait3A_142 : memref<10000x128xf32, #tpu.memory_space<hbm>>) dst(%dma_wait3A_136 : memref<128x128xf32, #tpu.memory_space<vmem>>)
      %add3A_143 = arith.constant 1 : i32
      %add3A_144 = arith.addi %add3A_130, %add3A_143 : i32
      %lt3A_145 = arith.cmpi slt, %add3A_144, %select_n3A : i32
      %convert_element_type3A_146 = arith.extui %lt3A_145 : i1 to i32
      %cond3A_147 = arith.constant 0 : i32
      %cond3A_148 = arith.cmpi ne, %convert_element_type3A_146, %cond3A_147 : i32
      scf.if %cond3A_148 {
        %add3A_163 = arith.constant 1 : i32
        %add3A_164 = arith.addi %add3A_130, %add3A_163 : i32
        %mul3A_165 = arith.constant 128 : i32
        %mul3A_166 = arith.muli %add3A_164, %mul3A_165 : i32
        %add3A_167 = arith.addi %mul3A_8, %mul3A_166 : i32
        %mul3A_168 = arith.constant 128 : i32
        %mul3A_169 = arith.muli %add3A_164, %mul3A_168 : i32
        %add3A_170 = arith.addi %mul3A_8, %mul3A_169 : i32
        %dma_wait3A_171 = arith.constant 0 : i32
        %dma_wait3A_172 = arith.constant 0 : i32
        %dma_wait3A_173 = tpu.memref_slice %arg8[%dma_wait3A_171, %dma_wait3A_172] : memref<2x128xi32, #tpu.memory_space<vmem>> -> memref<1x128xi32, #tpu.memory_space<vmem>>
        %dma_wait3A_174 = tpu.memref_squeeze %dma_wait3A_173 : memref<1x128xi32, #tpu.memory_space<vmem>> -> memref<128xi32, #tpu.memory_space<vmem>>
        %dma_wait3A_175 = tpu.memref_slice %arg3[%add3A_167] : memref<327680xi32, #tpu.memory_space<hbm>> -> memref<128xi32, #tpu.memory_space<hbm>>
        %dma_wait3A_176 = arith.constant 0 : i32
        %dma_wait3A_177 = tpu.memref_slice %arg8[%dma_wait3A_171, %dma_wait3A_176] : memref<2x128xi32, #tpu.memory_space<vmem>> -> memref<1x128xi32, #tpu.memory_space<vmem>>
        %dma_wait3A_178 = tpu.memref_squeeze %dma_wait3A_177 : memref<1x128xi32, #tpu.memory_space<vmem>> -> memref<128xi32, #tpu.memory_space<vmem>>
        %dma_wait3A_179 = tpu.memref_slice %arg3[%add3A_167] : memref<327680xi32, #tpu.memory_space<hbm>> -> memref<128xi32, #tpu.memory_space<hbm>>
        tpu.wait_dma2 semaphore(%arg14 : memref<!tpu.dma_semaphore, #tpu.memory_space<semaphore_mem>>) src(%dma_wait3A_179 : memref<128xi32, #tpu.memory_space<hbm>>) dst(%dma_wait3A_178 : memref<128xi32, #tpu.memory_space<vmem>>)
        %dma_wait3A_180 = arith.constant 0 : i32
        %dma_wait3A_181 = arith.constant 0 : i32
        %dma_wait3A_182 = tpu.memref_slice %arg9[%dma_wait3A_180, %dma_wait3A_181] : memref<2x128xi32, #tpu.memory_space<vmem>> -> memref<1x128xi32, #tpu.memory_space<vmem>>
        %dma_wait3A_183 = tpu.memref_squeeze %dma_wait3A_182 : memref<1x128xi32, #tpu.memory_space<vmem>> -> memref<128xi32, #tpu.memory_space<vmem>>
        %dma_wait3A_184 = tpu.memref_slice %arg4[%add3A_170] : memref<327680xi32, #tpu.memory_space<hbm>> -> memref<128xi32, #tpu.memory_space<hbm>>
        %dma_wait3A_185 = arith.constant 0 : i32
        %dma_wait3A_186 = tpu.memref_slice %arg9[%dma_wait3A_180, %dma_wait3A_185] : memref<2x128xi32, #tpu.memory_space<vmem>> -> memref<1x128xi32, #tpu.memory_space<vmem>>
        %dma_wait3A_187 = tpu.memref_squeeze %dma_wait3A_186 : memref<1x128xi32, #tpu.memory_space<vmem>> -> memref<128xi32, #tpu.memory_space<vmem>>
        %dma_wait3A_188 = tpu.memref_slice %arg4[%add3A_170] : memref<327680xi32, #tpu.memory_space<hbm>> -> memref<128xi32, #tpu.memory_space<hbm>>
        tpu.wait_dma2 semaphore(%arg15 : memref<!tpu.dma_semaphore, #tpu.memory_space<semaphore_mem>>) src(%dma_wait3A_188 : memref<128xi32, #tpu.memory_space<hbm>>) dst(%dma_wait3A_187 : memref<128xi32, #tpu.memory_space<vmem>>)
        %add3A_189 = arith.constant 1 : i32
        %add3A_190 = arith.addi %add3A_130, %add3A_189 : i32
        %dma_start3A = arith.constant 0 : i32
        %dma_start3A_191 = arith.constant 0 : i32
        %dma_start3A_192 = arith.constant 0 : i32
        %dma_start3A_193 = arith.constant 0 : i32
        %dma_start3A_194 = tpu.memref_slice %arg10[%dma_start3A_191, %dma_start3A_192, %dma_start3A_193] : memref<2x128x128xf32, #tpu.memory_space<vmem>> -> memref<1x128x128xf32, #tpu.memory_space<vmem>>
        %dma_start3A_195 = tpu.memref_squeeze %dma_start3A_194 : memref<1x128x128xf32, #tpu.memory_space<vmem>> -> memref<128x128xf32, #tpu.memory_space<vmem>>
        %dma_start3A_196 = arith.constant 0 : i32
        %dma_start3A_197 = tpu.memref_slice %arg8[%dma_start3A, %dma_start3A_196] : memref<2x128xi32, #tpu.memory_space<vmem>> -> memref<1x128xi32, #tpu.memory_space<vmem>>
        %dma_start3A_198 = tpu.memref_squeeze %dma_start3A_197 : memref<1x128xi32, #tpu.memory_space<vmem>> -> memref<128xi32, #tpu.memory_space<vmem>>
        %dma_start3A_199 = arith.constant 0 : i32
        %dma_start3A_200 = arith.constant 0 : i32
        %dma_start3A_201 = tpu.memref_slice %arg2[%dma_start3A_199, %dma_start3A_200] : memref<10000x128xf32, #tpu.memory_space<hbm>> -> memref<10000x128xf32, #tpu.memory_space<hbm>>
        tpu.enqueue_indirect_dma source(%dma_start3A_201 : memref<10000x128xf32, #tpu.memory_space<hbm>>) target(%dma_start3A_195 : memref<128x128xf32, #tpu.memory_space<vmem>>) offsets(%dma_start3A_198 : memref<128xi32, #tpu.memory_space<vmem>>) semaphore(%arg12 : memref<!tpu.dma_semaphore, #tpu.memory_space<semaphore_mem>>)
      } else {
      }
      %scan3A_149 = arith.constant 0 : i32
      %scan3A_150 = arith.constant 0 : i32
      %scan3A_151 = arith.constant 8 : i32
      %scan3A_152 = arith.addi %scan3A_150, %scan3A_151 : i32
      %scan3A_153 = arith.constant 1 : i32
      scf.for %scan3A_163 = %scan3A_150 to %scan3A_152 step %scan3A_153  : i32 {
        %mul3A_164 = arith.constant 16 : i32
        %mul3A_165 = arith.muli %scan3A_163, %mul3A_164 : i32
        %get3A = arith.constant 1 : i32
        %get3A_166 = arith.index_cast %get3A : i32 to index
        %get3A_167 = arith.index_cast %mul3A_165 : i32 to index
        %get3A_168 = tpu.vector_load %arg9[%get3A_166, %get3A_167] {strides = array<i32>} : memref<2x128xi32, #tpu.memory_space<vmem>>, vector<16xi32>,
        %shift_right_logical3A = arith.constant 7 : i32
        %shift_right_logical3A_169 = vector.broadcast %shift_right_logical3A : i32 to vector<16xi32>
        %shift_right_logical3A_170 = arith.shrui %get3A_168, %shift_right_logical3A_169 : vector<16xi32>
        %and3A_171 = arith.constant 127 : i32
        %and3A_172 = vector.broadcast %and3A_171 : i32 to vector<16xi32>
        %and3A_173 = arith.andi %get3A_168, %and3A_172 : vector<16xi32>
        tpu.vector_store_idx %arg16[%shift_right_logical3A_170, %and3A_173], %broadcast_in_dim3A_57 {add = true} : memref<80x128xf32, #tpu.memory_space<vmem>>[vector<16xi32>, vector<16xi32>], vector<16xf32>,
      }
      %scan3A_154 = arith.constant 8 : i32
      %run_scoped3A_155 = arith.constant 1 : i32
      %run_scoped3A_156 = arith.constant 1 : i32
      "tpu.region"() ({
        %run_scoped3A_163 = tpu.sem_alloc : memref<!tpu.dma_semaphore, #tpu.memory_space<semaphore_mem>>
        %dma_start3A = arith.constant 0 : i32
        %dma_start3A_164 = arith.constant 0 : i32
        %dma_start3A_165 = tpu.memref_slice %arg10[%run_scoped3A_155, %dma_start3A, %dma_start3A_164] : memref<2x128x128xf32, #tpu.memory_space<vmem>> -> memref<1x128x128xf32, #tpu.memory_space<vmem>>
        %dma_start3A_166 = tpu.memref_squeeze %dma_start3A_165 : memref<1x128x128xf32, #tpu.memory_space<vmem>> -> memref<128x128xf32, #tpu.memory_space<vmem>>
        %dma_start3A_167 = arith.constant 0 : i32
        %dma_start3A_168 = tpu.memref_slice %arg9[%run_scoped3A_156, %dma_start3A_167] : memref<2x128xi32, #tpu.memory_space<vmem>> -> memref<1x128xi32, #tpu.memory_space<vmem>>
        %dma_start3A_169 = tpu.memref_squeeze %dma_start3A_168 : memref<1x128xi32, #tpu.memory_space<vmem>> -> memref<128xi32, #tpu.memory_space<vmem>>
        %dma_start3A_170 = arith.constant 0 : i32
        %dma_start3A_171 = arith.constant 0 : i32
        %dma_start3A_172 = tpu.memref_slice %arg11[%dma_start3A_170, %dma_start3A_171] : memref<10240x128xf32, #tpu.memory_space<vmem_shared>> -> memref<10240x128xf32, #tpu.memory_space<vmem_shared>>
        tpu.enqueue_indirect_dma source(%dma_start3A_166 : memref<128x128xf32, #tpu.memory_space<vmem>>) target(%dma_start3A_172 : memref<10240x128xf32, #tpu.memory_space<vmem_shared>>) offsets(%dma_start3A_169 : memref<128xi32, #tpu.memory_space<vmem>>) semaphore(%run_scoped3A_163 : memref<!tpu.dma_semaphore, #tpu.memory_space<semaphore_mem>>) {add = true}
        %dma_wait3A_173 = arith.constant 0 : i32
        %dma_wait3A_174 = arith.constant 0 : i32
        %dma_wait3A_175 = tpu.memref_slice %arg10[%run_scoped3A_155, %dma_wait3A_173, %dma_wait3A_174] : memref<2x128x128xf32, #tpu.memory_space<vmem>> -> memref<1x128x128xf32, #tpu.memory_space<vmem>>
        %dma_wait3A_176 = tpu.memref_squeeze %dma_wait3A_175 : memref<1x128x128xf32, #tpu.memory_space<vmem>> -> memref<128x128xf32, #tpu.memory_space<vmem>>
        %dma_wait3A_177 = arith.constant 0 : i32
        %dma_wait3A_178 = tpu.memref_slice %arg9[%run_scoped3A_156, %dma_wait3A_177] : memref<2x128xi32, #tpu.memory_space<vmem>> -> memref<1x128xi32, #tpu.memory_space<vmem>>
        %dma_wait3A_179 = tpu.memref_squeeze %dma_wait3A_178 : memref<1x128xi32, #tpu.memory_space<vmem>> -> memref<128xi32, #tpu.memory_space<vmem>>
        %dma_wait3A_180 = arith.constant 0 : i32
        %dma_wait3A_181 = arith.constant 0 : i32
        %dma_wait3A_182 = tpu.memref_slice %arg11[%dma_wait3A_180, %dma_wait3A_181] : memref<10240x128xf32, #tpu.memory_space<vmem_shared>> -> memref<10240x128xf32, #tpu.memory_space<vmem_shared>>
        tpu.wait_indirect_dma semaphore(%run_scoped3A_163 : memref<!tpu.dma_semaphore, #tpu.memory_space<semaphore_mem>>) src(%dma_wait3A_176 : memref<128x128xf32, #tpu.memory_space<vmem>>) dst(%dma_wait3A_182 : memref<10240x128xf32, #tpu.memory_space<vmem_shared>>)
        tpu.yield
      }) : () -> ()
      %add3A_157 = arith.constant 2 : i32
      %add3A_158 = arith.addi %add3A_130, %add3A_157 : i32
      %lt3A_159 = arith.cmpi slt, %add3A_158, %select_n3A : i32
      %convert_element_type3A_160 = arith.extui %lt3A_159 : i1 to i32
      %cond3A_161 = arith.constant 0 : i32
      %cond3A_162 = arith.cmpi ne, %convert_element_type3A_160, %cond3A_161 : i32
      scf.if %cond3A_162 {
        %add3A_163 = arith.constant 2 : i32
        %add3A_164 = arith.addi %add3A_130, %add3A_163 : i32
        %mul3A_165 = arith.constant 128 : i32
        %mul3A_166 = arith.muli %add3A_164, %mul3A_165 : i32
        %add3A_167 = arith.addi %mul3A_8, %mul3A_166 : i32
        %mul3A_168 = arith.constant 128 : i32
        %mul3A_169 = arith.muli %add3A_164, %mul3A_168 : i32
        %add3A_170 = arith.addi %mul3A_8, %mul3A_169 : i32
        %dma_start3A = arith.constant 1 : i32
        %dma_start3A_171 = arith.constant 0 : i32
        %dma_start3A_172 = tpu.memref_slice %arg8[%dma_start3A, %dma_start3A_171] : memref<2x128xi32, #tpu.memory_space<vmem>> -> memref<1x128xi32, #tpu.memory_space<vmem>>
        %dma_start3A_173 = tpu.memref_squeeze %dma_start3A_172 : memref<1x128xi32, #tpu.memory_space<vmem>> -> memref<128xi32, #tpu.memory_space<vmem>>
        %dma_start3A_174 = tpu.memref_slice %arg3[%add3A_167] : memref<327680xi32, #tpu.memory_space<hbm>> -> memref<128xi32, #tpu.memory_space<hbm>>
        %dma_start3A_175 = arith.constant 0 : i32
        %dma_start3A_176 = tpu.memref_slice %arg8[%dma_start3A, %dma_start3A_175] : memref<2x128xi32, #tpu.memory_space<vmem>> -> memref<1x128xi32, #tpu.memory_space<vmem>>
        %dma_start3A_177 = tpu.memref_squeeze %dma_start3A_176 : memref<1x128xi32, #tpu.memory_space<vmem>> -> memref<128xi32, #tpu.memory_space<vmem>>
        %dma_start3A_178 = tpu.memref_slice %arg3[%add3A_167] : memref<327680xi32, #tpu.memory_space<hbm>> -> memref<128xi32, #tpu.memory_space<hbm>>
        tpu.enqueue_dma source(%dma_start3A_178 : memref<128xi32, #tpu.memory_space<hbm>>) target(%dma_start3A_177 : memref<128xi32, #tpu.memory_space<vmem>>) target_semaphore(%arg14 : memref<!tpu.dma_semaphore, #tpu.memory_space<semaphore_mem>>)
        %dma_start3A_179 = arith.constant 1 : i32
        %dma_start3A_180 = arith.constant 0 : i32
        %dma_start3A_181 = tpu.memref_slice %arg9[%dma_start3A_179, %dma_start3A_180] : memref<2x128xi32, #tpu.memory_space<vmem>> -> memref<1x128xi32, #tpu.memory_space<vmem>>
        %dma_start3A_182 = tpu.memref_squeeze %dma_start3A_181 : memref<1x128xi32, #tpu.memory_space<vmem>> -> memref<128xi32, #tpu.memory_space<vmem>>
        %dma_start3A_183 = tpu.memref_slice %arg4[%add3A_170] : memref<327680xi32, #tpu.memory_space<hbm>> -> memref<128xi32, #tpu.memory_space<hbm>>
        %dma_start3A_184 = arith.constant 0 : i32
        %dma_start3A_185 = tpu.memref_slice %arg9[%dma_start3A_179, %dma_start3A_184] : memref<2x128xi32, #tpu.memory_space<vmem>> -> memref<1x128xi32, #tpu.memory_space<vmem>>
        %dma_start3A_186 = tpu.memref_squeeze %dma_start3A_185 : memref<1x128xi32, #tpu.memory_space<vmem>> -> memref<128xi32, #tpu.memory_space<vmem>>
        %dma_start3A_187 = tpu.memref_slice %arg4[%add3A_170] : memref<327680xi32, #tpu.memory_space<hbm>> -> memref<128xi32, #tpu.memory_space<hbm>>
        tpu.enqueue_dma source(%dma_start3A_187 : memref<128xi32, #tpu.memory_space<hbm>>) target(%dma_start3A_186 : memref<128xi32, #tpu.memory_space<vmem>>) target_semaphore(%arg15 : memref<!tpu.dma_semaphore, #tpu.memory_space<semaphore_mem>>)
      } else {
      }
    }
    %while3A_88 = arith.constant 1 : i32
    scf.for %while3A_94 = %while3A_86 to %while3A_82 step %while3A_88  : i32 {
      %mul3A_95 = arith.constant 2 : i32
      %mul3A_96 = arith.muli %mul3A_95, %while3A_94 : i32
      %dma_wait3A = arith.constant 0 : i32
      %dma_wait3A_97 = arith.constant 0 : i32
      %dma_wait3A_98 = arith.constant 0 : i32
      %dma_wait3A_99 = arith.constant 0 : i32
      %dma_wait3A_100 = tpu.memref_slice %arg10[%dma_wait3A_97, %dma_wait3A_98, %dma_wait3A_99] : memref<2x128x128xf32, #tpu.memory_space<vmem>> -> memref<1x128x128xf32, #tpu.memory_space<vmem>>
      %dma_wait3A_101 = tpu.memref_squeeze %dma_wait3A_100 : memref<1x128x128xf32, #tpu.memory_space<vmem>> -> memref<128x128xf32, #tpu.memory_space<vmem>>
      %dma_wait3A_102 = arith.constant 0 : i32
      %dma_wait3A_103 = tpu.memref_slice %arg8[%dma_wait3A, %dma_wait3A_102] : memref<2x128xi32, #tpu.memory_space<vmem>> -> memref<1x128xi32, #tpu.memory_space<vmem>>
      %dma_wait3A_104 = tpu.memref_squeeze %dma_wait3A_103 : memref<1x128xi32, #tpu.memory_space<vmem>> -> memref<128xi32, #tpu.memory_space<vmem>>
      %dma_wait3A_105 = arith.constant 0 : i32
      %dma_wait3A_106 = arith.constant 0 : i32
      %dma_wait3A_107 = tpu.memref_slice %arg2[%dma_wait3A_105, %dma_wait3A_106] : memref<10000x128xf32, #tpu.memory_space<hbm>> -> memref<10000x128xf32, #tpu.memory_space<hbm>>
      tpu.wait_indirect_dma semaphore(%arg12 : memref<!tpu.dma_semaphore, #tpu.memory_space<semaphore_mem>>) src(%dma_wait3A_107 : memref<10000x128xf32, #tpu.memory_space<hbm>>) dst(%dma_wait3A_101 : memref<128x128xf32, #tpu.memory_space<vmem>>)
      %add3A_108 = arith.constant 1 : i32
      %add3A_109 = arith.addi %mul3A_96, %add3A_108 : i32
      %lt3A_110 = arith.cmpi slt, %add3A_109, %select_n3A : i32
      %convert_element_type3A_111 = arith.extui %lt3A_110 : i1 to i32
      %cond3A_112 = arith.constant 0 : i32
      %cond3A_113 = arith.cmpi ne, %convert_element_type3A_111, %cond3A_112 : i32
      scf.if %cond3A_113 {
        %add3A_163 = arith.constant 1 : i32
        %add3A_164 = arith.addi %mul3A_96, %add3A_163 : i32
        %mul3A_165 = arith.constant 128 : i32
        %mul3A_166 = arith.muli %add3A_164, %mul3A_165 : i32
        %add3A_167 = arith.addi %mul3A_8, %mul3A_166 : i32
        %mul3A_168 = arith.constant 128 : i32
        %mul3A_169 = arith.muli %add3A_164, %mul3A_168 : i32
        %add3A_170 = arith.addi %mul3A_8, %mul3A_169 : i32
        %dma_wait3A_171 = arith.constant 1 : i32
        %dma_wait3A_172 = arith.constant 0 : i32
        %dma_wait3A_173 = tpu.memref_slice %arg8[%dma_wait3A_171, %dma_wait3A_172] : memref<2x128xi32, #tpu.memory_space<vmem>> -> memref<1x128xi32, #tpu.memory_space<vmem>>
        %dma_wait3A_174 = tpu.memref_squeeze %dma_wait3A_173 : memref<1x128xi32, #tpu.memory_space<vmem>> -> memref<128xi32, #tpu.memory_space<vmem>>
        %dma_wait3A_175 = tpu.memref_slice %arg3[%add3A_167] : memref<327680xi32, #tpu.memory_space<hbm>> -> memref<128xi32, #tpu.memory_space<hbm>>
        %dma_wait3A_176 = arith.constant 0 : i32
        %dma_wait3A_177 = tpu.memref_slice %arg8[%dma_wait3A_171, %dma_wait3A_176] : memref<2x128xi32, #tpu.memory_space<vmem>> -> memref<1x128xi32, #tpu.memory_space<vmem>>
        %dma_wait3A_178 = tpu.memref_squeeze %dma_wait3A_177 : memref<1x128xi32, #tpu.memory_space<vmem>> -> memref<128xi32, #tpu.memory_space<vmem>>
        %dma_wait3A_179 = tpu.memref_slice %arg3[%add3A_167] : memref<327680xi32, #tpu.memory_space<hbm>> -> memref<128xi32, #tpu.memory_space<hbm>>
        tpu.wait_dma2 semaphore(%arg14 : memref<!tpu.dma_semaphore, #tpu.memory_space<semaphore_mem>>) src(%dma_wait3A_179 : memref<128xi32, #tpu.memory_space<hbm>>) dst(%dma_wait3A_178 : memref<128xi32, #tpu.memory_space<vmem>>)
        %dma_wait3A_180 = arith.constant 1 : i32
        %dma_wait3A_181 = arith.constant 0 : i32
        %dma_wait3A_182 = tpu.memref_slice %arg9[%dma_wait3A_180, %dma_wait3A_181] : memref<2x128xi32, #tpu.memory_space<vmem>> -> memref<1x128xi32, #tpu.memory_space<vmem>>
        %dma_wait3A_183 = tpu.memref_squeeze %dma_wait3A_182 : memref<1x128xi32, #tpu.memory_space<vmem>> -> memref<128xi32, #tpu.memory_space<vmem>>
        %dma_wait3A_184 = tpu.memref_slice %arg4[%add3A_170] : memref<327680xi32, #tpu.memory_space<hbm>> -> memref<128xi32, #tpu.memory_space<hbm>>
        %dma_wait3A_185 = arith.constant 0 : i32
        %dma_wait3A_186 = tpu.memref_slice %arg9[%dma_wait3A_180, %dma_wait3A_185] : memref<2x128xi32, #tpu.memory_space<vmem>> -> memref<1x128xi32, #tpu.memory_space<vmem>>
        %dma_wait3A_187 = tpu.memref_squeeze %dma_wait3A_186 : memref<1x128xi32, #tpu.memory_space<vmem>> -> memref<128xi32, #tpu.memory_space<vmem>>
        %dma_wait3A_188 = tpu.memref_slice %arg4[%add3A_170] : memref<327680xi32, #tpu.memory_space<hbm>> -> memref<128xi32, #tpu.memory_space<hbm>>
        tpu.wait_dma2 semaphore(%arg15 : memref<!tpu.dma_semaphore, #tpu.memory_space<semaphore_mem>>) src(%dma_wait3A_188 : memref<128xi32, #tpu.memory_space<hbm>>) dst(%dma_wait3A_187 : memref<128xi32, #tpu.memory_space<vmem>>)
        %add3A_189 = arith.constant 1 : i32
        %add3A_190 = arith.addi %mul3A_96, %add3A_189 : i32
        %dma_start3A = arith.constant 1 : i32
        %dma_start3A_191 = arith.constant 1 : i32
        %dma_start3A_192 = arith.constant 0 : i32
        %dma_start3A_193 = arith.constant 0 : i32
        %dma_start3A_194 = tpu.memref_slice %arg10[%dma_start3A_191, %dma_start3A_192, %dma_start3A_193] : memref<2x128x128xf32, #tpu.memory_space<vmem>> -> memref<1x128x128xf32, #tpu.memory_space<vmem>>
        %dma_start3A_195 = tpu.memref_squeeze %dma_start3A_194 : memref<1x128x128xf32, #tpu.memory_space<vmem>> -> memref<128x128xf32, #tpu.memory_space<vmem>>
        %dma_start3A_196 = arith.constant 0 : i32
        %dma_start3A_197 = tpu.memref_slice %arg8[%dma_start3A, %dma_start3A_196] : memref<2x128xi32, #tpu.memory_space<vmem>> -> memref<1x128xi32, #tpu.memory_space<vmem>>
        %dma_start3A_198 = tpu.memref_squeeze %dma_start3A_197 : memref<1x128xi32, #tpu.memory_space<vmem>> -> memref<128xi32, #tpu.memory_space<vmem>>
        %dma_start3A_199 = arith.constant 0 : i32
        %dma_start3A_200 = arith.constant 0 : i32
        %dma_start3A_201 = tpu.memref_slice %arg2[%dma_start3A_199, %dma_start3A_200] : memref<10000x128xf32, #tpu.memory_space<hbm>> -> memref<10000x128xf32, #tpu.memory_space<hbm>>
        tpu.enqueue_indirect_dma source(%dma_start3A_201 : memref<10000x128xf32, #tpu.memory_space<hbm>>) target(%dma_start3A_195 : memref<128x128xf32, #tpu.memory_space<vmem>>) offsets(%dma_start3A_198 : memref<128xi32, #tpu.memory_space<vmem>>) semaphore(%arg13 : memref<!tpu.dma_semaphore, #tpu.memory_space<semaphore_mem>>)
      } else {
      }
      %scan3A = arith.constant 0 : i32
      %scan3A_114 = arith.constant 0 : i32
      %scan3A_115 = arith.constant 8 : i32
      %scan3A_116 = arith.addi %scan3A_114, %scan3A_115 : i32
      %scan3A_117 = arith.constant 1 : i32
      scf.for %scan3A_163 = %scan3A_114 to %scan3A_116 step %scan3A_117  : i32 {
        %mul3A_164 = arith.constant 16 : i32
        %mul3A_165 = arith.muli %scan3A_163, %mul3A_164 : i32
        %get3A = arith.constant 0 : i32
        %get3A_166 = arith.index_cast %get3A : i32 to index
        %get3A_167 = arith.index_cast %mul3A_165 : i32 to index
        %get3A_168 = tpu.vector_load %arg9[%get3A_166, %get3A_167] {strides = array<i32>} : memref<2x128xi32, #tpu.memory_space<vmem>>, vector<16xi32>,
        %shift_right_logical3A = arith.constant 7 : i32
        %shift_right_logical3A_169 = vector.broadcast %shift_right_logical3A : i32 to vector<16xi32>
        %shift_right_logical3A_170 = arith.shrui %get3A_168, %shift_right_logical3A_169 : vector<16xi32>
        %and3A_171 = arith.constant 127 : i32
        %and3A_172 = vector.broadcast %and3A_171 : i32 to vector<16xi32>
        %and3A_173 = arith.andi %get3A_168, %and3A_172 : vector<16xi32>
        tpu.vector_store_idx %arg16[%shift_right_logical3A_170, %and3A_173], %broadcast_in_dim3A_57 {add = true} : memref<80x128xf32, #tpu.memory_space<vmem>>[vector<16xi32>, vector<16xi32>], vector<16xf32>,
      }
      %scan3A_118 = arith.constant 8 : i32
      %run_scoped3A_119 = arith.constant 0 : i32
      %run_scoped3A_120 = arith.constant 0 : i32
      "tpu.region"() ({
        %run_scoped3A_163 = tpu.sem_alloc : memref<!tpu.dma_semaphore, #tpu.memory_space<semaphore_mem>>
        %dma_start3A = arith.constant 0 : i32
        %dma_start3A_164 = arith.constant 0 : i32
        %dma_start3A_165 = tpu.memref_slice %arg10[%run_scoped3A_119, %dma_start3A, %dma_start3A_164] : memref<2x128x128xf32, #tpu.memory_space<vmem>> -> memref<1x128x128xf32, #tpu.memory_space<vmem>>
        %dma_start3A_166 = tpu.memref_squeeze %dma_start3A_165 : memref<1x128x128xf32, #tpu.memory_space<vmem>> -> memref<128x128xf32, #tpu.memory_space<vmem>>
        %dma_start3A_167 = arith.constant 0 : i32
        %dma_start3A_168 = tpu.memref_slice %arg9[%run_scoped3A_120, %dma_start3A_167] : memref<2x128xi32, #tpu.memory_space<vmem>> -> memref<1x128xi32, #tpu.memory_space<vmem>>
        %dma_start3A_169 = tpu.memref_squeeze %dma_start3A_168 : memref<1x128xi32, #tpu.memory_space<vmem>> -> memref<128xi32, #tpu.memory_space<vmem>>
        %dma_start3A_170 = arith.constant 0 : i32
        %dma_start3A_171 = arith.constant 0 : i32
        %dma_start3A_172 = tpu.memref_slice %arg11[%dma_start3A_170, %dma_start3A_171] : memref<10240x128xf32, #tpu.memory_space<vmem_shared>> -> memref<10240x128xf32, #tpu.memory_space<vmem_shared>>
        tpu.enqueue_indirect_dma source(%dma_start3A_166 : memref<128x128xf32, #tpu.memory_space<vmem>>) target(%dma_start3A_172 : memref<10240x128xf32, #tpu.memory_space<vmem_shared>>) offsets(%dma_start3A_169 : memref<128xi32, #tpu.memory_space<vmem>>) semaphore(%run_scoped3A_163 : memref<!tpu.dma_semaphore, #tpu.memory_space<semaphore_mem>>) {add = true}
        %dma_wait3A_173 = arith.constant 0 : i32
        %dma_wait3A_174 = arith.constant 0 : i32
        %dma_wait3A_175 = tpu.memref_slice %arg10[%run_scoped3A_119, %dma_wait3A_173, %dma_wait3A_174] : memref<2x128x128xf32, #tpu.memory_space<vmem>> -> memref<1x128x128xf32, #tpu.memory_space<vmem>>
        %dma_wait3A_176 = tpu.memref_squeeze %dma_wait3A_175 : memref<1x128x128xf32, #tpu.memory_space<vmem>> -> memref<128x128xf32, #tpu.memory_space<vmem>>
        %dma_wait3A_177 = arith.constant 0 : i32
        %dma_wait3A_178 = tpu.memref_slice %arg9[%run_scoped3A_120, %dma_wait3A_177] : memref<2x128xi32, #tpu.memory_space<vmem>> -> memref<1x128xi32, #tpu.memory_space<vmem>>
        %dma_wait3A_179 = tpu.memref_squeeze %dma_wait3A_178 : memref<1x128xi32, #tpu.memory_space<vmem>> -> memref<128xi32, #tpu.memory_space<vmem>>
        %dma_wait3A_180 = arith.constant 0 : i32
        %dma_wait3A_181 = arith.constant 0 : i32
        %dma_wait3A_182 = tpu.memref_slice %arg11[%dma_wait3A_180, %dma_wait3A_181] : memref<10240x128xf32, #tpu.memory_space<vmem_shared>> -> memref<10240x128xf32, #tpu.memory_space<vmem_shared>>
        tpu.wait_indirect_dma semaphore(%run_scoped3A_163 : memref<!tpu.dma_semaphore, #tpu.memory_space<semaphore_mem>>) src(%dma_wait3A_176 : memref<128x128xf32, #tpu.memory_space<vmem>>) dst(%dma_wait3A_182 : memref<10240x128xf32, #tpu.memory_space<vmem_shared>>)
        tpu.yield
      }) : () -> ()
      %add3A_121 = arith.constant 2 : i32
      %add3A_122 = arith.addi %mul3A_96, %add3A_121 : i32
      %lt3A_123 = arith.cmpi slt, %add3A_122, %select_n3A : i32
      %convert_element_type3A_124 = arith.extui %lt3A_123 : i1 to i32
      %cond3A_125 = arith.constant 0 : i32
      %cond3A_126 = arith.cmpi ne, %convert_element_type3A_124, %cond3A_125 : i32
      scf.if %cond3A_126 {
        %add3A_163 = arith.constant 2 : i32
        %add3A_164 = arith.addi %mul3A_96, %add3A_163 : i32
        %mul3A_165 = arith.constant 128 : i32
        %mul3A_166 = arith.muli %add3A_164, %mul3A_165 : i32
        %add3A_167 = arith.addi %mul3A_8, %mul3A_166 : i32
        %mul3A_168 = arith.constant 128 : i32
        %mul3A_169 = arith.muli %add3A_164, %mul3A_168 : i32
        %add3A_170 = arith.addi %mul3A_8, %mul3A_169 : i32
        %dma_start3A = arith.constant 0 : i32
        %dma_start3A_171 = arith.constant 0 : i32
        %dma_start3A_172 = tpu.memref_slice %arg8[%dma_start3A, %dma_start3A_171] : memref<2x128xi32, #tpu.memory_space<vmem>> -> memref<1x128xi32, #tpu.memory_space<vmem>>
        %dma_start3A_173 = tpu.memref_squeeze %dma_start3A_172 : memref<1x128xi32, #tpu.memory_space<vmem>> -> memref<128xi32, #tpu.memory_space<vmem>>
        %dma_start3A_174 = tpu.memref_slice %arg3[%add3A_167] : memref<327680xi32, #tpu.memory_space<hbm>> -> memref<128xi32, #tpu.memory_space<hbm>>
        %dma_start3A_175 = arith.constant 0 : i32
        %dma_start3A_176 = tpu.memref_slice %arg8[%dma_start3A, %dma_start3A_175] : memref<2x128xi32, #tpu.memory_space<vmem>> -> memref<1x128xi32, #tpu.memory_space<vmem>>
        %dma_start3A_177 = tpu.memref_squeeze %dma_start3A_176 : memref<1x128xi32, #tpu.memory_space<vmem>> -> memref<128xi32, #tpu.memory_space<vmem>>
        %dma_start3A_178 = tpu.memref_slice %arg3[%add3A_167] : memref<327680xi32, #tpu.memory_space<hbm>> -> memref<128xi32, #tpu.memory_space<hbm>>
        tpu.enqueue_dma source(%dma_start3A_178 : memref<128xi32, #tpu.memory_space<hbm>>) target(%dma_start3A_177 : memref<128xi32, #tpu.memory_space<vmem>>) target_semaphore(%arg14 : memref<!tpu.dma_semaphore, #tpu.memory_space<semaphore_mem>>)
        %dma_start3A_179 = arith.constant 0 : i32
        %dma_start3A_180 = arith.constant 0 : i32
        %dma_start3A_181 = tpu.memref_slice %arg9[%dma_start3A_179, %dma_start3A_180] : memref<2x128xi32, #tpu.memory_space<vmem>> -> memref<1x128xi32, #tpu.memory_space<vmem>>
        %dma_start3A_182 = tpu.memref_squeeze %dma_start3A_181 : memref<1x128xi32, #tpu.memory_space<vmem>> -> memref<128xi32, #tpu.memory_space<vmem>>
        %dma_start3A_183 = tpu.memref_slice %arg4[%add3A_170] : memref<327680xi32, #tpu.memory_space<hbm>> -> memref<128xi32, #tpu.memory_space<hbm>>
        %dma_start3A_184 = arith.constant 0 : i32
        %dma_start3A_185 = tpu.memref_slice %arg9[%dma_start3A_179, %dma_start3A_184] : memref<2x128xi32, #tpu.memory_space<vmem>> -> memref<1x128xi32, #tpu.memory_space<vmem>>
        %dma_start3A_186 = tpu.memref_squeeze %dma_start3A_185 : memref<1x128xi32, #tpu.memory_space<vmem>> -> memref<128xi32, #tpu.memory_space<vmem>>
        %dma_start3A_187 = tpu.memref_slice %arg4[%add3A_170] : memref<327680xi32, #tpu.memory_space<hbm>> -> memref<128xi32, #tpu.memory_space<hbm>>
        tpu.enqueue_dma source(%dma_start3A_187 : memref<128xi32, #tpu.memory_space<hbm>>) target(%dma_start3A_186 : memref<128xi32, #tpu.memory_space<vmem>>) target_semaphore(%arg15 : memref<!tpu.dma_semaphore, #tpu.memory_space<semaphore_mem>>)
      } else {
      }
      %mul3A_127 = arith.constant 2 : i32
      %mul3A_128 = arith.muli %mul3A_127, %while3A_94 : i32
      %add3A_129 = arith.constant 1 : i32
      %add3A_130 = arith.addi %mul3A_128, %add3A_129 : i32
      %dma_wait3A_131 = arith.constant 1 : i32
      %dma_wait3A_132 = arith.constant 1 : i32
      %dma_wait3A_133 = arith.constant 0 : i32
      %dma_wait3A_134 = arith.constant 0 : i32
      %dma_wait3A_135 = tpu.memref_slice %arg10[%dma_wait3A_132, %dma_wait3A_133, %dma_wait3A_134] : memref<2x128x128xf32, #tpu.memory_space<vmem>> -> memref<1x128x128xf32, #tpu.memory_space<vmem>>
      %dma_wait3A_136 = tpu.memref_squeeze %dma_wait3A_135 : memref<1x128x128xf32, #tpu.memory_space<vmem>> -> memref<128x128xf32, #tpu.memory_space<vmem>>
      %dma_wait3A_137 = arith.constant 0 : i32
      %dma_wait3A_138 = tpu.memref_slice %arg8[%dma_wait3A_131, %dma_wait3A_137] : memref<2x128xi32, #tpu.memory_space<vmem>> -> memref<1x128xi32, #tpu.memory_space<vmem>>
      %dma_wait3A_139 = tpu.memref_squeeze %dma_wait3A_138 : memref<1x128xi32, #tpu.memory_space<vmem>> -> memref<128xi32, #tpu.memory_space<vmem>>
      %dma_wait3A_140 = arith.constant 0 : i32
      %dma_wait3A_141 = arith.constant 0 : i32
      %dma_wait3A_142 = tpu.memref_slice %arg2[%dma_wait3A_140, %dma_wait3A_141] : memref<10000x128xf32, #tpu.memory_space<hbm>> -> memref<10000x128xf32, #tpu.memory_space<hbm>>
      tpu.wait_indirect_dma semaphore(%arg13 : memref<!tpu.dma_semaphore, #tpu.memory_space<semaphore_mem>>) src(%dma_wait3A_142 : memref<10000x128xf32, #tpu.memory_space<hbm>>) dst(%dma_wait3A_136 : memref<128x128xf32, #tpu.memory_space<vmem>>)
      %add3A_143 = arith.constant 1 : i32
      %add3A_144 = arith.addi %add3A_130, %add3A_143 : i32
      %lt3A_145 = arith.cmpi slt, %add3A_144, %select_n3A : i32
      %convert_element_type3A_146 = arith.extui %lt3A_145 : i1 to i32
      %cond3A_147 = arith.constant 0 : i32
      %cond3A_148 = arith.cmpi ne, %convert_element_type3A_146, %cond3A_147 : i32
      scf.if %cond3A_148 {
        %add3A_163 = arith.constant 1 : i32
        %add3A_164 = arith.addi %add3A_130, %add3A_163 : i32
        %mul3A_165 = arith.constant 128 : i32
        %mul3A_166 = arith.muli %add3A_164, %mul3A_165 : i32
        %add3A_167 = arith.addi %mul3A_8, %mul3A_166 : i32
        %mul3A_168 = arith.constant 128 : i32
        %mul3A_169 = arith.muli %add3A_164, %mul3A_168 : i32
        %add3A_170 = arith.addi %mul3A_8, %mul3A_169 : i32
        %dma_wait3A_171 = arith.constant 0 : i32
        %dma_wait3A_172 = arith.constant 0 : i32
        %dma_wait3A_173 = tpu.memref_slice %arg8[%dma_wait3A_171, %dma_wait3A_172] : memref<2x128xi32, #tpu.memory_space<vmem>> -> memref<1x128xi32, #tpu.memory_space<vmem>>
        %dma_wait3A_174 = tpu.memref_squeeze %dma_wait3A_173 : memref<1x128xi32, #tpu.memory_space<vmem>> -> memref<128xi32, #tpu.memory_space<vmem>>
        %dma_wait3A_175 = tpu.memref_slice %arg3[%add3A_167] : memref<327680xi32, #tpu.memory_space<hbm>> -> memref<128xi32, #tpu.memory_space<hbm>>
        %dma_wait3A_176 = arith.constant 0 : i32
        %dma_wait3A_177 = tpu.memref_slice %arg8[%dma_wait3A_171, %dma_wait3A_176] : memref<2x128xi32, #tpu.memory_space<vmem>> -> memref<1x128xi32, #tpu.memory_space<vmem>>
        %dma_wait3A_178 = tpu.memref_squeeze %dma_wait3A_177 : memref<1x128xi32, #tpu.memory_space<vmem>> -> memref<128xi32, #tpu.memory_space<vmem>>
        %dma_wait3A_179 = tpu.memref_slice %arg3[%add3A_167] : memref<327680xi32, #tpu.memory_space<hbm>> -> memref<128xi32, #tpu.memory_space<hbm>>
        tpu.wait_dma2 semaphore(%arg14 : memref<!tpu.dma_semaphore, #tpu.memory_space<semaphore_mem>>) src(%dma_wait3A_179 : memref<128xi32, #tpu.memory_space<hbm>>) dst(%dma_wait3A_178 : memref<128xi32, #tpu.memory_space<vmem>>)
        %dma_wait3A_180 = arith.constant 0 : i32
        %dma_wait3A_181 = arith.constant 0 : i32
        %dma_wait3A_182 = tpu.memref_slice %arg9[%dma_wait3A_180, %dma_wait3A_181] : memref<2x128xi32, #tpu.memory_space<vmem>> -> memref<1x128xi32, #tpu.memory_space<vmem>>
        %dma_wait3A_183 = tpu.memref_squeeze %dma_wait3A_182 : memref<1x128xi32, #tpu.memory_space<vmem>> -> memref<128xi32, #tpu.memory_space<vmem>>
        %dma_wait3A_184 = tpu.memref_slice %arg4[%add3A_170] : memref<327680xi32, #tpu.memory_space<hbm>> -> memref<128xi32, #tpu.memory_space<hbm>>
        %dma_wait3A_185 = arith.constant 0 : i32
        %dma_wait3A_186 = tpu.memref_slice %arg9[%dma_wait3A_180, %dma_wait3A_185] : memref<2x128xi32, #tpu.memory_space<vmem>> -> memref<1x128xi32, #tpu.memory_space<vmem>>
        %dma_wait3A_187 = tpu.memref_squeeze %dma_wait3A_186 : memref<1x128xi32, #tpu.memory_space<vmem>> -> memref<128xi32, #tpu.memory_space<vmem>>
        %dma_wait3A_188 = tpu.memref_slice %arg4[%add3A_170] : memref<327680xi32, #tpu.memory_space<hbm>> -> memref<128xi32, #tpu.memory_space<hbm>>
        tpu.wait_dma2 semaphore(%arg15 : memref<!tpu.dma_semaphore, #tpu.memory_space<semaphore_mem>>) src(%dma_wait3A_188 : memref<128xi32, #tpu.memory_space<hbm>>) dst(%dma_wait3A_187 : memref<128xi32, #tpu.memory_space<vmem>>)
        %add3A_189 = arith.constant 1 : i32
        %add3A_190 = arith.addi %add3A_130, %add3A_189 : i32
        %dma_start3A = arith.constant 0 : i32
        %dma_start3A_191 = arith.constant 0 : i32
        %dma_start3A_192 = arith.constant 0 : i32
        %dma_start3A_193 = arith.constant 0 : i32
        %dma_start3A_194 = tpu.memref_slice %arg10[%dma_start3A_191, %dma_start3A_192, %dma_start3A_193] : memref<2x128x128xf32, #tpu.memory_space<vmem>> -> memref<1x128x128xf32, #tpu.memory_space<vmem>>
        %dma_start3A_195 = tpu.memref_squeeze %dma_start3A_194 : memref<1x128x128xf32, #tpu.memory_space<vmem>> -> memref<128x128xf32, #tpu.memory_space<vmem>>
        %dma_start3A_196 = arith.constant 0 : i32
        %dma_start3A_197 = tpu.memref_slice %arg8[%dma_start3A, %dma_start3A_196] : memref<2x128xi32, #tpu.memory_space<vmem>> -> memref<1x128xi32, #tpu.memory_space<vmem>>
        %dma_start3A_198 = tpu.memref_squeeze %dma_start3A_197 : memref<1x128xi32, #tpu.memory_space<vmem>> -> memref<128xi32, #tpu.memory_space<vmem>>
        %dma_start3A_199 = arith.constant 0 : i32
        %dma_start3A_200 = arith.constant 0 : i32
        %dma_start3A_201 = tpu.memref_slice %arg2[%dma_start3A_199, %dma_start3A_200] : memref<10000x128xf32, #tpu.memory_space<hbm>> -> memref<10000x128xf32, #tpu.memory_space<hbm>>
        tpu.enqueue_indirect_dma source(%dma_start3A_201 : memref<10000x128xf32, #tpu.memory_space<hbm>>) target(%dma_start3A_195 : memref<128x128xf32, #tpu.memory_space<vmem>>) offsets(%dma_start3A_198 : memref<128xi32, #tpu.memory_space<vmem>>) semaphore(%arg12 : memref<!tpu.dma_semaphore, #tpu.memory_space<semaphore_mem>>)
      } else {
      }
      %scan3A_149 = arith.constant 0 : i32
      %scan3A_150 = arith.constant 0 : i32
      %scan3A_151 = arith.constant 8 : i32
      %scan3A_152 = arith.addi %scan3A_150, %scan3A_151 : i32
      %scan3A_153 = arith.constant 1 : i32
      scf.for %scan3A_163 = %scan3A_150 to %scan3A_152 step %scan3A_153  : i32 {
        %mul3A_164 = arith.constant 16 : i32
        %mul3A_165 = arith.muli %scan3A_163, %mul3A_164 : i32
        %get3A = arith.constant 1 : i32
        %get3A_166 = arith.index_cast %get3A : i32 to index
        %get3A_167 = arith.index_cast %mul3A_165 : i32 to index
        %get3A_168 = tpu.vector_load %arg9[%get3A_166, %get3A_167] {strides = array<i32>} : memref<2x128xi32, #tpu.memory_space<vmem>>, vector<16xi32>,
        %shift_right_logical3A = arith.constant 7 : i32
        %shift_right_logical3A_169 = vector.broadcast %shift_right_logical3A : i32 to vector<16xi32>
        %shift_right_logical3A_170 = arith.shrui %get3A_168, %shift_right_logical3A_169 : vector<16xi32>
        %and3A_171 = arith.constant 127 : i32
        %and3A_172 = vector.broadcast %and3A_171 : i32 to vector<16xi32>
        %and3A_173 = arith.andi %get3A_168, %and3A_172 : vector<16xi32>
        tpu.vector_store_idx %arg16[%shift_right_logical3A_170, %and3A_173], %broadcast_in_dim3A_57 {add = true} : memref<80x128xf32, #tpu.memory_space<vmem>>[vector<16xi32>, vector<16xi32>], vector<16xf32>,
      }
      %scan3A_154 = arith.constant 8 : i32
      %run_scoped3A_155 = arith.constant 1 : i32
      %run_scoped3A_156 = arith.constant 1 : i32
      "tpu.region"() ({
        %run_scoped3A_163 = tpu.sem_alloc : memref<!tpu.dma_semaphore, #tpu.memory_space<semaphore_mem>>
        %dma_start3A = arith.constant 0 : i32
        %dma_start3A_164 = arith.constant 0 : i32
        %dma_start3A_165 = tpu.memref_slice %arg10[%run_scoped3A_155, %dma_start3A, %dma_start3A_164] : memref<2x128x128xf32, #tpu.memory_space<vmem>> -> memref<1x128x128xf32, #tpu.memory_space<vmem>>
        %dma_start3A_166 = tpu.memref_squeeze %dma_start3A_165 : memref<1x128x128xf32, #tpu.memory_space<vmem>> -> memref<128x128xf32, #tpu.memory_space<vmem>>
        %dma_start3A_167 = arith.constant 0 : i32
        %dma_start3A_168 = tpu.memref_slice %arg9[%run_scoped3A_156, %dma_start3A_167] : memref<2x128xi32, #tpu.memory_space<vmem>> -> memref<1x128xi32, #tpu.memory_space<vmem>>
        %dma_start3A_169 = tpu.memref_squeeze %dma_start3A_168 : memref<1x128xi32, #tpu.memory_space<vmem>> -> memref<128xi32, #tpu.memory_space<vmem>>
        %dma_start3A_170 = arith.constant 0 : i32
        %dma_start3A_171 = arith.constant 0 : i32
        %dma_start3A_172 = tpu.memref_slice %arg11[%dma_start3A_170, %dma_start3A_171] : memref<10240x128xf32, #tpu.memory_space<vmem_shared>> -> memref<10240x128xf32, #tpu.memory_space<vmem_shared>>
        tpu.enqueue_indirect_dma source(%dma_start3A_166 : memref<128x128xf32, #tpu.memory_space<vmem>>) target(%dma_start3A_172 : memref<10240x128xf32, #tpu.memory_space<vmem_shared>>) offsets(%dma_start3A_169 : memref<128xi32, #tpu.memory_space<vmem>>) semaphore(%run_scoped3A_163 : memref<!tpu.dma_semaphore, #tpu.memory_space<semaphore_mem>>) {add = true}
        %dma_wait3A_173 = arith.constant 0 : i32
        %dma_wait3A_174 = arith.constant 0 : i32
        %dma_wait3A_175 = tpu.memref_slice %arg10[%run_scoped3A_155, %dma_wait3A_173, %dma_wait3A_174] : memref<2x128x128xf32, #tpu.memory_space<vmem>> -> memref<1x128x128xf32, #tpu.memory_space<vmem>>
        %dma_wait3A_176 = tpu.memref_squeeze %dma_wait3A_175 : memref<1x128x128xf32, #tpu.memory_space<vmem>> -> memref<128x128xf32, #tpu.memory_space<vmem>>
        %dma_wait3A_177 = arith.constant 0 : i32
        %dma_wait3A_178 = tpu.memref_slice %arg9[%run_scoped3A_156, %dma_wait3A_177] : memref<2x128xi32, #tpu.memory_space<vmem>> -> memref<1x128xi32, #tpu.memory_space<vmem>>
        %dma_wait3A_179 = tpu.memref_squeeze %dma_wait3A_178 : memref<1x128xi32, #tpu.memory_space<vmem>> -> memref<128xi32, #tpu.memory_space<vmem>>
        %dma_wait3A_180 = arith.constant 0 : i32
        %dma_wait3A_181 = arith.constant 0 : i32
        %dma_wait3A_182 = tpu.memref_slice %arg11[%dma_wait3A_180, %dma_wait3A_181] : memref<10240x128xf32, #tpu.memory_space<vmem_shared>> -> memref<10240x128xf32, #tpu.memory_space<vmem_shared>>
        tpu.wait_indirect_dma semaphore(%run_scoped3A_163 : memref<!tpu.dma_semaphore, #tpu.memory_space<semaphore_mem>>) src(%dma_wait3A_176 : memref<128x128xf32, #tpu.memory_space<vmem>>) dst(%dma_wait3A_182 : memref<10240x128xf32, #tpu.memory_space<vmem_shared>>)
        tpu.yield
      }) : () -> ()
      %add3A_157 = arith.constant 2 : i32
      %add3A_158 = arith.addi %add3A_130, %add3A_157 : i32
      %lt3A_159 = arith.cmpi slt, %add3A_158, %select_n3A : i32
      %convert_element_type3A_160 = arith.extui %lt3A_159 : i1 to i32
      %cond3A_161 = arith.constant 0 : i32
      %cond3A_162 = arith.cmpi ne, %convert_element_type3A_160, %cond3A_161 : i32
      scf.if %cond3A_162 {
        %add3A_163 = arith.constant 2 : i32
        %add3A_164 = arith.addi %add3A_130, %add3A_163 : i32
        %mul3A_165 = arith.constant 128 : i32
        %mul3A_166 = arith.muli %add3A_164, %mul3A_165 : i32
        %add3A_167 = arith.addi %mul3A_8, %mul3A_166 : i32
        %mul3A_168 = arith.constant 128 : i32
        %mul3A_169 = arith.muli %add3A_164, %mul3A_168 : i32
        %add3A_170 = arith.addi %mul3A_8, %mul3A_169 : i32
        %dma_start3A = arith.constant 1 : i32
        %dma_start3A_171 = arith.constant 0 : i32
        %dma_start3A_172 = tpu.memref_slice %arg8[%dma_start3A, %dma_start3A_171] : memref<2x128xi32, #tpu.memory_space<vmem>> -> memref<1x128xi32, #tpu.memory_space<vmem>>
        %dma_start3A_173 = tpu.memref_squeeze %dma_start3A_172 : memref<1x128xi32, #tpu.memory_space<vmem>> -> memref<128xi32, #tpu.memory_space<vmem>>
        %dma_start3A_174 = tpu.memref_slice %arg3[%add3A_167] : memref<327680xi32, #tpu.memory_space<hbm>> -> memref<128xi32, #tpu.memory_space<hbm>>
        %dma_start3A_175 = arith.constant 0 : i32
        %dma_start3A_176 = tpu.memref_slice %arg8[%dma_start3A, %dma_start3A_175] : memref<2x128xi32, #tpu.memory_space<vmem>> -> memref<1x128xi32, #tpu.memory_space<vmem>>
        %dma_start3A_177 = tpu.memref_squeeze %dma_start3A_176 : memref<1x128xi32, #tpu.memory_space<vmem>> -> memref<128xi32, #tpu.memory_space<vmem>>
        %dma_start3A_178 = tpu.memref_slice %arg3[%add3A_167] : memref<327680xi32, #tpu.memory_space<hbm>> -> memref<128xi32, #tpu.memory_space<hbm>>
        tpu.enqueue_dma source(%dma_start3A_178 : memref<128xi32, #tpu.memory_space<hbm>>) target(%dma_start3A_177 : memref<128xi32, #tpu.memory_space<vmem>>) target_semaphore(%arg14 : memref<!tpu.dma_semaphore, #tpu.memory_space<semaphore_mem>>)
        %dma_start3A_179 = arith.constant 1 : i32
        %dma_start3A_180 = arith.constant 0 : i32
        %dma_start3A_181 = tpu.memref_slice %arg9[%dma_start3A_179, %dma_start3A_180] : memref<2x128xi32, #tpu.memory_space<vmem>> -> memref<1x128xi32, #tpu.memory_space<vmem>>
        %dma_start3A_182 = tpu.memref_squeeze %dma_start3A_181 : memref<1x128xi32, #tpu.memory_space<vmem>> -> memref<128xi32, #tpu.memory_space<vmem>>
        %dma_start3A_183 = tpu.memref_slice %arg4[%add3A_170] : memref<327680xi32, #tpu.memory_space<hbm>> -> memref<128xi32, #tpu.memory_space<hbm>>
        %dma_start3A_184 = arith.constant 0 : i32
        %dma_start3A_185 = tpu.memref_slice %arg9[%dma_start3A_179, %dma_start3A_184] : memref<2x128xi32, #tpu.memory_space<vmem>> -> memref<1x128xi32, #tpu.memory_space<vmem>>
        %dma_start3A_186 = tpu.memref_squeeze %dma_start3A_185 : memref<1x128xi32, #tpu.memory_space<vmem>> -> memref<128xi32, #tpu.memory_space<vmem>>
        %dma_start3A_187 = tpu.memref_slice %arg4[%add3A_170] : memref<327680xi32, #tpu.memory_space<hbm>> -> memref<128xi32, #tpu.memory_space<hbm>>
        tpu.enqueue_dma source(%dma_start3A_187 : memref<128xi32, #tpu.memory_space<hbm>>) target(%dma_start3A_186 : memref<128xi32, #tpu.memory_space<vmem>>) target_semaphore(%arg15 : memref<!tpu.dma_semaphore, #tpu.memory_space<semaphore_mem>>)
      } else {
      }
    }
    "tpu.region"() ({
      %run_scoped3A_94 = tpu.sem_alloc : memref<!tpu.dma_semaphore, #tpu.memory_space<semaphore_mem>>
      %dma_start3A = arith.constant 0 : i32
      %dma_start3A_95 = arith.constant 0 : i32
      %dma_start3A_96 = tpu.memref_slice %arg18[%dma_start3A, %dma_start3A_95] : memref<80x128xf32, #tpu.memory_space<vmem_shared>> -> memref<80x128xf32, #tpu.memory_space<vmem_shared>>
      tpu.enqueue_indirect_dma source(%arg16 : memref<80x128xf32, #tpu.memory_space<vmem>>) target(%dma_start3A_96 : memref<80x128xf32, #tpu.memory_space<vmem_shared>>) offsets(%arg17 : memref<80xi32, #tpu.memory_space<vmem>>) semaphore(%run_scoped3A_94 : memref<!tpu.dma_semaphore, #tpu.memory_space<semaphore_mem>>) {add = true}
      %dma_wait3A = arith.constant 0 : i32
      %dma_wait3A_97 = arith.constant 0 : i32
      %dma_wait3A_98 = tpu.memref_slice %arg18[%dma_wait3A, %dma_wait3A_97] : memref<80x128xf32, #tpu.memory_space<vmem_shared>> -> memref<80x128xf32, #tpu.memory_space<vmem_shared>>
      tpu.wait_indirect_dma semaphore(%run_scoped3A_94 : memref<!tpu.dma_semaphore, #tpu.memory_space<semaphore_mem>>) src(%arg16 : memref<80x128xf32, #tpu.memory_space<vmem>>) dst(%dma_wait3A_98 : memref<80x128xf32, #tpu.memory_space<vmem_shared>>)
      tpu.yield
    }) : () -> ()
    %barrier3A_89 = arith.constant 0 : index
    tpu.barrier barrier_id(%barrier3A_89)
    "tpu.region"() ({
      %run_scoped3A_94 = tpu.sem_alloc : memref<!tpu.dma_semaphore, #tpu.memory_space<semaphore_mem>>
      %dma_start3A = arith.constant 0 : i32
      %dma_start3A_95 = tpu.memref_slice %arg6[%arg0, %mul3A_10, %dma_start3A] : memref<2x10240x128xf32, #tpu.memory_space<hbm>> -> memref<1x640x128xf32, #tpu.memory_space<hbm>>
      %dma_start3A_96 = tpu.memref_squeeze %dma_start3A_95 : memref<1x640x128xf32, #tpu.memory_space<hbm>> -> memref<640x128xf32, #tpu.memory_space<hbm>>
      %dma_start3A_97 = arith.constant 0 : i32
      %dma_start3A_98 = tpu.memref_slice %arg11[%mul3A_10, %dma_start3A_97] : memref<10240x128xf32, #tpu.memory_space<vmem_shared>> -> memref<640x128xf32, #tpu.memory_space<vmem_shared>>
      tpu.enqueue_dma source(%dma_start3A_98 : memref<640x128xf32, #tpu.memory_space<vmem_shared>>) target(%dma_start3A_96 : memref<640x128xf32, #tpu.memory_space<hbm>>) target_semaphore(%run_scoped3A_94 : memref<!tpu.dma_semaphore, #tpu.memory_space<semaphore_mem>>)
      %dma_wait3A = arith.constant 0 : i32
      %dma_wait3A_99 = tpu.memref_slice %arg6[%arg0, %mul3A_10, %dma_wait3A] : memref<2x10240x128xf32, #tpu.memory_space<hbm>> -> memref<1x640x128xf32, #tpu.memory_space<hbm>>
      %dma_wait3A_100 = tpu.memref_squeeze %dma_wait3A_99 : memref<1x640x128xf32, #tpu.memory_space<hbm>> -> memref<640x128xf32, #tpu.memory_space<hbm>>
      %dma_wait3A_101 = arith.constant 0 : i32
      %dma_wait3A_102 = tpu.memref_slice %arg11[%mul3A_10, %dma_wait3A_101] : memref<10240x128xf32, #tpu.memory_space<vmem_shared>> -> memref<640x128xf32, #tpu.memory_space<vmem_shared>>
      tpu.wait_dma2 semaphore(%run_scoped3A_94 : memref<!tpu.dma_semaphore, #tpu.memory_space<semaphore_mem>>) src(%dma_wait3A_102 : memref<640x128xf32, #tpu.memory_space<vmem_shared>>) dst(%dma_wait3A_100 : memref<640x128xf32, #tpu.memory_space<hbm>>)
      tpu.yield
    }) : () -> ()
    %lt3A = arith.constant 10 : i32
    %lt3A_90 = arith.cmpi slt, %arg1, %lt3A : i32
    %convert_element_type3A_91 = arith.extui %lt3A_90 : i1 to i32
    %cond3A_92 = arith.constant 0 : i32
    %cond3A_93 = arith.cmpi ne, %convert_element_type3A_91, %cond3A_92 : i32
    scf.if %cond3A_93 {
      %mul3A_94 = arith.constant 8 : i32
      %mul3A_95 = arith.muli %arg1, %mul3A_94 : i32
      %mul3A_96 = arith.constant 8 : i32
      %mul3A_97 = arith.muli %arg1, %mul3A_96 : i32
      "tpu.region"() ({
        %run_scoped3A_98 = tpu.sem_alloc : memref<!tpu.dma_semaphore, #tpu.memory_space<semaphore_mem>>
        %dma_start3A = arith.constant 0 : i32
        %dma_start3A_99 = tpu.memref_slice %arg7[%arg0, %mul3A_97, %dma_start3A] : memref<2x80x128xf32, #tpu.memory_space<hbm>> -> memref<1x8x128xf32, #tpu.memory_space<hbm>>
        %dma_start3A_100 = tpu.memref_squeeze %dma_start3A_99 : memref<1x8x128xf32, #tpu.memory_space<hbm>> -> memref<8x128xf32, #tpu.memory_space<hbm>>
        %dma_start3A_101 = arith.constant 0 : i32
        %dma_start3A_102 = tpu.memref_slice %arg18[%mul3A_95, %dma_start3A_101] : memref<80x128xf32, #tpu.memory_space<vmem_shared>> -> memref<8x128xf32, #tpu.memory_space<vmem_shared>>
        tpu.enqueue_dma source(%dma_start3A_102 : memref<8x128xf32, #tpu.memory_space<vmem_shared>>) target(%dma_start3A_100 : memref<8x128xf32, #tpu.memory_space<hbm>>) target_semaphore(%run_scoped3A_98 : memref<!tpu.dma_semaphore, #tpu.memory_space<semaphore_mem>>)
        %dma_wait3A = arith.constant 0 : i32
        %dma_wait3A_103 = tpu.memref_slice %arg7[%arg0, %mul3A_97, %dma_wait3A] : memref<2x80x128xf32, #tpu.memory_space<hbm>> -> memref<1x8x128xf32, #tpu.memory_space<hbm>>
        %dma_wait3A_104 = tpu.memref_squeeze %dma_wait3A_103 : memref<1x8x128xf32, #tpu.memory_space<hbm>> -> memref<8x128xf32, #tpu.memory_space<hbm>>
        %dma_wait3A_105 = arith.constant 0 : i32
        %dma_wait3A_106 = tpu.memref_slice %arg18[%mul3A_95, %dma_wait3A_105] : memref<80x128xf32, #tpu.memory_space<vmem_shared>> -> memref<8x128xf32, #tpu.memory_space<vmem_shared>>
        tpu.wait_dma2 semaphore(%run_scoped3A_98 : memref<!tpu.dma_semaphore, #tpu.memory_space<semaphore_mem>>) src(%dma_wait3A_106 : memref<8x128xf32, #tpu.memory_space<vmem_shared>>) dst(%dma_wait3A_104 : memref<8x128xf32, #tpu.memory_space<hbm>>)
        tpu.yield
      }) : () -> ()
    } else {
    }
    return
  }
}

module attributes {stable_mosaic.version = 14 : i64} {
  func.func @body(%arg0: i32, %arg1: memref<1000x128xf32, #tpu.memory_space<vmem>>, %arg2: memref<1000x128xf32, #tpu.memory_space<vmem>>, %arg3: memref<1000x1xf32, #tpu.memory_space<vmem>>, %arg4: memref<1000x1xf32, #tpu.memory_space<vmem>>, %arg5: memref<1000x128xf32, #tpu.memory_space<vmem>>, %arg6: memref<128x128xf32, #tpu.memory_space<vmem>>, %arg7: memref<1x128xf32, #tpu.memory_space<vmem>>, %arg8: memref<128x128xf32, #tpu.memory_space<vmem>>, %arg9: memref<1000x128xf32, #tpu.memory_space<vmem>>) attributes {dimension_semantics = [#tpu.dimension_semantics<arbitrary>], iteration_bounds = array<i64: 10>, scalar_prefetch = 0 : i64, scratch_operands = 0 : i64, tpu.core_type = #tpu.core_type<tc>, window_params = [{transform_indices = @transform_0, window_bounds = array<i64: 1000, 128>}, {transform_indices = @transform_1, window_bounds = array<i64: 1000, 128>}, {transform_indices = @transform_2, window_bounds = array<i64: 1000, 1>}, {transform_indices = @transform_3, window_bounds = array<i64: 1000, 1>}, {transform_indices = @transform_4, window_bounds = array<i64: 1000, 128>}, {pipeline_mode = #tpu.pipeline_mode<synchronous>, transform_indices = @transform_5, window_bounds = array<i64: 128, 128>}, {pipeline_mode = #tpu.pipeline_mode<synchronous>, transform_indices = @transform_6, window_bounds = array<i64: 1, 128>}, {pipeline_mode = #tpu.pipeline_mode<synchronous>, transform_indices = @transform_7, window_bounds = array<i64: 128, 128>}, {transform_indices = @transform_8, window_bounds = array<i64: 1000, 128>}]} {
    %get3A = arith.constant 0 : index
    %get3A_0 = arith.constant 0 : index
    %get3A_1 = vector.load %arg3[%get3A, %get3A_0] : memref<1000x1xf32, #tpu.memory_space<vmem>>, vector<1000x1xf32>
    %get3A_2 = arith.constant 0 : index
    %get3A_3 = arith.constant 0 : index
    %get3A_4 = vector.load %arg4[%get3A_2, %get3A_3] : memref<1000x1xf32, #tpu.memory_space<vmem>>, vector<1000x1xf32>
    %add3A = arith.addf %get3A_1, %get3A_4 : vector<1000x1xf32>
    %max3A = arith.constant 1.000000e+00 : f32
    %max3A_5 = vector.broadcast %max3A : f32 to vector<1000x1xf32>
    %max3A_6 = arith.maximumf %add3A, %max3A_5 : vector<1000x1xf32>
    %get3A_7 = arith.constant 0 : index
    %get3A_8 = arith.constant 0 : index
    %get3A_9 = vector.load %arg1[%get3A_7, %get3A_8] : memref<1000x128xf32, #tpu.memory_space<vmem>>, vector<1000x128xf32>
    %get3A_10 = arith.constant 0 : index
    %get3A_11 = arith.constant 0 : index
    %get3A_12 = vector.load %arg2[%get3A_10, %get3A_11] : memref<1000x128xf32, #tpu.memory_space<vmem>>, vector<1000x128xf32>
    %add3A_13 = arith.addf %get3A_9, %get3A_12 : vector<1000x128xf32>
    %div3A = vector.broadcast %max3A_6 : vector<1000x1xf32> to vector<1000x128xf32>
    %div3A_14 = arith.divf %add3A_13, %div3A : vector<1000x128xf32>
    %get3A_15 = arith.constant 0 : index
    %get3A_16 = arith.constant 0 : index
    %get3A_17 = vector.load %arg6[%get3A_15, %get3A_16] : memref<128x128xf32, #tpu.memory_space<vmem>>, vector<128x128xf32>
    %dot_general3A = arith.constant dense<0.000000e+00> : vector<1000x128xf32>
    %dot_general3A_18 = tpu.matmul %div3A_14, %get3A_17, %dot_general3A {dimension_numbers = #tpu.dot_dimension_numbers<[1], [0], [0], [1], [0, 0, 1, 1], [], []>, transpose_lhs_hint = false} : vector<1000x128xf32>, vector<128x128xf32>, vector<1000x128xf32> -> vector<1000x128xf32>
    %get3A_19 = arith.constant 0 : index
    %get3A_20 = arith.constant 0 : index
    %get3A_21 = vector.load %arg5[%get3A_19, %get3A_20] : memref<1000x128xf32, #tpu.memory_space<vmem>>, vector<1000x128xf32>
    %get3A_22 = arith.constant 0 : index
    %get3A_23 = arith.constant 0 : index
    %get3A_24 = vector.load %arg8[%get3A_22, %get3A_23] : memref<128x128xf32, #tpu.memory_space<vmem>>, vector<128x128xf32>
    %dot_general3A_25 = arith.constant dense<0.000000e+00> : vector<1000x128xf32>
    %dot_general3A_26 = tpu.matmul %get3A_21, %get3A_24, %dot_general3A_25 {dimension_numbers = #tpu.dot_dimension_numbers<[1], [0], [0], [1], [0, 0, 1, 1], [], []>, transpose_lhs_hint = false} : vector<1000x128xf32>, vector<128x128xf32>, vector<1000x128xf32> -> vector<1000x128xf32>
    %add3A_27 = arith.addf %dot_general3A_18, %dot_general3A_26 : vector<1000x128xf32>
    %get3A_28 = arith.constant 0 : index
    %get3A_29 = arith.constant 0 : index
    %get3A_30 = vector.load %arg7[%get3A_28, %get3A_29] : memref<1x128xf32, #tpu.memory_space<vmem>>, vector<1x128xf32>
    %add3A_31 = vector.broadcast %get3A_30 : vector<1x128xf32> to vector<1000x128xf32>
    %add3A_32 = arith.addf %add3A_27, %add3A_31 : vector<1000x128xf32>
    %max3A_33 = arith.constant 0.000000e+00 : f32
    %max3A_34 = vector.broadcast %max3A_33 : f32 to vector<1000x128xf32>
    %max3A_35 = arith.maximumf %add3A_32, %max3A_34 : vector<1000x128xf32>
    %swap3A = arith.constant 0 : index
    %swap3A_36 = arith.constant 0 : index
    %swap3A_37 = vector.load %arg9[%swap3A, %swap3A_36] : memref<1000x128xf32, #tpu.memory_space<vmem>>, vector<1000x128xf32>
    tpu.vector_store %arg9[%swap3A, %swap3A_36], %max3A_35 {strides = array<i32>} : memref<1000x128xf32, #tpu.memory_space<vmem>>, vector<1000x128xf32>,
    return
  }
  func.func @transform_0(%arg0: i32) -> (i32, i32) {
    %c0_i32 = arith.constant 0 : i32
    %c0_i32_0 = arith.constant 0 : i32
    return %arg0, %c0_i32 : i32, i32
  }
  func.func @transform_1(%arg0: i32) -> (i32, i32) {
    %c0_i32 = arith.constant 0 : i32
    %c0_i32_0 = arith.constant 0 : i32
    return %arg0, %c0_i32 : i32, i32
  }
  func.func @transform_2(%arg0: i32) -> (i32, i32) {
    %c0_i32 = arith.constant 0 : i32
    %c0_i32_0 = arith.constant 0 : i32
    return %arg0, %c0_i32 : i32, i32
  }
  func.func @transform_3(%arg0: i32) -> (i32, i32) {
    %c0_i32 = arith.constant 0 : i32
    %c0_i32_0 = arith.constant 0 : i32
    return %arg0, %c0_i32 : i32, i32
  }
  func.func @transform_4(%arg0: i32) -> (i32, i32) {
    %c0_i32 = arith.constant 0 : i32
    %c0_i32_0 = arith.constant 0 : i32
    return %arg0, %c0_i32 : i32, i32
  }
  func.func @transform_5(%arg0: i32) -> (i32, i32) {
    %c0_i32 = arith.constant 0 : i32
    %c0_i32_0 = arith.constant 0 : i32
    %c0_i32_1 = arith.constant 0 : i32
    return %c0_i32, %c0_i32_0 : i32, i32
  }
  func.func @transform_6(%arg0: i32) -> (i32, i32) {
    %c0_i32 = arith.constant 0 : i32
    %c0_i32_0 = arith.constant 0 : i32
    %c0_i32_1 = arith.constant 0 : i32
    return %c0_i32, %c0_i32_0 : i32, i32
  }
  func.func @transform_7(%arg0: i32) -> (i32, i32) {
    %c0_i32 = arith.constant 0 : i32
    %c0_i32_0 = arith.constant 0 : i32
    %c0_i32_1 = arith.constant 0 : i32
    return %c0_i32, %c0_i32_0 : i32, i32
  }
  func.func @transform_8(%arg0: i32) -> (i32, i32) {
    %c0_i32 = arith.constant 0 : i32
    %c0_i32_0 = arith.constant 0 : i32
    return %arg0, %c0_i32 : i32, i32
  }
}

module attributes {stable_mosaic.version = 14 : i64} {
  func.func @body(%arg0: i32, %arg1: memref<1024x128xf32, #tpu.memory_space<vmem>>, %arg2: memref<1024x128xf32, #tpu.memory_space<vmem>>, %arg3: memref<1024x1xf32, #tpu.memory_space<vmem>>, %arg4: memref<1024x1xf32, #tpu.memory_space<vmem>>, %arg5: memref<1024x128xf32, #tpu.memory_space<vmem>>, %arg6: memref<128x128xf32, #tpu.memory_space<vmem>>, %arg7: memref<1x128xf32, #tpu.memory_space<vmem>>, %arg8: memref<128x128xf32, #tpu.memory_space<vmem>>, %arg9: memref<1024x128xf32, #tpu.memory_space<vmem>>) attributes {dimension_semantics = [#tpu.dimension_semantics<arbitrary>], iteration_bounds = array<i64: 2>, scalar_prefetch = 0 : i64, scratch_operands = 0 : i64, tpu.core_type = #tpu.core_type<tc>, window_params = [{transform_indices = @transform_0, window_bounds = array<i64: 1024, 128>}, {transform_indices = @transform_1, window_bounds = array<i64: 1024, 128>}, {transform_indices = @transform_2, window_bounds = array<i64: 1024, 1>}, {transform_indices = @transform_3, window_bounds = array<i64: 1024, 1>}, {transform_indices = @transform_4, window_bounds = array<i64: 1024, 128>}, {pipeline_mode = #tpu.pipeline_mode<synchronous>, transform_indices = @transform_5, window_bounds = array<i64: 128, 128>}, {pipeline_mode = #tpu.pipeline_mode<synchronous>, transform_indices = @transform_6, window_bounds = array<i64: 1, 128>}, {pipeline_mode = #tpu.pipeline_mode<synchronous>, transform_indices = @transform_7, window_bounds = array<i64: 128, 128>}, {transform_indices = @transform_8, window_bounds = array<i64: 1024, 128>}]} {
    %get3A = arith.constant 0 : index
    %get3A_0 = arith.constant 0 : index
    %get3A_1 = vector.load %arg3[%get3A, %get3A_0] : memref<1024x1xf32, #tpu.memory_space<vmem>>, vector<1024x1xf32>
    %get3A_2 = arith.constant 0 : index
    %get3A_3 = arith.constant 0 : index
    %get3A_4 = vector.load %arg4[%get3A_2, %get3A_3] : memref<1024x1xf32, #tpu.memory_space<vmem>>, vector<1024x1xf32>
    %add3A = arith.addf %get3A_1, %get3A_4 : vector<1024x1xf32>
    %max3A = arith.constant 1.000000e+00 : f32
    %max3A_5 = vector.broadcast %max3A : f32 to vector<1024x1xf32>
    %max3A_6 = arith.maximumf %add3A, %max3A_5 : vector<1024x1xf32>
    %get3A_7 = arith.constant 0 : index
    %get3A_8 = arith.constant 0 : index
    %get3A_9 = vector.load %arg1[%get3A_7, %get3A_8] : memref<1024x128xf32, #tpu.memory_space<vmem>>, vector<1024x128xf32>
    %get3A_10 = arith.constant 0 : index
    %get3A_11 = arith.constant 0 : index
    %get3A_12 = vector.load %arg2[%get3A_10, %get3A_11] : memref<1024x128xf32, #tpu.memory_space<vmem>>, vector<1024x128xf32>
    %add3A_13 = arith.addf %get3A_9, %get3A_12 : vector<1024x128xf32>
    %div3A = vector.broadcast %max3A_6 : vector<1024x1xf32> to vector<1024x128xf32>
    %div3A_14 = arith.divf %add3A_13, %div3A : vector<1024x128xf32>
    %get3A_15 = arith.constant 0 : index
    %get3A_16 = arith.constant 0 : index
    %get3A_17 = vector.load %arg6[%get3A_15, %get3A_16] : memref<128x128xf32, #tpu.memory_space<vmem>>, vector<128x128xf32>
    %dot_general3A = arith.constant dense<0.000000e+00> : vector<1024x128xf32>
    %dot_general3A_18 = tpu.matmul %div3A_14, %get3A_17, %dot_general3A {dimension_numbers = #tpu.dot_dimension_numbers<[1], [0], [0], [1], [0, 0, 1, 1], [], []>, transpose_lhs_hint = false} : vector<1024x128xf32>, vector<128x128xf32>, vector<1024x128xf32> -> vector<1024x128xf32>
    %get3A_19 = arith.constant 0 : index
    %get3A_20 = arith.constant 0 : index
    %get3A_21 = vector.load %arg5[%get3A_19, %get3A_20] : memref<1024x128xf32, #tpu.memory_space<vmem>>, vector<1024x128xf32>
    %get3A_22 = arith.constant 0 : index
    %get3A_23 = arith.constant 0 : index
    %get3A_24 = vector.load %arg8[%get3A_22, %get3A_23] : memref<128x128xf32, #tpu.memory_space<vmem>>, vector<128x128xf32>
    %dot_general3A_25 = arith.constant dense<0.000000e+00> : vector<1024x128xf32>
    %dot_general3A_26 = tpu.matmul %get3A_21, %get3A_24, %dot_general3A_25 {dimension_numbers = #tpu.dot_dimension_numbers<[1], [0], [0], [1], [0, 0, 1, 1], [], []>, transpose_lhs_hint = false} : vector<1024x128xf32>, vector<128x128xf32>, vector<1024x128xf32> -> vector<1024x128xf32>
    %add3A_27 = arith.addf %dot_general3A_18, %dot_general3A_26 : vector<1024x128xf32>
    %get3A_28 = arith.constant 0 : index
    %get3A_29 = arith.constant 0 : index
    %get3A_30 = vector.load %arg7[%get3A_28, %get3A_29] : memref<1x128xf32, #tpu.memory_space<vmem>>, vector<1x128xf32>
    %add3A_31 = vector.broadcast %get3A_30 : vector<1x128xf32> to vector<1024x128xf32>
    %add3A_32 = arith.addf %add3A_27, %add3A_31 : vector<1024x128xf32>
    %swap3A = arith.constant 0 : index
    %swap3A_33 = arith.constant 0 : index
    %swap3A_34 = vector.load %arg9[%swap3A, %swap3A_33] : memref<1024x128xf32, #tpu.memory_space<vmem>>, vector<1024x128xf32>
    tpu.vector_store %arg9[%swap3A, %swap3A_33], %add3A_32 {strides = array<i32>} : memref<1024x128xf32, #tpu.memory_space<vmem>>, vector<1024x128xf32>,
    return
  }
  func.func @transform_0(%arg0: i32) -> (i32, i32) {
    %c0_i32 = arith.constant 0 : i32
    %c0_i32_0 = arith.constant 0 : i32
    return %arg0, %c0_i32 : i32, i32
  }
  func.func @transform_1(%arg0: i32) -> (i32, i32) {
    %c0_i32 = arith.constant 0 : i32
    %c0_i32_0 = arith.constant 0 : i32
    return %arg0, %c0_i32 : i32, i32
  }
  func.func @transform_2(%arg0: i32) -> (i32, i32) {
    %c0_i32 = arith.constant 0 : i32
    %c0_i32_0 = arith.constant 0 : i32
    return %arg0, %c0_i32 : i32, i32
  }
  func.func @transform_3(%arg0: i32) -> (i32, i32) {
    %c0_i32 = arith.constant 0 : i32
    %c0_i32_0 = arith.constant 0 : i32
    return %arg0, %c0_i32 : i32, i32
  }
  func.func @transform_4(%arg0: i32) -> (i32, i32) {
    %c0_i32 = arith.constant 0 : i32
    %c0_i32_0 = arith.constant 0 : i32
    return %arg0, %c0_i32 : i32, i32
  }
  func.func @transform_5(%arg0: i32) -> (i32, i32) {
    %c0_i32 = arith.constant 0 : i32
    %c0_i32_0 = arith.constant 0 : i32
    %c0_i32_1 = arith.constant 0 : i32
    return %c0_i32, %c0_i32_0 : i32, i32
  }
  func.func @transform_6(%arg0: i32) -> (i32, i32) {
    %c0_i32 = arith.constant 0 : i32
    %c0_i32_0 = arith.constant 0 : i32
    %c0_i32_1 = arith.constant 0 : i32
    return %c0_i32, %c0_i32_0 : i32, i32
  }
  func.func @transform_7(%arg0: i32) -> (i32, i32) {
    %c0_i32 = arith.constant 0 : i32
    %c0_i32_0 = arith.constant 0 : i32
    %c0_i32_1 = arith.constant 0 : i32
    return %c0_i32, %c0_i32_0 : i32, i32
  }
  func.func @transform_8(%arg0: i32) -> (i32, i32) {
    %c0_i32 = arith.constant 0 : i32
    %c0_i32_0 = arith.constant 0 : i32
    return %arg0, %c0_i32 : i32, i32
  }
}

</mosaic_0001>

<sc_bundles>
// kernel: kernel.6.cloned.1.call-start
scs
__scs_entry_jumppad:
0x0: {  	(pc) =	sbr.rel $0x88, $3  }
0x1: {  	(tag) =	ssettag $0x0;
	lr =	simm.s32 $0x1  }
0x2: {  	[smem:$0x3F99] =	sst lr;
	_ =	strace $0xD0000000  }
0x3: {  	_ = 	snop  }
0x4: {  	_ = 	snop  }
0x5: {  	_ = 	snop  }
0x6: {  	_ = 	snop  }
0x7: {  	_ = 	snop  }
__scs_overlays_trampoline_lowered:
0x8: {  	[smem:$0x3FA8] =	sst s0  }
0x9: {  	[smem:$0x3FA9] =	sst s1  }
0xa: {  	[smem:$0x3FAA] =	sst s2  }
0xb: {  	[smem:$0x3FAB] =	sst s3  }
0xc: {  	[smem:$0x3FAC] =	sst s4  }
0xd: {  	[smem:$0x3FAD] =	sst s5  }
0xe: {  	[smem:$0x3FAE] =	sst s6  }
0xf: {  	[smem:$0x3FAF] =	sst s7  }
0x10: {  	[smem:$0x3FB0] =	sst s8  }
0x11: {  	[smem:$0x3FB1] =	sst s9;
	s0 =	simm.s32 @!p0 $0x0  }
0x12: {  	s1 =	sld [smem:$0x3F97];
	s0 =	simm.s32 @p0 $0x1  }
0x13: {  	[smem:$0x3FB2] =	sst s0;
	s0 =	simm.s32 @!p1 $0x0  }
0x14: {  	s2 =	sld [smem:$0x3F96];
	s0 =	simm.s32 @p1 $0x1  }
0x15: {  	[smem:$0x3FB3] =	sst s0;
	s0 =	simm.s32 @!p2 $0x0  }
0x16: {  	s3 =	sld [smem:$0x3FDB];
	s0 =	simm.s32 @p2 $0x1  }
0x17: {  	s4 =	simm.s32 $0x1BF5;
	[smem:$0x3FB5] =	sst s0  }
0x18: {  	s0 =	sld [smem:$0x3F98];
	_ =	swait.ge [sflag:s4], $0x0  }
0x19: {  	s7 =	sld [smem:$0x3F99]  }
0x1a: {  	s8 =	sadd.s32 $0xFFFFE003, lr  }
0x1b: {  	s9 =	sadd.s32 $0xFFFFFEF7, lr;
	s5 =	simm.s32 $0xFFFFFFFF;
	p2 =	slt.u32 s8, $0xFFFFF086  }
0x1c: {  	p1 =	slt.u32 s9, $0xF7A;
	s5 =	simm.s32 @!p2 $0x0  }
0x1d: {  	s5 =	simm.s32 @p1 $0x1;
	p0 =	seq.s32 s7, s2  }
0x1e: {  	s7 =	smul.u32 @!p0 $0xF7A, s2;
	p2 =	seq.s32 @!p0 s5, $0x0  }
0x1f: {  	s9 =	smul.u32 $0xF7A, s1;
	s8 =	simm.s32 @!p0 $0x1BF5;
	p2 =	por !p2, p0  }
0x20: {  	[sflag:s8] =	ssyncset.s32 @!p0 $0xFFFFF086;
	s6 =	sadd.s32 @!p0 s3, s7;
	s7 =	simm.s32 @!p0 $0x108  }
0x21: {  	s3 =	sadd.s32 s3, s9;
	s6 =	sadd.s32 @!p0 $0x88, s6;
	s7 =	simm.s32 @p2 $0x1082  }
0x22: {  	[simem:s7], [sflag:s8] =	dma.local @!p0 [hbm:s6], $0xF7A  }
0x23: {  	s9 =	sor.u32 $0xD0000000, s2;
	s6 =	simm.s32 $0x108;
	_ =	swait.ge @!p0 [sflag:s8], $0x0  }
0x24: {  	s3 =	sadd.s32 $0x88, s3;
	s6 =	simm.s32 @!p1 $0x1082;
	[sflag:s4] =	ssyncset.s32 $0xFFFFF086  }
0x25: {  	[simem:s6], [sflag:s4] =	dma.local [hbm:s3], $0xF7A  }
0x26: {  	[smem:$0x3F99] =	sst s1;
	(tag) =	ssettag s2;
	_ =	strace s9  }
0x27: {  	s1 =	sld [smem:$0x3FA9]  }
0x28: {  	s2 =	sld [smem:$0x3FAA]  }
0x29: {  	s4 =	sld [smem:$0x3FAC]  }
0x2a: {  	p0 =	seq.s32 s5, $0x0;
	s5 =	sld [smem:$0x3FAD]  }
0x2b: {  	s6 =	sld [smem:$0x3FAE]  }
0x2c: {  	s7 =	sld [smem:$0x3FAF]  }
0x2d: {  	s3 =	simm.s32 $0x108;
	s8 =	sld [smem:$0x3FB0]  }
0x2e: {  	s3 =	simm.s32 @!p0 $0x1082;
	s9 =	sld [smem:$0x3FB1]  }
0x2f: {  	lr =	sadd.s32 s0, s3;
	s0 =	sld [smem:$0x3FA8]  }
0x30: {  	s3 =	sld [smem:$0x3FAB]  }
0x31: {  	[smem:$0x3FB4] =	sst s10  }
0x32: {  	s10 =	sld [smem:$0x3FB2];
	_ =	sdelay $0x3  }
0x33: {  	p0 =	seq.s32 s10, $0x1;
	s10 =	sld [smem:$0x3FB4];
	_ =	sdelay $0x3  }
0x34: {  	[smem:$0x3FB4] =	sst s10  }
0x35: {  	s10 =	sld [smem:$0x3FB3];
	_ =	sdelay $0x3  }
0x36: {  	p1 =	seq.s32 s10, $0x1;
	s10 =	sld [smem:$0x3FB4];
	_ =	sdelay $0x3  }
0x37: {  	[smem:$0x3FB4] =	sst s10  }
0x38: {  	s10 =	sld [smem:$0x3FB5]  }
0x39: {  	_ = 	snop;
	(pc) =	sbr.ind lr, $3  }
0x3a: {  	_ = 	snop  }
0x3b: {  	_ = 	snop  }
0x3c: {  	p2 =	seq.s32 s10, $0x1;
	s10 =	sld [smem:$0x3FB4]  }
0x3d: {  	_ =	shalt  }
0x3e: {  	_ =	shalt  }
0x3f: {  	_ =	shalt  }
0x40: {  	_ =	shalt  }
0x41: {  	_ =	shalt  }
0x42: {  	_ =	shalt  }
0x43: {  	_ =	shalt  }
0x44: {  	_ =	shalt  }
0x45: {  	_ =	shalt  }
0x46: {  	_ =	shalt  }
0x47: {  	_ =	shalt  }
0x48: {  	_ =	shalt  }
0x49: {  	_ =	shalt  }
0x4a: {  	_ =	shalt  }
0x4b: {  	_ =	shalt  }
0x4c: {  	_ =	shalt  }
0x4d: {  	_ =	shalt  }
0x4e: {  	_ =	shalt  }
0x4f: {  	_ =	shalt  }
0x50: {  	_ =	shalt  }
0x51: {  	_ =	shalt  }
0x52: {  	_ =	shalt  }
0x53: {  	_ =	shalt  }
0x54: {  	_ =	shalt  }
0x55: {  	_ =	shalt  }
0x56: {  	_ =	shalt  }
0x57: {  	_ =	shalt  }
0x58: {  	_ =	shalt  }
0x59: {  	_ =	shalt  }
0x5a: {  	_ =	shalt  }
0x5b: {  	_ =	shalt  }
0x5c: {  	_ =	shalt  }
0x5d: {  	_ =	shalt  }
0x5e: {  	_ =	shalt  }
0x5f: {  	_ =	shalt  }
0x60: {  	_ =	shalt  }
0x61: {  	_ =	shalt  }
0x62: {  	_ =	shalt  }
0x63: {  	_ =	shalt  }
0x64: {  	_ =	shalt  }
0x65: {  	_ =	shalt  }
0x66: {  	_ =	shalt  }
0x67: {  	_ =	shalt  }
0x68: {  	_ =	shalt  }
0x69: {  	_ =	shalt  }
0x6a: {  	_ =	shalt  }
0x6b: {  	_ =	shalt  }
0x6c: {  	_ =	shalt  }
0x6d: {  	_ =	shalt  }
0x6e: {  	_ =	shalt  }
0x6f: {  	_ =	shalt  }
0x70: {  	_ =	shalt  }
0x71: {  	_ =	shalt  }
0x72: {  	_ =	shalt  }
0x73: {  	_ =	shalt  }
0x74: {  	_ =	shalt  }
0x75: {  	_ =	shalt  }
0x76: {  	_ =	shalt  }
0x77: {  	_ =	shalt  }
0x78: {  	_ =	shalt  }
0x79: {  	_ =	shalt  }
0x7a: {  	_ =	shalt  }
0x7b: {  	_ =	shalt  }
0x7c: {  	_ =	shalt  }
0x7d: {  	_ =	shalt  }
0x7e: {  	_ =	shalt  }
0x7f: {  	_ =	shalt  }
0x80: {  	_ =	shalt  }
0x81: {  	_ =	shalt  }
0x82: {  	_ =	shalt  }
0x83: {  	_ =	shalt  }
0x84: {  	_ =	shalt  }
0x85: {  	_ =	shalt  }
0x86: {  	_ =	shalt  }
0x87: {  	_ =	shalt  }
.Lfunc_end0:
.L_simem_size_0:
called_computation_lowered:
.L_overlay_start_0:
0x88: {  	s2 =	sld [smem:$0x3FD9]  }
0x89: {  	s3 =	sld [smem:$0x3FFE];
	_ =	sdelay $0x1  }
0x8a: {  	s1 =	srdreg.scid  }
0x8b: {  	s0 =	sand.u32 $0x1, s1  }
0x8c: {  	s17 =	sshll.u32 s0, $0xA;
	s2 =	sadd.s32 s3, s2  }
0x8d: {  	s2 =	sadd.s32 s2, s17  }
0x8e: {  	[smem:$0x3FC0] =	sst s2  }
0x8f: {  	_ = 	snop  }
0x90: {  	s2 =	sld [smem:$0x3FC9]  }
0x91: {  	s18 =	sld [smem:$0x3FD0];
	(tm) =	ssettm $0x1  }
0x92: {  	s4 =	sld [smem:$0x3FFB];
	_ =	sdelay $0x3  }
0x93: {  	_ =	strace s4  }
0x94: {  	s4 =	sld [smem:$0x3FFC];
	_ =	sdelay $0x3  }
0x95: {  	_ =	strace s4  }
0x96: {  	s4 =	sld [smem:$0x3FFD];
	_ =	sdelay $0x3  }
0x97: {  	_ =	strace s4  }
0x98: {  	_ =	strace $0x8FFFFFFF  }
0x99: {  	s19 =	sld [smem:$0x3FDB];
	_ =	sdelay $0x1  }
0x9a: {  	s5 =	simm.s32 $_scs_section_size  }
0x9b: {  	s6 =	simm.s32 $_size__tile_overlayer_lowered;
	s7 =	simm.s32 $_tile_overlayer_lowered  }
0x9c: {  	s22 =	simm.s32 $0x1BFF;
	s21 =	sshll.u32 s7, $0x1;
	s4 =	sadd.s32 s5, s19  }
0x9d: {  	s8 =	simm.s32 $0x0;
	s20 =	sshll.u32 s6, $0x1;
	s6 =	sadd.s32 s21, s4  }
0x9e: {  	[timem:s8], [sflag:s22] =	dma.local [hbm:s6], s20  }
0x9f: {  	_ =	swait.ge [sflag:s22], s20  }
0xa0: {  	s5 =	ssub.s32 $0x0, s20;
	[sflag:s22] =	ssyncset.done $0x0  }
0xa1: {  	[sflag:s22] =	ssyncadd.s32 s5;
	_ =	sdelay $0x1  }
0xa2: {  	s23 =	simm.s32 $0x1B8B  }
0xa3: {  	_ =	swait.ge [sflag:s23], $0x1  }
0xa4: {  	[sflag:s23] =	ssyncset.done $0x0  }
0xa5: {  	s25 =	simm.s32 $0x1B8E;
	s24 =	sld [smem:$0x3FFE];
	[sflag:s23] =	ssyncadd.s32 $0xFFFFFFFF  }
0xa6: {  	s26 =	simm.s32 $execute0_lowered;
	[smem:$0x3FD2] =	sst s25  }
0xa7: {  	s6 =	sshll.u32 s26, $0x1;
	_ =	strace $0x80000046;
	[dreg:$0x1] =	wrdreg $0xFFFFFFFF  }
0xa8: {  	s28 =	simm.s32 $_size_execute0_lowered;
	s4 =	sadd.s32 s4, s6;
	[dreg:$0x0] =	wrdreg $0x0  }
0xa9: {  	s6 =	sshll.u32 s28, $0x1;
	[dreg:$0x2] =	wrdreg s4  }
0xaa: {  	[dreg:$0x3] =	wrdreg s6  }
0xab: {  	[dreg:$0x4] =	wrdreg $0xC0  }
0xac: {  	_ =	task [dreg:s8], $0x5FFFF  }
0xad: {  	[dreg:$0x1] =	wrdreg $0xFFFFFFFF  }
0xae: {  	[dreg:$0x0] =	wrdreg $0x60  }
0xaf: {  	[dreg:$0x2] =	wrdreg s2  }
0xb0: {  	[dreg:$0x3] =	wrdreg s24  }
0xb1: {  	[dreg:$0x4] =	wrdreg s18  }
0xb2: {  	[dreg:$0x5] =	wrdreg $0x82000  }
0xb3: {  	[dreg:$0x6] =	wrdreg $0x1EA800  }
0xb4: {  	[dreg:$0x7] =	wrdreg $0x9  }
0xb5: {  	_ =	task.clear_ibuf [dreg:s8], $0x8FFFF;
	_ =	strace $0x90000046  }
0xb6: {  	s29 =	simm.s32 $0x9;
	_ =	strace $0x80000048  }
0xb7: {  	_ =	swait.ge [sflag:s29], $0x1  }
0xb8: {  	[sflag:s29] =	ssyncadd.s32 $0xFFFFFFFF  }
0xb9: {  	_ =	strace $0x90000048  }
0xba: {  	_ =	sfence  }
0xbb: {  	s30 =	sld [smem:$0x0];
	_ =	sdelay $0x2  }
0xbc: {  	s31 =	sshll.u32 s1, $0xD;
	s1 =	sshrl.u32 s1, $0x2  }
0xbd: {  	s3 =	sand.u32 $0x4000, s31;
	s1 =	sadd.s32 s1, s30  }
0xbe: {  	s0 =	sor.u32 s3, s0;
	s1 =	sshll.u32 s1, $0x11  }
0xbf: {  	s0 =	sor.u32 s1, s0  }
0xc0: {  	s0 =	sadd.s32 $0x8F2B, s0  }
0xc1: {  	[sflag:s0] =	ssyncadd.remote.s32 $0x1  }
0xc2: {  	_ =	sfence.sel $0xFFFF  }
0xc3: {  	[dreg:$0x0] =	wrdreg $0xFFFFFFFF;
	(pc) =	sbr.abs _section_cstart, $3  }
0xc4: {  	[dreg:$0x1] =	wrdreg $0xFFFFFFFF  }
0xc5: {  	_ =	task.clear_ibuf [dreg:s8], $0x2FFFF;
	_ =	strace $0x9FFFFFFF  }
0xc6: {  	(tm) =	ssettm $0x7FFFFFFF  }
0xc7: {  	_ =	shalt  }
tec
execute0_lowered:
.L_overlay_start_1:
0x0: {  	(tag) =	ssettag $0x1  }
0x1: {  	s0 =	rddreg [dreg:$0x0]  }
0x2: {  	s1 =	rddreg [dreg:$0x1]  }
0x3: {  	s3 =	rddreg [dreg:$0x2]  }
0x4: {  	s2 =	rddreg [dreg:$0x3]  }
0x5: {  	s11 =	rddreg [dreg:$0x4]  }
0x6: {  	s4 =	srdreg.scid;
	s12 =	stileid.u32  }
0x7: {  	s31 =	simm.s32 $0x4200;
	s28 =	simm.s32 $0x80;
	s29 =	simm.s32 $0x180  }
0x8: {  	s30 =	simm.s32 $0x1;
	s5 =	sand.u32 $0x1, s4;
	s8 =	smul.u32 $0x14000, s12  }
0x9: {  	s4 =	simm.s32 $0x0;
	s15 =	sadd.s32 $0x1C00, s1;
	s9 =	smul.u32 $0xE, s12  }
0xa: {  	s16 =	sadd.s32 $0xBC00, s1;
	s6 =	sadd.s32 $0x15C00, s1;
	s10 =	smul.u32 $0x50000, s12  }
0xb: {  	p1 =	sgt.u32 s12, $0x9;
	s7 =	smul.u32 $0x140000, s5;
	[smem:$0x7FF] =	sst s4  }
0xc: {  	s19 =	ssub.s32 $0x2, s5;
	p0 =	seq.s32 s5, $0x0;
	s5 =	smul.u32 $0x2800, s5  }
0xd: {  	_ =	strace $0x80000047;
	s20 =	sshrl.u32 s19, $0x1;
	s13 =	sadd.s32 $0x920, s9  }
0xe: {  	s21 =	sshrl.u32 s10, $0x2;
	[dreg:$0x7] =	wrdreg s31;
	s7 =	sadd.s32 s8, s7  }
0xf: {  	s19 =	ssub.s32 s19, s20;
	s8 =	smul.u32 $0x92, s12;
	s20 =	sshll.u32 s12, $0xA  }
0x10: {  	s7 =	sshrl.u32 s7, $0x3;
	s5 =	sadd.s32 s20, s5;
	s19 =	smax.u32 s19, $0x1  }
0x11: {  	s1 =	sadd.s32 s7, s1;
	s7 =	simm.s32 $0x92;
	s13 =	smov.u32 @p0 s8  }
0x12: {  	s8 =	sadd.s32 s21, s2;
	s5 =	sshrl.u32 s5, $0x3;
	s21 =	simm.s32 $0x5  }
0x13: {  	s7 =	simm.s32 @!p0 $0xE;
	s9 =	sadd.s32 $0x4000, s8;
	s22 =	sadd.s32 $0x8000, s8  }
0x14: {  	s23 =	sadd.s32 $0xC000, s8;
	s24 =	sadd.s32 $0x10000, s8;
	[dreg:$0x9] =	wrdreg s9  }
0x15: {  	s14 =	sshll.u32 s13, $0x4;
	s18 =	sadd.s32 s3, s5;
	[dreg:$0xa] =	wrdreg s22  }
0x16: {  	p0 =	sne.s32 s12, $0x0;
	s5 =	simm.s32 $0x0;
	[dreg:$0xb] =	wrdreg s23  }
0x17: {  	[dreg:$0xc] =	wrdreg s24;
	s13 =	sadd.s32 s15, s14;
	s17 =	sor.u32 $0x10, s14  }
0x18: {  	s14 =	sadd.s32 s16, s14;
	s25 =	sadd.s32 $0xFFFFFFFF, s7;
	s26 =	sshll.u32 s7, $0x4  }
0x19: {  	s22 =	simm.s32 $0x1C200;
	s23 =	simm.s32 $0x100;
	s24 =	simm.s32 $0x3  }
0x1a: {  	v0 =	vlaneseq.u32;
	s15 =	sadd.s32 s15, s17;
	s16 =	sadd.s32 s16, s17;
	[dreg:$0x6] =	wrdreg s25  }
0x1b: {  	v5 =	vimm.f32 $1.000000000e+00;
	v1 =	vor.u32 $0x10, v0;
	s17 =	sadd.s32 $0x16400, s1;
	s1 =	sadd.s32 s20, s11;
	[dreg:$0x8] =	wrdreg s26  }
0x1c: {  	v2 =	vor.u32 $0x20, v0;
	v3 =	vor.u32 $0x30, v0;
	v4 =	vor.u32 $0x40, v0;
	s20 =	simm.s32 $0x200;
	s26 =	simm.s32 $0x4;
	s25 =	sshrl.u32 @!p1 s1, $0x3  }
.LBB2_1:
0x1d: {  	[tilespmem:s20], [sflag:$0x5] =	stream.linear.gather [hbm4b:s6+s4], $0x4000, $0x38;
	[tilespmem:$0x1ED00] =	vst v63  }
0x1e: {  	_ =	swait.ge [sflag:s21], $0x4000  }
0x1f: {  	[sflag:s21] =	ssyncset.done $0x0  }
0x20: {  	[sflag:s21] =	ssyncadd.s32 $0xFFFFC000  }
0x21: {  	[spmem:s8] =	stream.linear.scatter [tilespmem:s20], [sflag:$0x5], $0x4000, $0x38;
	[tilespmem:$0x1ED00] =	vst v63  }
0x22: {  	_ =	swait.ge [sflag:s21], $0x4000  }
0x23: {  	[sflag:s21] =	ssyncset.done $0x0  }
0x24: {  	s1 =	rddreg [dreg:$0x9];
	[sflag:s21] =	ssyncadd.s32 $0xFFFFC000  }
0x25: {  	[spmem:s1] =	stream.linear.scatter [tilespmem:s20], [sflag:$0x5], $0x4000, $0x38;
	[tilespmem:$0x1ED00] =	vst v63  }
0x26: {  	_ =	swait.ge [sflag:s21], $0x4000  }
0x27: {  	[sflag:s21] =	ssyncset.done $0x0  }
0x28: {  	s9 =	rddreg [dreg:$0xa];
	[sflag:s21] =	ssyncadd.s32 $0xFFFFC000  }
0x29: {  	[spmem:s9] =	stream.linear.scatter [tilespmem:s20], [sflag:$0x5], $0x4000, $0x38;
	[tilespmem:$0x1ED00] =	vst v63  }
0x2a: {  	_ =	swait.ge [sflag:s21], $0x4000  }
0x2b: {  	[sflag:s21] =	ssyncset.done $0x0  }
0x2c: {  	s10 =	rddreg [dreg:$0xb];
	[sflag:s21] =	ssyncadd.s32 $0xFFFFC000  }
0x2d: {  	[spmem:s10] =	stream.linear.scatter [tilespmem:s20], [sflag:$0x5], $0x4000, $0x38;
	[tilespmem:$0x1ED00] =	vst v63  }
0x2e: {  	_ =	swait.ge [sflag:s21], $0x4000  }
0x2f: {  	[sflag:s21] =	ssyncset.done $0x0  }
0x30: {  	s12 =	rddreg [dreg:$0xc];
	[sflag:s21] =	ssyncadd.s32 $0xFFFFC000  }
0x31: {  	[spmem:s12] =	stream.linear.scatter [tilespmem:s20], [sflag:$0x5], $0x4000, $0x38;
	[tilespmem:$0x1ED00] =	vst v63  }
0x32: {  	_ =	swait.ge [sflag:s21], $0x4000  }
0x33: {  	[sflag:s21] =	ssyncset.done $0x0  }
0x34: {  	[sflag:s21] =	ssyncadd.s32 $0xFFFFC000  }
0x35: {  	[tilespmem:s22], [sflag:$0x5] =	stream.linear.gather [hbm4b:s6+s4], $0x2800, $0x38;
	[tilespmem:$0x1ED00] =	vst v63  }
0x36: {  	_ =	swait.ge [sflag:s21], $0x2800  }
0x37: {  	[sflag:s21] =	ssyncset.done $0x0  }
0x38: {  	[sflag:s21] =	ssyncadd.s32 $0xFFFFD800  }
0x39: {  	[tilespmem:$0x1EA00] =	vst v0  }
0x3a: {  	[tilespmem:$0x1EA10] =	vst v1  }
0x3b: {  	[tilespmem:$0x1EA20] =	vst v2  }
0x3c: {  	[tilespmem:$0x1EA30] =	vst v3  }
0x3d: {  	s3 =	simm.s32 @!p0 $0x1C05;
	s1 =	sshrl.u32 @!p0 s11, $0x3;
	[tilespmem:$0x1EA40] =	vst v4  }
0x3e: {  	[spmem:s1], [sflag:s3] =	dma.local @!p0 [hbm:s6], $0x500  }
0x3f: {  	s1 =	simm.s32 @!p0 $0x5  }
0x40: {  	_ =	swait.ge @!p0 [sflag:s1], $0x500  }
0x41: {  	[sflag:s1] =	ssyncset.done @!p0 $0x0  }
0x42: {  	[sflag:s1] =	ssyncadd.s32 @!p0 $0xFFFFFB00  }
0x43: {  	[bflag:$0x0] =	sbarrier.arrive $0xFFFF  }
0x44: {  	[tilespmem:s4], [sflag:$0x3] =	stream.linear.gather [hbm4b:s13+s4], $0x80, $0x38;
	[tilespmem:$0x1ED00] =	vst v63  }
0x45: {  	_ = 	snop  }
0x46: {  	[tilespmem:s23], [sflag:$0x4] =	stream.linear.gather [hbm4b:s14+s4], $0x80, $0x38;
	[tilespmem:$0x1ED00] =	vst v63  }
0x47: {  	_ =	swait.ge [sflag:s24], $0x80  }
0x48: {  	[sflag:s24] =	ssyncset.done $0x0  }
0x49: {  	[sflag:s24] =	ssyncadd.s32 $0xFFFFFF80  }
0x4a: {  	_ =	swait.ge [sflag:s26], $0x80  }
0x4b: {  	[sflag:s26] =	ssyncset.done $0x0  }
0x4c: {  	[sflag:s26] =	ssyncadd.s32 $0xFFFFFF80  }
0x4d: {  	[tilespmem:s20], [sflag:$0x1] =	stream.indirect.gather [hbm4b:s0+s28], $0x80, s4, s28, $0xb8;
	[tilespmem:$0x1ED00] =	vst v63  }
0x4e: {  	_ = 	snop  }
0x4f: {  	[tilespmem:s28], [sflag:$0x3] =	stream.linear.gather [hbm4b:s15+s4], $0x80, $0x38;
	[tilespmem:$0x1ED00] =	vst v63  }
0x50: {  	s31 =	simm.s32 $0x0;
	s12 =	smov.u32 s11;
	s1 =	simm.s32 $0x0  }
0x51: {  	[tilespmem:s29], [sflag:$0x4] =	stream.linear.gather [hbm4b:s16+s4], $0x80, $0x38;
	[tilespmem:$0x1ED00] =	vst v63  }
.LBB2_2:
0x52: {  	_ =	swait.ge [sflag:s30], $0x4000  }
0x53: {  	s3 =	rddreg [dreg:$0x6]  }
0x54: {  	[sflag:s30] =	ssyncset.done $0x0;
	p2 =	sge.u32 s1, s3  }
0x55: {  	[sflag:s30] =	ssyncadd.s32 $0xFFFFC000;
	s3 =	simm.s32 @!p2 $0x3  }
0x56: {  	_ =	swait.ge @!p2 [sflag:s3], $0x80  }
0x57: {  	[sflag:s3] =	ssyncset.done @!p2 $0x0  }
0x58: {  	[sflag:s3] =	ssyncadd.s32 @!p2 $0xFFFFFF80;
	s3 =	simm.s32 @!p2 $0x4  }
0x59: {  	_ =	swait.ge @!p2 [sflag:s3], $0x80  }
0x5a: {  	[sflag:s3] =	ssyncset.done @!p2 $0x0  }
0x5b: {  	s9 =	simm.s32 @!p2 $0x4200;
	[sflag:s3] =	ssyncadd.s32 @!p2 $0xFFFFFF80;
	s3 =	simm.s32 @!p2 $0x80  }
0x5c: {  	[tilespmem:s9], [sflag:$0x2] =	stream.indirect.gather @!p2 [hbm4b:s0+s3], $0x80, s3, s3, $0xb8;
	[tilespmem:$0x1ED00] =	vst v63  }
0x5d: {  	v6 =	vld [tilespmem:$0x100];
	_ =	sdelay $0x7  }
0x5e: {  	[tilespmem:v6+s22+$0x0] =	vst.idx.add.f32.msk $0xffff, v5  }
0x5f: {  	v6 =	vld [tilespmem:$0x110];
	_ =	sdelay $0x7  }
0x60: {  	[tilespmem:v6+s22+$0x0] =	vst.idx.add.f32.msk $0xffff, v5  }
0x61: {  	v6 =	vld [tilespmem:$0x120];
	_ =	sdelay $0x7  }
0x62: {  	[tilespmem:v6+s22+$0x0] =	vst.idx.add.f32.msk $0xffff, v5  }
0x63: {  	v6 =	vld [tilespmem:$0x130];
	_ =	sdelay $0x7  }
0x64: {  	[tilespmem:v6+s22+$0x0] =	vst.idx.add.f32.msk $0xffff, v5  }
0x65: {  	v6 =	vld [tilespmem:$0x140];
	_ =	sdelay $0x7  }
0x66: {  	[tilespmem:v6+s22+$0x0] =	vst.idx.add.f32.msk $0xffff, v5  }
0x67: {  	v6 =	vld [tilespmem:$0x150];
	_ =	sdelay $0x7  }
0x68: {  	[tilespmem:v6+s22+$0x0] =	vst.idx.add.f32.msk $0xffff, v5  }
0x69: {  	v6 =	vld [tilespmem:$0x160];
	_ =	sdelay $0x7  }
0x6a: {  	[tilespmem:v6+s22+$0x0] =	vst.idx.add.f32.msk $0xffff, v5  }
0x6b: {  	v6 =	vld [tilespmem:$0x170];
	_ =	sdelay $0x7  }
0x6c: {  	[tilespmem:v6+s22+$0x0] =	vst.idx.add.f32.msk $0xffff, v5  }
0x6d: {  	[spmem:s2] =	stream.indirect.scatter.add.f32 [tilespmem:s20], [sflag:$0x5], $0x80, s23, s28, $0xb8;
	[tilespmem:$0x1ED00] =	vst v63  }
0x6e: {  	s3 =	sadd.s32 $0x2, s1;
	_ =	swait.ge [sflag:s21], $0x4000  }
0x6f: {  	p2 =	sge.u32 s3, s7;
	[sflag:s21] =	ssyncset.done $0x0  }
0x70: {  	s9 =	simm.s32 @p2 $0x2;
	[sflag:s21] =	ssyncadd.s32 $0xFFFFC000  }
0x71: {  	_ =	swait.ge @p2 [sflag:s9], $0x4000  }
0x72: {  	s10 =	sadd.s32 @!p2 s31, s13;
	[sflag:s9] =	ssyncset.done @p2 $0x0  }
0x73: {  	[sflag:s9] =	ssyncadd.s32 @p2 $0xFFFFC000;
	s9 =	sadd.s32 @!p2 $0x20, s10;
	s10 =	simm.s32 @!p2 $0x0  }
0x74: {  	[tilespmem:s10], [sflag:$0x3] =	stream.linear.gather @!p2 [hbm4b:s9+s10], $0x80, $0x38;
	[tilespmem:$0x1ED00] =	vst v63  }
0x75: {  	s9 =	sadd.s32 @!p2 s31, s14  }
0x76: {  	s11 =	simm.s32 @!p2 $0x100;
	s9 =	sadd.s32 @!p2 $0x20, s9  }
0x77: {  	[tilespmem:s11], [sflag:$0x4] =	stream.linear.gather @!p2 [hbm4b:s9+s10], $0x80, $0x38;
	[tilespmem:$0x1ED00] =	vst v63  }
0x78: {  	s9 =	simm.s32 @!p2 $0x2  }
0x79: {  	_ =	swait.ge @!p2 [sflag:s9], $0x4000  }
0x7a: {  	[sflag:s9] =	ssyncset.done @!p2 $0x0  }
0x7b: {  	[sflag:s9] =	ssyncadd.s32 @!p2 $0xFFFFC000;
	s9 =	simm.s32 @!p2 $0x3  }
0x7c: {  	_ =	swait.ge @!p2 [sflag:s9], $0x80  }
0x7d: {  	[sflag:s9] =	ssyncset.done @!p2 $0x0  }
0x7e: {  	[sflag:s9] =	ssyncadd.s32 @!p2 $0xFFFFFF80;
	s9 =	simm.s32 @!p2 $0x4  }
0x7f: {  	_ =	swait.ge @!p2 [sflag:s9], $0x80  }
0x80: {  	[sflag:s9] =	ssyncset.done @!p2 $0x0  }
0x81: {  	s11 =	simm.s32 @!p2 $0x200;
	[sflag:s9] =	ssyncadd.s32 @!p2 $0xFFFFFF80;
	s9 =	simm.s32 @!p2 $0x80  }
0x82: {  	[tilespmem:s11], [sflag:$0x1] =	stream.indirect.gather @!p2 [hbm4b:s0+s9], $0x80, s10, s9, $0xb8;
	[tilespmem:$0x1ED00] =	vst v63  }
0x83: {  	v6 =	vld [tilespmem:$0x180];
	_ =	sdelay $0x7  }
0x84: {  	[tilespmem:v6+s22+$0x0] =	vst.idx.add.f32.msk $0xffff, v5  }
0x85: {  	v6 =	vld [tilespmem:$0x190];
	_ =	sdelay $0x7  }
0x86: {  	[tilespmem:v6+s22+$0x0] =	vst.idx.add.f32.msk $0xffff, v5  }
0x87: {  	v6 =	vld [tilespmem:$0x1A0];
	_ =	sdelay $0x7  }
0x88: {  	[tilespmem:v6+s22+$0x0] =	vst.idx.add.f32.msk $0xffff, v5  }
0x89: {  	v6 =	vld [tilespmem:$0x1B0];
	_ =	sdelay $0x7  }
0x8a: {  	[tilespmem:v6+s22+$0x0] =	vst.idx.add.f32.msk $0xffff, v5  }
0x8b: {  	v6 =	vld [tilespmem:$0x1C0];
	_ =	sdelay $0x7  }
0x8c: {  	[tilespmem:v6+s22+$0x0] =	vst.idx.add.f32.msk $0xffff, v5  }
0x8d: {  	v6 =	vld [tilespmem:$0x1D0];
	_ =	sdelay $0x7  }
0x8e: {  	[tilespmem:v6+s22+$0x0] =	vst.idx.add.f32.msk $0xffff, v5  }
0x8f: {  	v6 =	vld [tilespmem:$0x1E0];
	_ =	sdelay $0x7  }
0x90: {  	[tilespmem:v6+s22+$0x0] =	vst.idx.add.f32.msk $0xffff, v5  }
0x91: {  	v6 =	vld [tilespmem:$0x1F0];
	_ =	sdelay $0x7  }
0x92: {  	s10 =	rddreg [dreg:$0x7];
	s11 =	sadd.s32 $0x3, s1;
	[tilespmem:v6+s22+$0x0] =	vst.idx.add.f32.msk $0xffff, v5  }
0x93: {  	[spmem:s2] =	stream.indirect.scatter.add.f32 [tilespmem:s10], [sflag:$0x5], $0x80, s29, s28, $0xb8;
	[tilespmem:$0x1ED00] =	vst v63  }
0x94: {  	p2 =	sge.u32 s11, s7;
	_ =	swait.ge [sflag:s21], $0x4000  }
0x95: {  	s1 =	sadd.s32 @!p2 s31, s13;
	s9 =	simm.s32 @!p2 $0x0;
	[sflag:s21] =	ssyncset.done $0x0  }
0x96: {  	s1 =	sadd.s32 @!p2 $0x30, s1;
	s10 =	simm.s32 @!p2 $0x80;
	[sflag:s21] =	ssyncadd.s32 $0xFFFFC000  }
0x97: {  	[tilespmem:s10], [sflag:$0x3] =	stream.linear.gather @!p2 [hbm4b:s1+s9], $0x80, $0x38;
	[tilespmem:$0x1ED00] =	vst v63  }
0x98: {  	s11 =	rddreg [dreg:$0x8];
	s1 =	sadd.s32 @!p2 s31, s14  }
0x99: {  	s10 =	simm.s32 @!p2 $0x180;
	s31 =	sadd.s32 $0x20, s31;
	s1 =	sadd.s32 @!p2 $0x30, s1  }
0x9a: {  	[tilespmem:s10], [sflag:$0x4] =	stream.linear.gather @!p2 [hbm4b:s1+s9], $0x80, $0x38;
	[tilespmem:$0x1ED00] =	vst v63  }
0x9b: {  	p2 =	sne.s32 s11, s31  }
.Ltmp0:
0x9c: {  	_ = 	snop;
	(pc) =	sbr.rel @p2 .LBB2_2-.Ltmp0, $2  }
0x9d: {  	_ =	sdelay $0x2  }
0x9e: {  	s1 =	smov.u32 s3  }
0x9f: {  	s1 =	simm.s32 $0x50;
	s3 =	simm.s32 $0x1EA00  }
0xa0: {  	[spmem:s12] =	stream.indirect.scatter.add.f32 [tilespmem:s22], [sflag:$0x5], $0x80, s3, s1, $0xb8;
	[tilespmem:$0x1ED00] =	vst v63  }
0xa1: {  	_ =	swait.ge [sflag:s21], $0x2800  }
0xa2: {  	s11 =	smov.u32 s12;
	s12 =	stileid.u32;
	[sflag:s21] =	ssyncset.done $0x0  }
0xa3: {  	s1 =	sshll.u32 s12, $0x6;
	[sflag:s21] =	ssyncadd.s32 $0xFFFFD800  }
0xa4: {  	s31 =	sshrl.u32 s8, $0x3;
	s1 =	sor.u32 $0x1C05, s1;
	[bflag:$0x0] =	sbarrier.arrive $0xFFFF  }
0xa5: {  	[hbm:s17], [sflag:s1] =	dma.local [spmem:s31], $0x2800  }
0xa6: {  	_ =	swait.ge [sflag:s21], $0x2800  }
0xa7: {  	s5 =	sadd.s32 $0x1, s5;
	[sflag:s21] =	ssyncset.done $0x0  }
0xa8: {  	p2 =	sne.s32 s5, s19;
	[sflag:s21] =	ssyncadd.s32 $0xFFFFD800  }
0xa9: {  	[hbm:s18], [sflag:s1] =	dma.local @!p1 [spmem:s25], $0x80  }
.Ltmp1:
0xaa: {  	_ = 	snop;
	(pc) =	sbr.rel @p2 .LBB2_1-.Ltmp1, $4  }
0xab: {  	s1 =	simm.s32 @!p1 $0x5  }
0xac: {  	_ =	swait.ge @!p1 [sflag:s1], $0x80  }
0xad: {  	[sflag:s1] =	ssyncset.done @!p1 $0x0  }
0xae: {  	[sflag:s1] =	ssyncadd.s32 @!p1 $0xFFFFFF80  }
0xaf: {  	_ =	sfence.sel $0x180000  }
0xb0: {  	[bflag:$0x0] =	sbarrier.arrive $0xFFFF  }
0xb1: {  	_ =	strace $0x90000047  }
0xb2: {  	[bflag:$0x2] =	sbarrier.arrive $0xFFFF  }
0xb3: {  	s0 =	rddreg [dreg:$0x5]  }
0xb4: {  	s0 =	sadd.s32 @!p0 $0x100000, s0  }
0xb5: {  	[sflag:s0] =	ssyncadd.tile.s32 @!p0 $0x1;
	_ =	shalt  }
.Lfunc_end2:
_tile_overlayer_lowered:
.L_overlay_start_2:
0xb6: {  	(tag) =	ssettag $0x2  }
0xb7: {  	s0 =	rddreg [dreg:$0x0];
	s2 =	stileid.u32  }
0xb8: {  	s1 =	rddreg [dreg:$0x1];
	p0 =	sne.s32 s2, $0x0  }
0xb9: {  	s3 =	rddreg [dreg:$0x2];
	[bflag:$0x3] =	sbarrier.arrive $0xFFFF;
	s2 =	simm.s32 @!p0 $0x1C05  }
0xba: {  	[timem:s3], [sflag:s2] =	dma.local @!p0 [hbm:s0], s1  }
0xbb: {  	s0 =	simm.s32 @!p0 $0x5  }
0xbc: {  	_ =	swait.ge @!p0 [sflag:s0], s1  }
0xbd: {  	s1 =	ssub.s32 @!p0 $0x0, s1;
	[sflag:s0] =	ssyncset.done @!p0 $0x0  }
0xbe: {  	[sflag:s0] =	ssyncadd.s32 @!p0 s1  }
0xbf: {  	[bflag:$0x3] =	sbarrier.arrive $0xFFFF  }
0xc0: {  	_ =	shalt  }

// kernel: kernel.9.cloned.1.call-start
scs
__scs_entry_jumppad:
0x0: {  	(pc) =	sbr.rel $0x88, $3  }
0x1: {  	(tag) =	ssettag $0x0;
	lr =	simm.s32 $0x1  }
0x2: {  	[smem:$0x3F99] =	sst lr;
	_ =	strace $0xD0000000  }
0x3: {  	_ = 	snop  }
0x4: {  	_ = 	snop  }
0x5: {  	_ = 	snop  }
0x6: {  	_ = 	snop  }
0x7: {  	_ = 	snop  }
__scs_overlays_trampoline_lowered:
0x8: {  	[smem:$0x3FA8] =	sst s0  }
0x9: {  	[smem:$0x3FA9] =	sst s1  }
0xa: {  	[smem:$0x3FAA] =	sst s2  }
0xb: {  	[smem:$0x3FAB] =	sst s3  }
0xc: {  	[smem:$0x3FAC] =	sst s4  }
0xd: {  	[smem:$0x3FAD] =	sst s5  }
0xe: {  	[smem:$0x3FAE] =	sst s6  }
0xf: {  	[smem:$0x3FAF] =	sst s7  }
0x10: {  	[smem:$0x3FB0] =	sst s8  }
0x11: {  	[smem:$0x3FB1] =	sst s9;
	s0 =	simm.s32 @!p0 $0x0  }
0x12: {  	s1 =	sld [smem:$0x3F97];
	s0 =	simm.s32 @p0 $0x1  }
0x13: {  	[smem:$0x3FB2] =	sst s0;
	s0 =	simm.s32 @!p1 $0x0  }
0x14: {  	s2 =	sld [smem:$0x3F96];
	s0 =	simm.s32 @p1 $0x1  }
0x15: {  	[smem:$0x3FB3] =	sst s0;
	s0 =	simm.s32 @!p2 $0x0  }
0x16: {  	s3 =	sld [smem:$0x3FDB];
	s0 =	simm.s32 @p2 $0x1  }
0x17: {  	s4 =	simm.s32 $0x1BF5;
	[smem:$0x3FB5] =	sst s0  }
0x18: {  	s0 =	sld [smem:$0x3F98];
	_ =	swait.ge [sflag:s4], $0x0  }
0x19: {  	s7 =	sld [smem:$0x3F99]  }
0x1a: {  	s8 =	sadd.s32 $0xFFFFE003, lr  }
0x1b: {  	s9 =	sadd.s32 $0xFFFFFEF7, lr;
	s5 =	simm.s32 $0xFFFFFFFF;
	p2 =	slt.u32 s8, $0xFFFFF086  }
0x1c: {  	p1 =	slt.u32 s9, $0xF7A;
	s5 =	simm.s32 @!p2 $0x0  }
0x1d: {  	s5 =	simm.s32 @p1 $0x1;
	p0 =	seq.s32 s7, s2  }
0x1e: {  	s7 =	smul.u32 @!p0 $0xF7A, s2;
	p2 =	seq.s32 @!p0 s5, $0x0  }
0x1f: {  	s9 =	smul.u32 $0xF7A, s1;
	s8 =	simm.s32 @!p0 $0x1BF5;
	p2 =	por !p2, p0  }
0x20: {  	[sflag:s8] =	ssyncset.s32 @!p0 $0xFFFFF086;
	s6 =	sadd.s32 @!p0 s3, s7;
	s7 =	simm.s32 @!p0 $0x108  }
0x21: {  	s3 =	sadd.s32 s3, s9;
	s6 =	sadd.s32 @!p0 $0x88, s6;
	s7 =	simm.s32 @p2 $0x1082  }
0x22: {  	[simem:s7], [sflag:s8] =	dma.local @!p0 [hbm:s6], $0xF7A  }
0x23: {  	s9 =	sor.u32 $0xD0000000, s2;
	s6 =	simm.s32 $0x108;
	_ =	swait.ge @!p0 [sflag:s8], $0x0  }
0x24: {  	s3 =	sadd.s32 $0x88, s3;
	s6 =	simm.s32 @!p1 $0x1082;
	[sflag:s4] =	ssyncset.s32 $0xFFFFF086  }
0x25: {  	[simem:s6], [sflag:s4] =	dma.local [hbm:s3], $0xF7A  }
0x26: {  	[smem:$0x3F99] =	sst s1;
	(tag) =	ssettag s2;
	_ =	strace s9  }
0x27: {  	s1 =	sld [smem:$0x3FA9]  }
0x28: {  	s2 =	sld [smem:$0x3FAA]  }
0x29: {  	s4 =	sld [smem:$0x3FAC]  }
0x2a: {  	p0 =	seq.s32 s5, $0x0;
	s5 =	sld [smem:$0x3FAD]  }
0x2b: {  	s6 =	sld [smem:$0x3FAE]  }
0x2c: {  	s7 =	sld [smem:$0x3FAF]  }
0x2d: {  	s3 =	simm.s32 $0x108;
	s8 =	sld [smem:$0x3FB0]  }
0x2e: {  	s3 =	simm.s32 @!p0 $0x1082;
	s9 =	sld [smem:$0x3FB1]  }
0x2f: {  	lr =	sadd.s32 s0, s3;
	s0 =	sld [smem:$0x3FA8]  }
0x30: {  	s3 =	sld [smem:$0x3FAB]  }
0x31: {  	[smem:$0x3FB4] =	sst s10  }
0x32: {  	s10 =	sld [smem:$0x3FB2];
	_ =	sdelay $0x3  }
0x33: {  	p0 =	seq.s32 s10, $0x1;
	s10 =	sld [smem:$0x3FB4];
	_ =	sdelay $0x3  }
0x34: {  	[smem:$0x3FB4] =	sst s10  }
0x35: {  	s10 =	sld [smem:$0x3FB3];
	_ =	sdelay $0x3  }
0x36: {  	p1 =	seq.s32 s10, $0x1;
	s10 =	sld [smem:$0x3FB4];
	_ =	sdelay $0x3  }
0x37: {  	[smem:$0x3FB4] =	sst s10  }
0x38: {  	s10 =	sld [smem:$0x3FB5]  }
0x39: {  	_ = 	snop;
	(pc) =	sbr.ind lr, $3  }
0x3a: {  	_ = 	snop  }
0x3b: {  	_ = 	snop  }
0x3c: {  	p2 =	seq.s32 s10, $0x1;
	s10 =	sld [smem:$0x3FB4]  }
0x3d: {  	_ =	shalt  }
0x3e: {  	_ =	shalt  }
0x3f: {  	_ =	shalt  }
0x40: {  	_ =	shalt  }
0x41: {  	_ =	shalt  }
0x42: {  	_ =	shalt  }
0x43: {  	_ =	shalt  }
0x44: {  	_ =	shalt  }
0x45: {  	_ =	shalt  }
0x46: {  	_ =	shalt  }
0x47: {  	_ =	shalt  }
0x48: {  	_ =	shalt  }
0x49: {  	_ =	shalt  }
0x4a: {  	_ =	shalt  }
0x4b: {  	_ =	shalt  }
0x4c: {  	_ =	shalt  }
0x4d: {  	_ =	shalt  }
0x4e: {  	_ =	shalt  }
0x4f: {  	_ =	shalt  }
0x50: {  	_ =	shalt  }
0x51: {  	_ =	shalt  }
0x52: {  	_ =	shalt  }
0x53: {  	_ =	shalt  }
0x54: {  	_ =	shalt  }
0x55: {  	_ =	shalt  }
0x56: {  	_ =	shalt  }
0x57: {  	_ =	shalt  }
0x58: {  	_ =	shalt  }
0x59: {  	_ =	shalt  }
0x5a: {  	_ =	shalt  }
0x5b: {  	_ =	shalt  }
0x5c: {  	_ =	shalt  }
0x5d: {  	_ =	shalt  }
0x5e: {  	_ =	shalt  }
0x5f: {  	_ =	shalt  }
0x60: {  	_ =	shalt  }
0x61: {  	_ =	shalt  }
0x62: {  	_ =	shalt  }
0x63: {  	_ =	shalt  }
0x64: {  	_ =	shalt  }
0x65: {  	_ =	shalt  }
0x66: {  	_ =	shalt  }
0x67: {  	_ =	shalt  }
0x68: {  	_ =	shalt  }
0x69: {  	_ =	shalt  }
0x6a: {  	_ =	shalt  }
0x6b: {  	_ =	shalt  }
0x6c: {  	_ =	shalt  }
0x6d: {  	_ =	shalt  }
0x6e: {  	_ =	shalt  }
0x6f: {  	_ =	shalt  }
0x70: {  	_ =	shalt  }
0x71: {  	_ =	shalt  }
0x72: {  	_ =	shalt  }
0x73: {  	_ =	shalt  }
0x74: {  	_ =	shalt  }
0x75: {  	_ =	shalt  }
0x76: {  	_ =	shalt  }
0x77: {  	_ =	shalt  }
0x78: {  	_ =	shalt  }
0x79: {  	_ =	shalt  }
0x7a: {  	_ =	shalt  }
0x7b: {  	_ =	shalt  }
0x7c: {  	_ =	shalt  }
0x7d: {  	_ =	shalt  }
0x7e: {  	_ =	shalt  }
0x7f: {  	_ =	shalt  }
0x80: {  	_ =	shalt  }
0x81: {  	_ =	shalt  }
0x82: {  	_ =	shalt  }
0x83: {  	_ =	shalt  }
0x84: {  	_ =	shalt  }
0x85: {  	_ =	shalt  }
0x86: {  	_ =	shalt  }
0x87: {  	_ =	shalt  }
.Lfunc_end0:
.L_simem_size_0:
called_computation.1_lowered:
.L_overlay_start_0:
0x88: {  	s2 =	sld [smem:$0x3FD9]  }
0x89: {  	s3 =	sld [smem:$0x3FFE];
	_ =	sdelay $0x1  }
0x8a: {  	s1 =	srdreg.scid  }
0x8b: {  	s0 =	sand.u32 $0x1, s1  }
0x8c: {  	s16 =	sshll.u32 s0, $0xA;
	s2 =	sadd.s32 s3, s2  }
0x8d: {  	s2 =	sadd.s32 s2, s16  }
0x8e: {  	[smem:$0x3FC0] =	sst s2  }
0x8f: {  	_ = 	snop  }
0x90: {  	(tm) =	ssettm $0x1  }
0x91: {  	s17 =	sld [smem:$0x3FFB];
	_ =	sdelay $0x3  }
0x92: {  	_ =	strace s17  }
0x93: {  	s2 =	sld [smem:$0x3FFC];
	_ =	sdelay $0x3  }
0x94: {  	_ =	strace s2  }
0x95: {  	s2 =	sld [smem:$0x3FFD];
	_ =	sdelay $0x3  }
0x96: {  	_ =	strace s2  }
0x97: {  	_ =	strace $0x8FFFFFFF  }
0x98: {  	s18 =	sld [smem:$0x3FDB];
	_ =	sdelay $0x1  }
0x99: {  	s19 =	simm.s32 $_scs_section_size  }
0x9a: {  	s4 =	simm.s32 $_size__tile_overlayer_lowered;
	s5 =	simm.s32 $_tile_overlayer_lowered  }
0x9b: {  	s22 =	simm.s32 $0x1BFF;
	s21 =	sshll.u32 s5, $0x1;
	s2 =	sadd.s32 s19, s18  }
0x9c: {  	s6 =	simm.s32 $0x0;
	s20 =	sshll.u32 s4, $0x1;
	s4 =	sadd.s32 s21, s2  }
0x9d: {  	[timem:s6], [sflag:s22] =	dma.local [hbm:s4], s20  }
0x9e: {  	_ =	swait.ge [sflag:s22], s20  }
0x9f: {  	s3 =	ssub.s32 $0x0, s20;
	[sflag:s22] =	ssyncset.done $0x0  }
0xa0: {  	[sflag:s22] =	ssyncadd.s32 s3;
	_ =	sdelay $0x1  }
0xa1: {  	s23 =	simm.s32 $0x1B8B  }
0xa2: {  	_ =	swait.ge [sflag:s23], $0x1  }
0xa3: {  	[sflag:s23] =	ssyncset.done $0x0  }
0xa4: {  	s25 =	simm.s32 $0x1B8E;
	s24 =	sld [smem:$0x3FFE];
	[sflag:s23] =	ssyncadd.s32 $0xFFFFFFFF  }
0xa5: {  	s26 =	simm.s32 $execute0_lowered;
	[smem:$0x3FD2] =	sst s25  }
0xa6: {  	s4 =	sshll.u32 s26, $0x1;
	_ =	strace $0x80000049;
	[dreg:$0x1] =	wrdreg $0xFFFFFFFF  }
0xa7: {  	s28 =	simm.s32 $_size_execute0_lowered;
	s2 =	sadd.s32 s2, s4;
	[dreg:$0x0] =	wrdreg $0x0  }
0xa8: {  	s4 =	sshll.u32 s28, $0x1;
	[dreg:$0x2] =	wrdreg s2  }
0xa9: {  	[dreg:$0x3] =	wrdreg s4  }
0xaa: {  	[dreg:$0x4] =	wrdreg $0xC0  }
0xab: {  	_ =	task [dreg:s6], $0x5FFFF  }
0xac: {  	[dreg:$0x1] =	wrdreg $0xFFFFFFFF  }
0xad: {  	[dreg:$0x0] =	wrdreg $0x60  }
0xae: {  	[dreg:$0x2] =	wrdreg s24  }
0xaf: {  	[dreg:$0x3] =	wrdreg $0x82000  }
0xb0: {  	[dreg:$0x4] =	wrdreg $0x9  }
0xb1: {  	_ =	task.clear_ibuf [dreg:s6], $0x5FFFF;
	_ =	strace $0x90000049  }
0xb2: {  	s29 =	simm.s32 $0x9;
	_ =	strace $0x8000004B  }
0xb3: {  	_ =	swait.ge [sflag:s29], $0x1  }
0xb4: {  	[sflag:s29] =	ssyncadd.s32 $0xFFFFFFFF  }
0xb5: {  	_ =	strace $0x9000004B  }
0xb6: {  	_ =	sfence  }
0xb7: {  	s30 =	sld [smem:$0x0];
	_ =	sdelay $0x2  }
0xb8: {  	s31 =	sshll.u32 s1, $0xD;
	s1 =	sshrl.u32 s1, $0x2  }
0xb9: {  	s3 =	sand.u32 $0x4000, s31;
	s1 =	sadd.s32 s1, s30  }
0xba: {  	s0 =	sor.u32 s3, s0;
	s1 =	sshll.u32 s1, $0x11  }
0xbb: {  	s0 =	sor.u32 s1, s0  }
0xbc: {  	s0 =	sadd.s32 $0x8F2B, s0  }
0xbd: {  	[sflag:s0] =	ssyncadd.remote.s32 $0x1  }
0xbe: {  	_ =	sfence.sel $0xFFFF  }
0xbf: {  	[dreg:$0x0] =	wrdreg $0xFFFFFFFF;
	(pc) =	sbr.abs _section_cstart, $3  }
0xc0: {  	[dreg:$0x1] =	wrdreg $0xFFFFFFFF  }
0xc1: {  	_ =	task.clear_ibuf [dreg:s6], $0x2FFFF;
	_ =	strace $0x9FFFFFFF  }
0xc2: {  	(tm) =	ssettm $0x7FFFFFFF  }
0xc3: {  	_ =	shalt  }
tec
execute0_lowered:
.L_overlay_start_1:
0x0: {  	(tag) =	ssettag $0x1  }
0x1: {  	s6 =	rddreg [dreg:$0x0]  }
0x2: {  	s2 =	rddreg [dreg:$0x1]  }
0x3: {  	s1 =	stileid.u32;
	s4 =	srdreg.scid  }
0x4: {  	s3 =	simm.s32 $0x0;
	s14 =	simm.s32 $0x5;
	s15 =	simm.s32 $0x100  }
0x5: {  	s16 =	simm.s32 $0x3;
	s17 =	simm.s32 $0x4;
	s5 =	smul.u32 $0x68, s1  }
0x6: {  	s18 =	simm.s32 $0x1;
	s20 =	simm.s32 $0xC600;
	s25 =	smul.u32 $0x38, s1  }
0x7: {  	s21 =	simm.s32 $0x0;
	s7 =	sand.u32 $0x1, s4;
	s10 =	smul.u32 $0x4400, s1  }
0x8: {  	[smem:$0x7FF] =	sst s3;
	s4 =	sadd.s32 $0x16400, s6;
	s26 =	smul.u32 $0x11000, s1  }
0x9: {  	s8 =	smul.u32 $0x44000, s7;
	p0 =	seq.s32 s7, $0x0;
	_ =	strace $0x8000004A  }
0xa: {  	s29 =	ssub.s32 $0x2, s7;
	s9 =	sadd.s32 $0x680, s25;
	s30 =	sshrl.u32 s26, $0x2  }
0xb: {  	s31 =	sshrl.u32 s29, $0x1;
	s9 =	smov.u32 @p0 s5;
	s8 =	sadd.s32 s10, s8  }
0xc: {  	s7 =	sadd.s32 s30, s2;
	s12 =	ssub.s32 s29, s31;
	s5 =	sshll.u32 s9, $0x4  }
.Ltmp0:
0xd: {  	s8 =	sshrl.u32 s8, $0x3;
	s28 =	sadd.s32 s5, s6;
	(pc) =	sbr.rel .LBB2_1-.Ltmp0, $4  }
0xe: {  	s5 =	sadd.s32 $0x15C00, s6;
	s11 =	sadd.s32 s8, s6;
	s6 =	simm.s32 $0x68  }
0xf: {  	s12 =	smax.u32 s12, $0x1;
	s8 =	sadd.s32 $0x4000, s7;
	s6 =	simm.s32 @!p0 $0x38  }
0x10: {  	s9 =	sadd.s32 $0x1C00, s28;
	s10 =	sadd.s32 $0xBC00, s28;
	s13 =	sshll.u32 s6, $0x4  }
0x11: {  	v0 =	vimm.s32 $0x0;
	v1 =	vimm.s32 $0x800;
	s11 =	sadd.s32 $0x3D600, s11;
	[dreg:$0x3] =	wrdreg s13;
	s13 =	simm.s32 $0x200  }
.LBB2_13:
0x12: {  	[sflag:s28] =	ssyncadd.s32 $0xFFFFC000  }
.LBB2_14:
0x13: {  	s21 =	sadd.s32 $0x1, s21  }
0x14: {  	s0 =	sshll.u32 s1, $0x6;
	[bflag:$0x0] =	sbarrier.arrive $0xFFFF;
	p0 =	sne.s32 s21, s12  }
.Ltmp1:
0x15: {  	s19 =	sshrl.u32 s7, $0x3;
	s0 =	sor.u32 $0x1C05, s0;
	(pc) =	sbr.rel @!p0 .LBB2_15-.Ltmp1, $4  }
0x16: {  	[hbm:s11], [sflag:s0] =	dma.local [spmem:s19], $0x880  }
0x17: {  	_ =	swait.ge [sflag:s14], $0x880  }
0x18: {  	[sflag:s14] =	ssyncset.done $0x0  }
0x19: {  	[sflag:s14] =	ssyncadd.s32 $0xFFFFF780  }
.LBB2_1:
0x1a: {  	[tilespmem:s13], [sflag:$0x5] =	stream.linear.gather [hbm4b:s5+s3], $0x4000, $0x38;
	[tilespmem:$0x16800] =	vst v63  }
0x1b: {  	_ =	swait.ge [sflag:s14], $0x4000  }
0x1c: {  	[sflag:s14] =	ssyncset.done $0x0  }
0x1d: {  	[sflag:s14] =	ssyncadd.s32 $0xFFFFC000  }
0x1e: {  	[spmem:s7] =	stream.linear.scatter [tilespmem:s13], [sflag:$0x5], $0x4000, $0x38;
	[tilespmem:$0x16800] =	vst v63  }
0x1f: {  	_ =	swait.ge [sflag:s14], $0x4000  }
0x20: {  	[sflag:s14] =	ssyncset.done $0x0  }
0x21: {  	[sflag:s14] =	ssyncadd.s32 $0xFFFFC000  }
0x22: {  	[spmem:s8] =	stream.linear.scatter [tilespmem:s13], [sflag:$0x5], $0x400, $0x38;
	[tilespmem:$0x16800] =	vst v63  }
0x23: {  	_ =	swait.ge [sflag:s14], $0x400  }
0x24: {  	[sflag:s14] =	ssyncset.done $0x0  }
0x25: {  	[sflag:s14] =	ssyncadd.s32 $0xFFFFFC00  }
0x26: {  	[bflag:$0x0] =	sbarrier.arrive $0xFFFF  }
0x27: {  	[tilespmem:s3], [sflag:$0x3] =	stream.linear.gather [hbm4b:s9+s3], $0x80, $0x38;
	[tilespmem:$0x16800] =	vst v63  }
0x28: {  	_ = 	snop  }
0x29: {  	[tilespmem:s15], [sflag:$0x4] =	stream.linear.gather [hbm4b:s10+s3], $0x80, $0x38;
	[tilespmem:$0x16800] =	vst v63  }
0x2a: {  	_ =	swait.ge [sflag:s16], $0x80  }
0x2b: {  	[sflag:s16] =	ssyncset.done $0x0  }
0x2c: {  	[sflag:s16] =	ssyncadd.s32 $0xFFFFFF80  }
0x2d: {  	p0 =	sle.u32 s6, $0x1;
	_ =	swait.ge [sflag:s17], $0x80  }
0x2e: {  	s22 =	sadd.s32 @!p0 $0x0, s9;
	s23 =	simm.s32 @!p0 $0x0;
	[sflag:s17] =	ssyncset.done $0x0  }
0x2f: {  	s24 =	simm.s32 @!p0 $0x80;
	s22 =	sadd.s32 @!p0 $0x10, s22;
	[sflag:s17] =	ssyncadd.s32 $0xFFFFFF80  }
0x30: {  	[tilespmem:s24], [sflag:$0x3] =	stream.linear.gather @!p0 [hbm4b:s22+s23], $0x80, $0x38;
	[tilespmem:$0x16800] =	vst v63  }
0x31: {  	s22 =	sadd.s32 @!p0 $0x0, s10  }
0x32: {  	s24 =	simm.s32 @!p0 $0x180;
	s22 =	sadd.s32 @!p0 $0x10, s22  }
0x33: {  	[tilespmem:s24], [sflag:$0x4] =	stream.linear.gather @!p0 [hbm4b:s22+s23], $0x80, $0x38;
	[tilespmem:$0x16800] =	vst v63  }
0x34: {  	v2 =	vld [tilespmem:$0x100];
	_ =	sdelay $0x4  }
0x35: {  	vm0 =	vlt.s32 v2, $0x800  }
0x36: {  	v3 =	vmpcnt.ones.xlane vm0;
	_ =	sdelay $0x1  }
0x37: {  	(v2sf) =	vpush v3, $0x0;
	_ =	sdelay $0x2  }
0x38: {  	v3 =	vld [tilespmem:$0x0];
	_ =	sdelay $0x4  }
0x39: {  	[tilespmem:s3+$0xC600] =	vst.msk vm0, v3  }
0x3a: {  	[tilespmem:s3+$0xFB00] =	vst.msk vm0, v2  }
0x3b: {  	v2 =	vld [tilespmem:$0x110];
	_ =	sdelay $0x1  }
0x3c: {  	v3 =	vld [tilespmem:$0x10];
	_ =	sdelay $0x2  }
0x3d: {  	vm13 =	vlt.s32 v2, $0x800;
	s24 =	spop (v2sf)  }
0x3e: {  	v4 =	vmpcnt.ones.xlane vm13;
	s22 =	sadd.s32 $0x0, s24  }
0x3f: {  	[tilespmem:s22+$0xC600] =	vst.msk vm13, v3  }
0x40: {  	(v2sf) =	vpush v4, $0x0;
	[tilespmem:s22+$0xFB00] =	vst.msk vm13, v2  }
0x41: {  	v2 =	vld [tilespmem:$0x120];
	_ =	sdelay $0x4  }
0x42: {  	vm14 =	vlt.s32 v2, $0x800  }
0x43: {  	v3 =	vmpcnt.ones.xlane vm14;
	_ =	sdelay $0x1  }
0x44: {  	(v2sf) =	vpush v3, $0x0;
	_ =	sdelay $0x2  }
0x45: {  	v3 =	vld [tilespmem:$0x20];
	_ =	sdelay $0x2  }
0x46: {  	s25 =	spop (v2sf)  }
0x47: {  	s22 =	sadd.s32 s22, s25  }
0x48: {  	[tilespmem:s22+$0xC600] =	vst.msk vm14, v3  }
0x49: {  	[tilespmem:s22+$0xFB00] =	vst.msk vm14, v2  }
0x4a: {  	v2 =	vld [tilespmem:$0x130];
	_ =	sdelay $0x1  }
0x4b: {  	v3 =	vld [tilespmem:$0x30];
	_ =	sdelay $0x2  }
0x4c: {  	vm15 =	vlt.s32 v2, $0x800;
	s26 =	spop (v2sf)  }
0x4d: {  	v57 =	vmpcnt.ones.xlane vm15;
	s22 =	sadd.s32 s22, s26  }
0x4e: {  	[tilespmem:s22+$0xC600] =	vst.msk vm15, v3  }
0x4f: {  	(v2sf) =	vpush v57, $0x0;
	[tilespmem:s22+$0xFB00] =	vst.msk vm15, v2  }
0x50: {  	v2 =	vld [tilespmem:$0x140];
	_ =	sdelay $0x4  }
0x51: {  	vm4 =	vlt.s32 v2, $0x800  }
0x52: {  	v3 =	vmpcnt.ones.xlane vm4;
	_ =	sdelay $0x1  }
0x53: {  	(v2sf) =	vpush v3, $0x0;
	_ =	sdelay $0x2  }
0x54: {  	v3 =	vld [tilespmem:$0x40];
	_ =	sdelay $0x2  }
0x55: {  	s28 =	spop (v2sf)  }
0x56: {  	s22 =	sadd.s32 s22, s28  }
0x57: {  	[tilespmem:s22+$0xC600] =	vst.msk vm4, v3  }
0x58: {  	[tilespmem:s22+$0xFB00] =	vst.msk vm4, v2  }
0x59: {  	v2 =	vld [tilespmem:$0x150];
	_ =	sdelay $0x1  }
0x5a: {  	v3 =	vld [tilespmem:$0x50];
	_ =	sdelay $0x2  }
0x5b: {  	vm5 =	vlt.s32 v2, $0x800;
	s29 =	spop (v2sf)  }
0x5c: {  	v58 =	vmpcnt.ones.xlane vm5;
	s22 =	sadd.s32 s22, s29  }
0x5d: {  	[tilespmem:s22+$0xC600] =	vst.msk vm5, v3  }
0x5e: {  	(v2sf) =	vpush v58, $0x0;
	[tilespmem:s22+$0xFB00] =	vst.msk vm5, v2  }
0x5f: {  	v2 =	vld [tilespmem:$0x160];
	_ =	sdelay $0x4  }
0x60: {  	vm6 =	vlt.s32 v2, $0x800  }
0x61: {  	v3 =	vmpcnt.ones.xlane vm6;
	_ =	sdelay $0x1  }
0x62: {  	(v2sf) =	vpush v3, $0x0;
	_ =	sdelay $0x2  }
0x63: {  	v3 =	vld [tilespmem:$0x60];
	_ =	sdelay $0x2  }
0x64: {  	s30 =	spop (v2sf)  }
0x65: {  	s22 =	sadd.s32 s22, s30  }
0x66: {  	[tilespmem:s22+$0xC600] =	vst.msk vm6, v3  }
0x67: {  	[tilespmem:s22+$0xFB00] =	vst.msk vm6, v2  }
0x68: {  	v2 =	vld [tilespmem:$0x170];
	_ =	sdelay $0x1  }
0x69: {  	v3 =	vld [tilespmem:$0x70];
	_ =	sdelay $0x2  }
0x6a: {  	vm7 =	vlt.s32 v2, $0x800;
	s31 =	spop (v2sf)  }
0x6b: {  	v59 =	vmpcnt.ones.xlane vm7;
	s22 =	sadd.s32 s22, s31  }
0x6c: {  	[tilespmem:s22+$0xC600] =	vst.msk vm7, v3  }
0x6d: {  	(v2sf) =	vpush v59, $0x0;
	[tilespmem:s22+$0xFB00] =	vst.msk vm7, v2  }
0x6e: {  	_ =	swait.ge [sflag:s16], $0x80  }
0x6f: {  	[sflag:s16] =	ssyncset.done $0x0  }
0x70: {  	p0 =	sle.u32 s6, $0x2;
	[sflag:s16] =	ssyncadd.s32 $0xFFFFFF80  }
0x71: {  	s23 =	sadd.s32 @!p0 $0x0, s9;
	_ =	swait.ge [sflag:s17], $0x80  }
0x72: {  	s23 =	sadd.s32 @!p0 $0x20, s23;
	[sflag:s17] =	ssyncset.done $0x0  }
0x73: {  	s24 =	simm.s32 @!p0 $0x0;
	s25 =	sadd.s32 @!p0 $0x0, s10;
	[sflag:s17] =	ssyncadd.s32 $0xFFFFFF80  }
0x74: {  	[tilespmem:s24], [sflag:$0x3] =	stream.linear.gather @!p0 [hbm4b:s23+s24], $0x80, $0x38;
	[tilespmem:$0x16800] =	vst v63  }
0x75: {  	s25 =	sadd.s32 @!p0 $0x20, s25;
	s23 =	simm.s32 @!p0 $0x100  }
0x76: {  	[tilespmem:s23], [sflag:$0x4] =	stream.linear.gather @!p0 [hbm4b:s25+s24], $0x80, $0x38;
	[tilespmem:$0x16800] =	vst v63  }
0x77: {  	v2 =	vld [tilespmem:$0x180];
	_ =	sdelay $0x4  }
0x78: {  	vm8 =	vlt.s32 v2, $0x800  }
0x79: {  	v3 =	vmpcnt.ones.xlane vm8;
	_ =	sdelay $0x1  }
0x7a: {  	(v2sf) =	vpush v3, $0x0;
	_ =	sdelay $0x2  }
0x7b: {  	v3 =	vld [tilespmem:$0x80];
	_ =	sdelay $0x2  }
0x7c: {  	s0 =	spop (v2sf)  }
0x7d: {  	s22 =	sadd.s32 s22, s0  }
0x7e: {  	[tilespmem:s22+$0xC600] =	vst.msk vm8, v3  }
0x7f: {  	[tilespmem:s22+$0xFB00] =	vst.msk vm8, v2  }
0x80: {  	v2 =	vld [tilespmem:$0x190];
	_ =	sdelay $0x1  }
0x81: {  	v3 =	vld [tilespmem:$0x90];
	_ =	sdelay $0x2  }
0x82: {  	vm9 =	vlt.s32 v2, $0x800;
	s19 =	spop (v2sf)  }
0x83: {  	v60 =	vmpcnt.ones.xlane vm9;
	s22 =	sadd.s32 s22, s19  }
0x84: {  	[tilespmem:s22+$0xC600] =	vst.msk vm9, v3  }
0x85: {  	(v2sf) =	vpush v60, $0x0;
	[tilespmem:s22+$0xFB00] =	vst.msk vm9, v2  }
0x86: {  	v2 =	vld [tilespmem:$0x1A0];
	_ =	sdelay $0x4  }
0x87: {  	vm10 =	vlt.s32 v2, $0x800  }
0x88: {  	v3 =	vmpcnt.ones.xlane vm10;
	_ =	sdelay $0x1  }
0x89: {  	(v2sf) =	vpush v3, $0x0;
	_ =	sdelay $0x2  }
0x8a: {  	v3 =	vld [tilespmem:$0xA0];
	_ =	sdelay $0x2  }
0x8b: {  	s24 =	spop (v2sf)  }
0x8c: {  	s22 =	sadd.s32 s22, s24  }
0x8d: {  	[tilespmem:s22+$0xC600] =	vst.msk vm10, v3  }
0x8e: {  	[tilespmem:s22+$0xFB00] =	vst.msk vm10, v2  }
0x8f: {  	v2 =	vld [tilespmem:$0x1B0];
	_ =	sdelay $0x1  }
0x90: {  	v3 =	vld [tilespmem:$0xB0];
	_ =	sdelay $0x2  }
0x91: {  	vm11 =	vlt.s32 v2, $0x800;
	s25 =	spop (v2sf)  }
0x92: {  	v61 =	vmpcnt.ones.xlane vm11;
	s22 =	sadd.s32 s22, s25  }
0x93: {  	[tilespmem:s22+$0xC600] =	vst.msk vm11, v3  }
0x94: {  	(v2sf) =	vpush v61, $0x0;
	[tilespmem:s22+$0xFB00] =	vst.msk vm11, v2  }
0x95: {  	v2 =	vld [tilespmem:$0x1C0];
	_ =	sdelay $0x4  }
0x96: {  	vm12 =	vlt.s32 v2, $0x800  }
0x97: {  	v3 =	vmpcnt.ones.xlane vm12;
	_ =	sdelay $0x1  }
0x98: {  	(v2sf) =	vpush v3, $0x0;
	_ =	sdelay $0x2  }
0x99: {  	v3 =	vld [tilespmem:$0xC0];
	_ =	sdelay $0x2  }
0x9a: {  	s26 =	spop (v2sf)  }
0x9b: {  	s22 =	sadd.s32 s22, s26  }
0x9c: {  	[tilespmem:s22+$0xC600] =	vst.msk vm12, v3  }
0x9d: {  	[tilespmem:s22+$0xFB00] =	vst.msk vm12, v2  }
0x9e: {  	v2 =	vld [tilespmem:$0x1D0];
	_ =	sdelay $0x1  }
0x9f: {  	v3 =	vld [tilespmem:$0xD0];
	_ =	sdelay $0x2  }
0xa0: {  	vm13 =	vlt.s32 v2, $0x800;
	s28 =	spop (v2sf)  }
0xa1: {  	v62 =	vmpcnt.ones.xlane vm13;
	s22 =	sadd.s32 s22, s28  }
0xa2: {  	[tilespmem:s22+$0xC600] =	vst.msk vm13, v3  }
0xa3: {  	(v2sf) =	vpush v62, $0x0;
	[tilespmem:s22+$0xFB00] =	vst.msk vm13, v2  }
0xa4: {  	v2 =	vld [tilespmem:$0x1E0];
	_ =	sdelay $0x4  }
0xa5: {  	vm14 =	vlt.s32 v2, $0x800  }
0xa6: {  	v3 =	vmpcnt.ones.xlane vm14;
	_ =	sdelay $0x1  }
0xa7: {  	(v2sf) =	vpush v3, $0x0;
	_ =	sdelay $0x2  }
0xa8: {  	v3 =	vld [tilespmem:$0xE0];
	_ =	sdelay $0x2  }
0xa9: {  	s29 =	spop (v2sf)  }
0xaa: {  	s22 =	sadd.s32 s22, s29  }
0xab: {  	[tilespmem:s22+$0xC600] =	vst.msk vm14, v3  }
0xac: {  	[tilespmem:s22+$0xFB00] =	vst.msk vm14, v2  }
0xad: {  	v2 =	vld [tilespmem:$0x1F0];
	_ =	sdelay $0x1  }
0xae: {  	s30 =	rddreg [dreg:$0x3];
	v3 =	vld [tilespmem:$0xF0]  }
0xaf: {  	p0 =	sne.s32 s30, $0x20  }
.Ltmp2:
0xb0: {  	_ = 	snop;
	(pc) =	sbr.rel @!p0 .LBB2_3-.Ltmp2, $4  }
0xb1: {  	vm15 =	vlt.s32 v2, $0x800;
	s31 =	spop (v2sf)  }
0xb2: {  	v63 =	vmpcnt.ones.xlane vm15;
	s25 =	sadd.s32 s22, s31  }
0xb3: {  	[tilespmem:s25+$0xC600] =	vst.msk vm15, v3  }
0xb4: {  	s23 =	simm.s32 $0x1;
	(v2sf) =	vpush v63, $0x0;
	s22 =	simm.s32 $0x20;
	[tilespmem:s25+$0xFB00] =	vst.msk vm15, v2  }
.LBB2_2:
0xb5: {  	_ =	sdelay $0xd  }
0xb6: {  	s26 =	spop (v2sf)  }
0xb7: {  	_ =	swait.ge [sflag:s16], $0x80  }
0xb8: {  	s23 =	sadd.s32 $0x2, s23;
	[sflag:s16] =	ssyncset.done $0x0  }
0xb9: {  	p0 =	sge.u32 s23, s6;
	[sflag:s16] =	ssyncadd.s32 $0xFFFFFF80  }
0xba: {  	s24 =	smov.u32 s22;
	s28 =	simm.s32 @!p0 $0x0;
	_ =	swait.ge [sflag:s17], $0x80  }
0xbb: {  	s25 =	sadd.s32 s25, s26;
	s26 =	sadd.s32 @!p0 s24, s9;
	[sflag:s17] =	ssyncset.done $0x0  }
0xbc: {  	s29 =	simm.s32 @!p0 $0x80;
	s26 =	sadd.s32 @!p0 $0x10, s26;
	[sflag:s17] =	ssyncadd.s32 $0xFFFFFF80  }
0xbd: {  	[tilespmem:s29], [sflag:$0x3] =	stream.linear.gather @!p0 [hbm4b:s26+s28], $0x80, $0x38;
	[tilespmem:$0x16800] =	vst v63  }
0xbe: {  	s26 =	sadd.s32 @!p0 s24, s10  }
0xbf: {  	s29 =	simm.s32 @!p0 $0x180;
	s26 =	sadd.s32 @!p0 $0x10, s26  }
0xc0: {  	[tilespmem:s29], [sflag:$0x4] =	stream.linear.gather @!p0 [hbm4b:s26+s28], $0x80, $0x38;
	[tilespmem:$0x16800] =	vst v63  }
0xc1: {  	v2 =	vld [tilespmem:$0x100];
	_ =	sdelay $0x4  }
0xc2: {  	vm0 =	vlt.s32 v2, $0x800  }
0xc3: {  	v3 =	vmpcnt.ones.xlane vm0;
	_ =	sdelay $0x1  }
0xc4: {  	(v2sf) =	vpush v3, $0x0;
	_ =	sdelay $0x1  }
0xc5: {  	v3 =	vld [tilespmem:$0x0];
	_ =	sdelay $0x4  }
0xc6: {  	[tilespmem:s25+$0xC600] =	vst.msk vm0, v3  }
0xc7: {  	[tilespmem:s25+$0xFB00] =	vst.msk vm0, v2  }
0xc8: {  	v2 =	vld [tilespmem:$0x110];
	_ =	sdelay $0x2  }
0xc9: {  	v3 =	vld [tilespmem:$0x10];
	_ =	sdelay $0x1  }
0xca: {  	vm13 =	vlt.s32 v2, $0x800  }
0xcb: {  	v4 =	vmpcnt.ones.xlane vm13;
	s31 =	spop (v2sf)  }
0xcc: {  	s25 =	sadd.s32 s25, s31  }
0xcd: {  	(v2sf) =	vpush v4, $0x0;
	[tilespmem:s25+$0xC600] =	vst.msk vm13, v3  }
0xce: {  	[tilespmem:s25+$0xFB00] =	vst.msk vm13, v2  }
0xcf: {  	v2 =	vld [tilespmem:$0x120];
	_ =	sdelay $0x4  }
0xd0: {  	vm14 =	vlt.s32 v2, $0x800  }
0xd1: {  	v3 =	vmpcnt.ones.xlane vm14;
	_ =	sdelay $0x1  }
0xd2: {  	(v2sf) =	vpush v3, $0x0;
	_ =	sdelay $0x1  }
0xd3: {  	v3 =	vld [tilespmem:$0x20];
	_ =	sdelay $0x2  }
0xd4: {  	s0 =	spop (v2sf)  }
0xd5: {  	s25 =	sadd.s32 s25, s0  }
0xd6: {  	[tilespmem:s25+$0xC600] =	vst.msk vm14, v3  }
0xd7: {  	[tilespmem:s25+$0xFB00] =	vst.msk vm14, v2  }
0xd8: {  	v2 =	vld [tilespmem:$0x130];
	_ =	sdelay $0x2  }
0xd9: {  	v3 =	vld [tilespmem:$0x30];
	_ =	sdelay $0x1  }
0xda: {  	vm15 =	vlt.s32 v2, $0x800  }
0xdb: {  	v57 =	vmpcnt.ones.xlane vm15;
	s19 =	spop (v2sf)  }
0xdc: {  	s25 =	sadd.s32 s25, s19  }
0xdd: {  	(v2sf) =	vpush v57, $0x0;
	[tilespmem:s25+$0xC600] =	vst.msk vm15, v3  }
0xde: {  	[tilespmem:s25+$0xFB00] =	vst.msk vm15, v2  }
0xdf: {  	v2 =	vld [tilespmem:$0x140];
	_ =	sdelay $0x4  }
0xe0: {  	vm4 =	vlt.s32 v2, $0x800  }
0xe1: {  	v58 =	vmpcnt.ones.xlane vm4;
	_ =	sdelay $0x1  }
0xe2: {  	(v2sf) =	vpush v58, $0x0;
	_ =	sdelay $0x1  }
0xe3: {  	v3 =	vld [tilespmem:$0x40];
	_ =	sdelay $0x2  }
0xe4: {  	s28 =	spop (v2sf)  }
0xe5: {  	s25 =	sadd.s32 s25, s28  }
0xe6: {  	[tilespmem:s25+$0xC600] =	vst.msk vm4, v3  }
0xe7: {  	[tilespmem:s25+$0xFB00] =	vst.msk vm4, v2  }
0xe8: {  	v2 =	vld [tilespmem:$0x150];
	_ =	sdelay $0x2  }
0xe9: {  	v3 =	vld [tilespmem:$0x50];
	_ =	sdelay $0x1  }
0xea: {  	vm5 =	vlt.s32 v2, $0x800  }
0xeb: {  	v59 =	vmpcnt.ones.xlane vm5;
	s29 =	spop (v2sf)  }
0xec: {  	s25 =	sadd.s32 s25, s29  }
0xed: {  	(v2sf) =	vpush v59, $0x0;
	[tilespmem:s25+$0xC600] =	vst.msk vm5, v3  }
0xee: {  	[tilespmem:s25+$0xFB00] =	vst.msk vm5, v2  }
0xef: {  	v2 =	vld [tilespmem:$0x160];
	_ =	sdelay $0x4  }
0xf0: {  	vm6 =	vlt.s32 v2, $0x800  }
0xf1: {  	v60 =	vmpcnt.ones.xlane vm6;
	_ =	sdelay $0x1  }
0xf2: {  	(v2sf) =	vpush v60, $0x0;
	_ =	sdelay $0x1  }
0xf3: {  	v3 =	vld [tilespmem:$0x60];
	_ =	sdelay $0x2  }
0xf4: {  	s30 =	spop (v2sf)  }
0xf5: {  	s25 =	sadd.s32 s25, s30  }
0xf6: {  	[tilespmem:s25+$0xC600] =	vst.msk vm6, v3  }
0xf7: {  	[tilespmem:s25+$0xFB00] =	vst.msk vm6, v2  }
0xf8: {  	v2 =	vld [tilespmem:$0x170];
	_ =	sdelay $0x2  }
0xf9: {  	v3 =	vld [tilespmem:$0x70];
	_ =	sdelay $0x1  }
0xfa: {  	vm7 =	vlt.s32 v2, $0x800  }
0xfb: {  	v61 =	vmpcnt.ones.xlane vm7;
	s31 =	spop (v2sf)  }
0xfc: {  	s25 =	sadd.s32 s25, s31  }
0xfd: {  	(v2sf) =	vpush v61, $0x0;
	[tilespmem:s25+$0xC600] =	vst.msk vm7, v3  }
0xfe: {  	[tilespmem:s25+$0xFB00] =	vst.msk vm7, v2  }
0xff: {  	_ =	swait.ge [sflag:s16], $0x80  }
0x100: {  	[sflag:s16] =	ssyncset.done $0x0  }
0x101: {  	s0 =	sadd.s32 $0x1, s23;
	[sflag:s16] =	ssyncadd.s32 $0xFFFFFF80  }
0x102: {  	p1 =	sge.u32 s0, s6;
	_ =	swait.ge [sflag:s17], $0x80  }
0x103: {  	s26 =	sadd.s32 @!p1 s24, s9;
	s24 =	sadd.s32 @!p1 s24, s10;
	[sflag:s17] =	ssyncset.done $0x0  }
0x104: {  	s26 =	sadd.s32 @!p1 $0x20, s26;
	s28 =	simm.s32 @!p1 $0x0;
	[sflag:s17] =	ssyncadd.s32 $0xFFFFFF80  }
0x105: {  	[tilespmem:s28], [sflag:$0x3] =	stream.linear.gather @!p1 [hbm4b:s26+s28], $0x80, $0x38;
	[tilespmem:$0x16800] =	vst v63  }
0x106: {  	s24 =	sadd.s32 @!p1 $0x20, s24;
	s30 =	simm.s32 @!p1 $0x100  }
0x107: {  	[tilespmem:s30], [sflag:$0x4] =	stream.linear.gather @!p1 [hbm4b:s24+s28], $0x80, $0x38;
	[tilespmem:$0x16800] =	vst v63  }
0x108: {  	v2 =	vld [tilespmem:$0x180]  }
0x109: {  	v3 =	vld [tilespmem:$0x80];
	_ =	sdelay $0x2  }
0x10a: {  	s31 =	spop (v2sf)  }
0x10b: {  	s24 =	sadd.s32 s25, s31;
	vm8 =	vlt.s32 v2, $0x800  }
0x10c: {  	[tilespmem:s24+$0xC600] =	vst.msk vm8, v3;
	v3 =	vmpcnt.ones.xlane vm8  }
0x10d: {  	[tilespmem:s24+$0xFB00] =	vst.msk vm8, v2  }
0x10e: {  	v2 =	vld [tilespmem:$0x190];
	(v2sf) =	vpush v3, $0x0;
	_ =	sdelay $0x4  }
0x10f: {  	vm9 =	vlt.s32 v2, $0x800  }
0x110: {  	v3 =	vmpcnt.ones.xlane vm9;
	_ =	sdelay $0x1  }
0x111: {  	(v2sf) =	vpush v3, $0x0;
	_ =	sdelay $0x3  }
0x112: {  	v3 =	vld [tilespmem:$0x90];
	_ =	sdelay $0x2  }
0x113: {  	s0 =	spop (v2sf)  }
0x114: {  	s24 =	sadd.s32 s24, s0  }
0x115: {  	[tilespmem:s24+$0xC600] =	vst.msk vm9, v3  }
0x116: {  	[tilespmem:s24+$0xFB00] =	vst.msk vm9, v2  }
0x117: {  	v2 =	vld [tilespmem:$0x1A0]  }
0x118: {  	v3 =	vld [tilespmem:$0xA0];
	_ =	sdelay $0x1  }
0x119: {  	s22 =	sadd.s32 $0x20, s22;
	s19 =	rddreg [dreg:$0x3]  }
0x11a: {  	p0 =	sne.s32 s19, s22;
	s19 =	spop (v2sf)  }
0x11b: {  	s24 =	sadd.s32 s24, s19;
	vm10 =	vlt.s32 v2, $0x800  }
0x11c: {  	[tilespmem:s24+$0xC600] =	vst.msk vm10, v3;
	v3 =	vmpcnt.ones.xlane vm10  }
0x11d: {  	[tilespmem:s24+$0xFB00] =	vst.msk vm10, v2  }
0x11e: {  	v2 =	vld [tilespmem:$0x1B0];
	(v2sf) =	vpush v3, $0x0;
	_ =	sdelay $0x4  }
0x11f: {  	vm11 =	vlt.s32 v2, $0x800  }
0x120: {  	v3 =	vmpcnt.ones.xlane vm11;
	_ =	sdelay $0x1  }
0x121: {  	(v2sf) =	vpush v3, $0x0;
	_ =	sdelay $0x3  }
0x122: {  	v3 =	vld [tilespmem:$0xB0];
	_ =	sdelay $0x2  }
0x123: {  	s26 =	spop (v2sf)  }
0x124: {  	s24 =	sadd.s32 s24, s26  }
0x125: {  	[tilespmem:s24+$0xC600] =	vst.msk vm11, v3  }
0x126: {  	[tilespmem:s24+$0xFB00] =	vst.msk vm11, v2  }
0x127: {  	v2 =	vld [tilespmem:$0x1C0]  }
0x128: {  	v3 =	vld [tilespmem:$0xC0];
	_ =	sdelay $0x2  }
0x129: {  	s28 =	spop (v2sf)  }
0x12a: {  	s24 =	sadd.s32 s24, s28;
	vm12 =	vlt.s32 v2, $0x800  }
0x12b: {  	[tilespmem:s24+$0xC600] =	vst.msk vm12, v3;
	v3 =	vmpcnt.ones.xlane vm12  }
0x12c: {  	[tilespmem:s24+$0xFB00] =	vst.msk vm12, v2  }
0x12d: {  	v2 =	vld [tilespmem:$0x1D0];
	(v2sf) =	vpush v3, $0x0;
	_ =	sdelay $0x4  }
0x12e: {  	vm13 =	vlt.s32 v2, $0x800  }
0x12f: {  	v62 =	vmpcnt.ones.xlane vm13;
	_ =	sdelay $0x1  }
0x130: {  	(v2sf) =	vpush v62, $0x0;
	_ =	sdelay $0x3  }
0x131: {  	v3 =	vld [tilespmem:$0xD0];
	_ =	sdelay $0x2  }
0x132: {  	s29 =	spop (v2sf)  }
0x133: {  	s24 =	sadd.s32 s24, s29  }
0x134: {  	[tilespmem:s24+$0xC600] =	vst.msk vm13, v3  }
0x135: {  	[tilespmem:s24+$0xFB00] =	vst.msk vm13, v2  }
0x136: {  	v2 =	vld [tilespmem:$0x1E0]  }
0x137: {  	v3 =	vld [tilespmem:$0xE0];
	_ =	sdelay $0x2  }
0x138: {  	s30 =	spop (v2sf)  }
0x139: {  	s24 =	sadd.s32 s24, s30;
	vm14 =	vlt.s32 v2, $0x800  }
0x13a: {  	[tilespmem:s24+$0xC600] =	vst.msk vm14, v3;
	v3 =	vmpcnt.ones.xlane vm14;
	_ =	sdelay $0x1  }
0x13b: {  	(v2sf) =	vpush v3, $0x0;
	_ =	sdelay $0x8  }
0x13c: {  	[tilespmem:s24+$0xFB00] =	vst.msk vm14, v2  }
0x13d: {  	v2 =	vld [tilespmem:$0x1F0];
	_ =	sdelay $0x1  }
0x13e: {  	v3 =	vld [tilespmem:$0xF0];
	_ =	sdelay $0x1  }
.Ltmp3:
0x13f: {  	_ = 	snop;
	(pc) =	sbr.rel @p0 .LBB2_2-.Ltmp3, $4  }
0x140: {  	vm15 =	vlt.s32 v2, $0x800;
	s31 =	spop (v2sf)  }
0x141: {  	v63 =	vmpcnt.ones.xlane vm15;
	s25 =	sadd.s32 s24, s31  }
0x142: {  	[tilespmem:s25+$0xC600] =	vst.msk vm15, v3  }
0x143: {  	(v2sf) =	vpush v63, $0x0;
	[tilespmem:s25+$0xFB00] =	vst.msk vm15, v2  }
.LBB2_3:
0x144: {  	_ =	sdelay $0xd  }
0x145: {  	s22 =	spop (v2sf)  }
0x146: {  	s23 =	sadd.s32 s25, s22  }
0x147: {  	[tilespmem:s23+$0xC600] =	vst v0  }
0x148: {  	[tilespmem:s23+$0xFB00] =	vst v1  }
0x149: {  	[tilespmem:s23+$0xC610] =	vst v0  }
0x14a: {  	[tilespmem:s23+$0xFB10] =	vst v1;
	s22 =	sadd.s32 $0x7F, s23  }
0x14b: {  	[tilespmem:s23+$0xC620] =	vst v0;
	s24 =	sand.u32 $0x7F, s22  }
0x14c: {  	[tilespmem:s23+$0xFB20] =	vst v1;
	s31 =	sshra.s32 s22, $0x1F;
	p1 =	slt.s32 s22, $0x1;
	p0 =	sne.s32 s24, $0x0  }
0x14d: {  	[tilespmem:s23+$0xC630] =	vst v0;
	s24 =	sshrl.u32 s31, $0x19;
	p0 =	por !p1, !p0  }
0x14e: {  	[tilespmem:s23+$0xFB30] =	vst v1;
	s22 =	sadd.s32 s24, s22;
	s24 =	simm.s32 $0x1;
	p0 =	por !p0, !p0  }
0x14f: {  	[tilespmem:s23+$0xC640] =	vst v0;
	s22 =	sshra.s32 s22, $0x7;
	s24 =	simm.s32 @!p0 $0x0  }
0x150: {  	[tilespmem:s23+$0xFB40] =	vst v1;
	s22 =	ssub.s32 s22, s24  }
0x151: {  	[tilespmem:s23+$0xC650] =	vst v0;
	p0 =	slt.s32 s22, $0x1  }
.Ltmp4:
0x152: {  	[tilespmem:s23+$0xFB50] =	vst v1;
	(pc) =	sbr.rel @p0 .LBB2_10-.Ltmp4, $4  }
0x153: {  	[tilespmem:s23+$0xC660] =	vst v0  }
0x154: {  	[tilespmem:s23+$0xFB60] =	vst v1  }
0x155: {  	[tilespmem:s23+$0xC670] =	vst v0  }
0x156: {  	[tilespmem:s23+$0xFB70] =	vst v1  }
0x157: {  	p1 =	sne.s32 s22, $0x1  }
.Ltmp5:
0x158: {  	_ = 	snop;
	(pc) =	sbr.rel @!p1 .LBB2_5-.Ltmp5, $3  }
0x159: {  	_ =	sdelay $0x1  }
0x15a: {  	s24 =	simm.s32 $0xFB40  }
0x15b: {  	s23 =	simm.s32 $0x13040;
	s25 =	sadd.s32 $0xFFFFFFFF, s22;
	p0 =	por $0x0, $0x0;
	v2 =	vld [tilespmem:s24+$0xFFFFFFC0]  }
0x15c: {  	_ =	sdelay $0x3  }
0x15d: {  	[tilespmem:s23+$0xFFFFFFC0] =	vst v2  }
0x15e: {  	v2 =	vld [tilespmem:s24+$0xFFFFFFD0];
	_ =	sdelay $0x4  }
0x15f: {  	[tilespmem:s23+$0xFFFFFFD0] =	vst v2  }
0x160: {  	v2 =	vld [tilespmem:s24+$0xFFFFFFE0];
	_ =	sdelay $0x4  }
0x161: {  	[tilespmem:s23+$0xFFFFFFE0] =	vst v2  }
0x162: {  	v2 =	vld [tilespmem:s24+$0xFFFFFFF0];
	_ =	sdelay $0x4  }
0x163: {  	[tilespmem:s23+$0xFFFFFFF0] =	vst v2  }
0x164: {  	v2 =	vld [tilespmem:s24+$0x0];
	_ =	sdelay $0x4  }
0x165: {  	[tilespmem:s23+$0x0] =	vst v2  }
0x166: {  	v2 =	vld [tilespmem:s24+$0x10];
	_ =	sdelay $0x4  }
0x167: {  	[tilespmem:s23+$0x10] =	vst v2  }
0x168: {  	v2 =	vld [tilespmem:s24+$0x20];
	_ =	sdelay $0x4  }
0x169: {  	[tilespmem:s23+$0x20] =	vst v2  }
0x16a: {  	v2 =	vld [tilespmem:s24+$0x30]  }
0x16b: {  	p1 =	sne.s32 s25, $0x1  }
.Ltmp6:
0x16c: {  	_ = 	snop;
	(pc) =	sbr.rel @!p1 .LBB2_7-.Ltmp6, $3  }
0x16d: {  	_ =	sdelay $0x1  }
0x16e: {  	s24 =	simm.s32 $0xFBC0;
	[tilespmem:s23+$0x30] =	vst v2  }
0x16f: {  	s26 =	sadd.s32 $0xFFFFFFFF, s25;
	p0 =	por $0x1, $0x1;
	s25 =	simm.s32 $0x13040;
	v2 =	vld [tilespmem:s24+$0xFFFFFFC0]  }
.LBB2_8:
0x170: {  	p1 =	sne.s32 s26, $0x1;
	_ =	sdelay $0x2  }
0x171: {  	s25 =	sadd.s32 $0x80, s25  }
0x172: {  	[tilespmem:s25+$0xFFFFFFC0] =	vst v2  }
0x173: {  	v2 =	vld [tilespmem:s24+$0xFFFFFFD0];
	_ =	sdelay $0x4  }
0x174: {  	[tilespmem:s25+$0xFFFFFFD0] =	vst v2  }
0x175: {  	v2 =	vld [tilespmem:s24+$0xFFFFFFE0];
	_ =	sdelay $0x4  }
0x176: {  	[tilespmem:s25+$0xFFFFFFE0] =	vst v2  }
0x177: {  	v2 =	vld [tilespmem:s24+$0xFFFFFFF0];
	_ =	sdelay $0x4  }
0x178: {  	[tilespmem:s25+$0xFFFFFFF0] =	vst v2  }
0x179: {  	v2 =	vld [tilespmem:s24+$0x0];
	_ =	sdelay $0x4  }
0x17a: {  	[tilespmem:s25+$0x0] =	vst v2  }
0x17b: {  	v2 =	vld [tilespmem:s24+$0x10];
	_ =	sdelay $0x4  }
0x17c: {  	[tilespmem:s25+$0x10] =	vst v2  }
0x17d: {  	v2 =	vld [tilespmem:s24+$0x20];
	_ =	sdelay $0x4  }
0x17e: {  	[tilespmem:s25+$0x20] =	vst v2  }
0x17f: {  	v2 =	vld [tilespmem:s24+$0x30];
	_ =	sdelay $0x1  }
.Ltmp7:
0x180: {  	(pc) =	sbr.rel @p1 .LBB2_8-.Ltmp7, $3  }
0x181: {  	_ =	sdelay $0x1  }
0x182: {  	s24 =	sadd.s32 $0x80, s24;
	[tilespmem:s25+$0x30] =	vst v2  }
0x183: {  	s26 =	sadd.s32 $0xFFFFFFFF, s26;
	v2 =	vld [tilespmem:s24+$0xFFFFFFC0]  }
.LBB2_9:
0x184: {  	_ =	sdelay $0x1  }
0x185: {  	s25 =	sadd.s32 @p0 $0x80, s25  }
0x186: {  	s23 =	smov.u32 @p0 s25  }
0x187: {  	[tilespmem:s23+$0xFFFFFFC0] =	vst v2  }
0x188: {  	v2 =	vld [tilespmem:s24+$0xFFFFFFD0];
	_ =	sdelay $0x4  }
0x189: {  	[tilespmem:s23+$0xFFFFFFD0] =	vst v2  }
0x18a: {  	v2 =	vld [tilespmem:s24+$0xFFFFFFE0];
	_ =	sdelay $0x4  }
0x18b: {  	[tilespmem:s23+$0xFFFFFFE0] =	vst v2  }
0x18c: {  	v2 =	vld [tilespmem:s24+$0xFFFFFFF0];
	_ =	sdelay $0x4  }
0x18d: {  	[tilespmem:s23+$0xFFFFFFF0] =	vst v2  }
0x18e: {  	v2 =	vld [tilespmem:s24+$0x0];
	_ =	sdelay $0x4  }
0x18f: {  	[tilespmem:s23+$0x0] =	vst v2  }
0x190: {  	v2 =	vld [tilespmem:s24+$0x10];
	_ =	sdelay $0x4  }
0x191: {  	[tilespmem:s23+$0x10] =	vst v2  }
0x192: {  	v2 =	vld [tilespmem:s24+$0x20];
	_ =	sdelay $0x4  }
0x193: {  	[tilespmem:s23+$0x20] =	vst v2  }
0x194: {  	v2 =	vld [tilespmem:s24+$0x30];
	_ =	sdelay $0x4  }
0x195: {  	s0 =	simm.s32 $0x80;
	[tilespmem:s23+$0x30] =	vst v2  }
0x196: {  	[tilespmem:s13], [sflag:$0x1] =	stream.indirect.gather [hbm4b:s4+s0], $0x80, s20, s0, $0xb8;
	[tilespmem:$0x16800] =	vst v63  }
.LBB2_10:
0x197: {  	s23 =	sadd.s32 $0x1, s22  }
0x198: {  	s24 =	sand.u32 $0x1, s23  }
0x199: {  	p0 =	slt.s32 s22, $0x0;
	p1 =	seq.s32 s24, $0x1  }
0x19a: {  	s31 =	sshrl.u32 s23, $0x1F;
	p0 =	por !p0, !p1  }
0x19b: {  	s23 =	sadd.s32 s31, s23;
	s24 =	simm.s32 $0x1;
	p0 =	por !p0, !p0  }
0x19c: {  	s23 =	sshra.s32 s23, $0x1;
	s24 =	simm.s32 @!p0 $0x0  }
0x19d: {  	s24 =	ssub.s32 s23, s24  }
0x19e: {  	p0 =	slt.s32 s24, $0x1  }
.Ltmp8:
0x19f: {  	_ = 	snop;
	(pc) =	sbr.rel @p0 .LBB2_14-.Ltmp8, $1  }
0x1a0: {  	_ =	sdelay $0x3  }
0x1a1: {  	_ =	swait.ge [sflag:s18], $0x4000  }
0x1a2: {  	s23 =	simm.s32 $0x13000;
	p0 =	sle.s32 s22, $0x1;
	[sflag:s18] =	ssyncset.done $0x0  }
0x1a3: {  	s25 =	simm.s32 @p0 $0x80;
	s26 =	simm.s32 @p0 $0x200;
	[sflag:s18] =	ssyncadd.s32 $0xFFFFC000  }
0x1a4: {  	[spmem:s2] =	stream.indirect.scatter.add.f32 @p0 [tilespmem:s26], [sflag:$0x6], $0x80, s23, s25, $0xb8;
	[tilespmem:$0x16800] =	vst v63  }
0x1a5: {  	s29 =	simm.s32 @!p0 $0x4200;
	s25 =	simm.s32 $0xC680;
	s26 =	simm.s32 @!p0 $0x80  }
0x1a6: {  	[tilespmem:s29], [sflag:$0x2] =	stream.indirect.gather @!p0 [hbm4b:s4+s26], $0x80, s25, s26, $0xb8;
	[tilespmem:$0x16800] =	vst v63  }
0x1a7: {  	s28 =	simm.s32 @!p0 $0x6;
	s25 =	simm.s32 @!p0 $0x200  }
0x1a8: {  	[spmem:s2] =	stream.indirect.scatter.add.f32 @!p0 [tilespmem:s25], [sflag:$0x6], $0x80, s23, s26, $0xb8;
	[tilespmem:$0x16800] =	vst v63  }
0x1a9: {  	_ =	swait.ge @!p0 [sflag:s28], $0x4000  }
0x1aa: {  	[sflag:s28] =	ssyncset.done @!p0 $0x0  }
0x1ab: {  	p1 =	sle.s32 @!p0 s22, $0x2;
	s25 =	simm.s32 @!p0 $0x2;
	[sflag:s28] =	ssyncadd.s32 @!p0 $0xFFFFC000  }
0x1ac: {  	p1 =	por p1, p0;
	_ =	swait.ge @!p0 [sflag:s25], $0x4000  }
0x1ad: {  	s30 =	simm.s32 @!p1 $0x200;
	[sflag:s25] =	ssyncset.done @!p0 $0x0  }
0x1ae: {  	s31 =	simm.s32 @!p1 $0x80;
	[sflag:s25] =	ssyncadd.s32 @!p0 $0xFFFFC000;
	s25 =	simm.s32 @!p1 $0xC700  }
0x1af: {  	[tilespmem:s30], [sflag:$0x1] =	stream.indirect.gather @!p1 [hbm4b:s4+s31], $0x80, s25, s31, $0xb8;
	[tilespmem:$0x16800] =	vst v63  }
0x1b0: {  	s24 =	sadd.s32 $0xFFFFFFFF, s24;
	s28 =	simm.s32 @!p0 $0x5;
	s25 =	simm.s32 @!p0 $0x13080  }
0x1b1: {  	[spmem:s2] =	stream.indirect.scatter.add.f32 @!p0 [tilespmem:s29], [sflag:$0x5], $0x80, s25, s26, $0xb8;
	[tilespmem:$0x16800] =	vst v63  }
0x1b2: {  	s28 =	simm.s32 @p0 $0x6;
	p0 =	sne.s32 s24, $0x0  }
.Ltmp9:
0x1b3: {  	_ = 	snop;
	(pc) =	sbr.rel @!p0 .LBB2_13-.Ltmp9, $3  }
0x1b4: {  	_ =	sdelay $0x1  }
0x1b5: {  	_ =	swait.ge [sflag:s28], $0x4000  }
0x1b6: {  	s25 =	simm.s32 $0xC780;
	s26 =	simm.s32 $0x3;
	[sflag:s28] =	ssyncset.done $0x0  }
.LBB2_12:
0x1b7: {  	s24 =	sadd.s32 $0xFFFFFFFF, s24;
	[sflag:s28] =	ssyncadd.s32 $0xFFFFC000;
	s23 =	sadd.s32 $0x100, s23  }
0x1b8: {  	p0 =	sne.s32 s24, $0x0  }
0x1b9: {  	_ =	swait.ge [sflag:s18], $0x4000  }
0x1ba: {  	p1 =	sge.s32 s26, s22;
	[sflag:s18] =	ssyncset.done $0x0  }
0x1bb: {  	s28 =	simm.s32 @p1 $0x80;
	s29 =	simm.s32 @p1 $0x200;
	[sflag:s18] =	ssyncadd.s32 $0xFFFFC000  }
0x1bc: {  	[spmem:s2] =	stream.indirect.scatter.add.f32 @p1 [tilespmem:s29], [sflag:$0x6], $0x80, s23, s28, $0xb8;
	[tilespmem:$0x16800] =	vst v63  }
0x1bd: {  	s30 =	simm.s32 @!p1 $0x4200;
	s29 =	simm.s32 @!p1 $0x80;
	s28 =	sadd.s32 @!p1 $0x1, s26  }
0x1be: {  	[tilespmem:s30], [sflag:$0x2] =	stream.indirect.gather @!p1 [hbm4b:s4+s29], $0x80, s25, s29, $0xb8;
	[tilespmem:$0x16800] =	vst v63  }
0x1bf: {  	s31 =	simm.s32 @!p1 $0x200;
	s0 =	simm.s32 @!p1 $0x6;
	p2 =	sge.s32 @!p1 s28, s22  }
0x1c0: {  	[spmem:s2] =	stream.indirect.scatter.add.f32 @!p1 [tilespmem:s31], [sflag:$0x6], $0x80, s23, s29, $0xb8;
	[tilespmem:$0x16800] =	vst v63  }
0x1c1: {  	s28 =	simm.s32 @!p1 $0x5;
	p2 =	por p2, p1;
	_ =	swait.ge @!p1 [sflag:s0], $0x4000  }
0x1c2: {  	[sflag:s0] =	ssyncset.done @!p1 $0x0  }
0x1c3: {  	[sflag:s0] =	ssyncadd.s32 @!p1 $0xFFFFC000;
	s0 =	simm.s32 @!p1 $0x2  }
0x1c4: {  	_ =	swait.ge @!p1 [sflag:s0], $0x4000  }
0x1c5: {  	s31 =	simm.s32 @!p2 $0x200;
	[sflag:s0] =	ssyncset.done @!p1 $0x0  }
0x1c6: {  	s19 =	simm.s32 @!p2 $0x80;
	[sflag:s0] =	ssyncadd.s32 @!p1 $0xFFFFC000;
	s0 =	sadd.s32 @!p2 $0x80, s25  }
0x1c7: {  	[tilespmem:s31], [sflag:$0x1] =	stream.indirect.gather @!p2 [hbm4b:s4+s19], $0x80, s0, s19, $0xb8;
	[tilespmem:$0x16800] =	vst v63  }
.Ltmp10:
0x1c8: {  	_ = 	snop;
	(pc) =	sbr.rel @p0 .LBB2_12-.Ltmp10, $4  }
0x1c9: {  	s28 =	simm.s32 @p1 $0x6;
	s0 =	sadd.s32 @!p1 $0x80, s23  }
0x1ca: {  	[spmem:s2] =	stream.indirect.scatter.add.f32 @!p1 [tilespmem:s30], [sflag:$0x5], $0x80, s0, s29, $0xb8;
	[tilespmem:$0x16800] =	vst v63  }
0x1cb: {  	_ =	swait.ge [sflag:s28], $0x4000  }
0x1cc: {  	s26 =	sadd.s32 $0x2, s26;
	s25 =	sadd.s32 $0x100, s25;
	[sflag:s28] =	ssyncset.done $0x0  }
.Ltmp11:
0x1cd: {  	_ = 	snop;
	(pc) =	sbr.rel .LBB2_13-.Ltmp11, $1  }
0x1ce: {  	_ =	sdelay $0x3  }
.LBB2_5:
.Ltmp12:
0x1cf: {  	(pc) =	sbr.rel .LBB2_9-.Ltmp12, $2  }
0x1d0: {  	_ =	sdelay $0x2  }
0x1d1: {  	s25 =	simm.s32 $0x13040  }
.LBB2_7:
.Ltmp13:
0x1d2: {  	(pc) =	sbr.rel .LBB2_9-.Ltmp13, $2  }
0x1d3: {  	_ =	sdelay $0x2  }
0x1d4: {  	s25 =	simm.s32 $0x13040  }
.LBB2_15:
0x1d5: {  	_ =	sfence.sel $0x180000  }
0x1d6: {  	[bflag:$0x0] =	sbarrier.arrive $0xFFFF  }
0x1d7: {  	_ =	strace $0x9000004A  }
0x1d8: {  	[bflag:$0x2] =	sbarrier.arrive $0xFFFF  }
0x1d9: {  	p0 =	sne.s32 s1, $0x0;
	s0 =	rddreg [dreg:$0x2]  }
0x1da: {  	s0 =	sadd.s32 @!p0 $0x100000, s0  }
0x1db: {  	[sflag:s0] =	ssyncadd.tile.s32 @!p0 $0x1;
	_ =	shalt  }
.Lfunc_end2:
_tile_overlayer_lowered:
.L_overlay_start_2:
0x1dc: {  	(tag) =	ssettag $0x2  }
0x1dd: {  	s0 =	rddreg [dreg:$0x0];
	s2 =	stileid.u32  }
0x1de: {  	s1 =	rddreg [dreg:$0x1];
	p0 =	sne.s32 s2, $0x0  }
0x1df: {  	s3 =	rddreg [dreg:$0x2];
	[bflag:$0x3] =	sbarrier.arrive $0xFFFF;
	s2 =	simm.s32 @!p0 $0x1C05  }
0x1e0: {  	[timem:s3], [sflag:s2] =	dma.local @!p0 [hbm:s0], s1  }
0x1e1: {  	s0 =	simm.s32 @!p0 $0x5  }
0x1e2: {  	_ =	swait.ge @!p0 [sflag:s0], s1  }
0x1e3: {  	s1 =	ssub.s32 @!p0 $0x0, s1;
	[sflag:s0] =	ssyncset.done @!p0 $0x0  }
0x1e4: {  	[sflag:s0] =	ssyncadd.s32 @!p0 s1  }
0x1e5: {  	[bflag:$0x3] =	sbarrier.arrive $0xFFFF  }
0x1e6: {  	_ =	shalt  }

</sc_bundles>
